<compile_context>
chip_gen: v7x
topology: tpu7x:2x2x1
jax: 0.10.2.dev20260603
libtpu: 0.0.44.dev20260713+nightly
codegen_flags: <defaults>
</compile_context>

<pallas_src>
import functools

import jax
from jax import lax
import jax.numpy as jnp
from jax.experimental import pallas as pl
from jax.experimental.pallas import tpu as pltpu
from jax.experimental.pallas import tpu_sc as plsc

_E = 8
_EPS = 0.2
_LANES = 16
_WPAD = 128
_NW = 32
_C = 3584

_SORT_NET = [
    (0, 1), (2, 3), (4, 5), (6, 7),
    (0, 2), (1, 3), (4, 6), (5, 7),
    (1, 2), (5, 6), (0, 4), (3, 7),
    (1, 5), (2, 6),
    (1, 4), (3, 6),
    (2, 4), (3, 5),
    (3, 4),
]


def _routing_body(x_ref, wsel_ref, bsel_ref, weff_ref, cost_ref):
    x = x_ref[...]
    logits = jax.lax.dot_general(
        x, wsel_ref[...], (((1,), (1,)), ((), ())),
        preferred_element_type=jnp.float32) + bsel_ref[...]
    m = jnp.max(logits, axis=1, keepdims=True)
    ex = jnp.exp(logits - m)
    w = ex / jnp.sum(ex, axis=1, keepdims=True)

    ws = [w[:, j:j + 1] for j in range(_E)]
    ids = [jnp.full(ws[0].shape, j, dtype=jnp.int32) for j in range(_E)]
    for a, b in _SORT_NET:
        wa, wb = ws[a], ws[b]
        ia, ib = ids[a], ids[b]
        swap = (wb > wa) | ((wb == wa) & (ib < ia))
        ws[a] = jnp.where(swap, wb, wa)
        ws[b] = jnp.where(swap, wa, wb)
        ids[a] = jnp.where(swap, ib, ia)
        ids[b] = jnp.where(swap, ia, ib)

    cum = [ws[0]]
    for k in range(1, _E):
        cum.append(cum[-1] + ws[k])

    lim = jnp.float32(1.0 - _EPS)
    sp = []
    for k in range(_E):
        nxt = cum[k + 1] if k < _E - 1 else jnp.full(cum[0].shape, 1.0, jnp.float32)
        sp.append(jax.nn.relu(jnp.minimum(nxt, lim) - cum[k]))

    cost = sp[_E - 1]
    for k in range(_E - 1):
        cost = cost + jnp.where(sp[k + 1] > 0, jnp.float32(1.0), sp[k])

    weff_cols = []
    for k in range(_E):
        col = jnp.zeros(cum[0].shape, jnp.float32)
        for j in range(_E):
            col = jnp.where(ids[k] == j, sp[j], col)
        weff_cols.append(col)
    zero = jnp.zeros(cum[0].shape, jnp.float32)
    weff_cols.extend([zero] * (_WPAD - _E))

    weff_ref[...] = jnp.concatenate(weff_cols, axis=1)
    cost_ref[...] = cost


def _combine_body(weff_ref, x_ref, wexp_ref, bexp_ref, out_ref):
    e = pl.program_id(1)
    d = jax.lax.dot_general(
        x_ref[...], wexp_ref[0], (((1,), (1,)), ((), ())),
        preferred_element_type=jnp.float32)
    weff = weff_ref[...]
    lane = jax.lax.broadcasted_iota(jnp.int32, weff.shape, 1)
    wcol = jnp.sum(jnp.where(lane == e, weff, 0.0), axis=1, keepdims=True)
    contrib = wcol * (d + bexp_ref[0])

    @pl.when(e == 0)
    def _init():
        out_ref[...] = contrib

    @pl.when(e != 0)
    def _acc():
        out_ref[...] += contrib


def _dense_combine(weff, xb, wexp_b, bexp, n, nin, nout):
    ctb = 2048
    return pl.pallas_call(
        _combine_body,
        grid=(n // ctb, _E),
        in_specs=[
            pl.BlockSpec((ctb, _WPAD), lambda t, e: (t, 0)),
            pl.BlockSpec((ctb, nin), lambda t, e: (t, 0)),
            pl.BlockSpec((1, nout, nin), lambda t, e: (e, 0, 0)),
            pl.BlockSpec((1, 1, nout), lambda t, e: (e, 0, 0)),
        ],
        out_specs=pl.BlockSpec((ctb, nout), lambda t, e: (t, 0)),
        out_shape=jax.ShapeDtypeStruct((n, nout), jnp.float32),
        compiler_params=pltpu.CompilerParams(
            dimension_semantics=("parallel", "arbitrary")),
    )(weff, xb, wexp_b, bexp.reshape(_E, 1, nout))


def _wid():
    return lax.axis_index("s") * 2 + lax.axis_index("c")


def _sc_mesh():
    return plsc.VectorSubcoreMesh(core_axis_name="c", subcore_axis_name="s")


def _make_compact(n):
    nv = n // _LANES

    @functools.partial(
        pl.kernel,
        mesh=_sc_mesh(),
        out_type=[
            jax.ShapeDtypeStruct((_C,), jnp.int32),
            jax.ShapeDtypeStruct((n,), jnp.int32),
            jax.ShapeDtypeStruct((_LANES,), jnp.int32),
        ],
        scratch_types=[
            pltpu.VMEM((n,), jnp.float32),
            pltpu.VMEM((_C,), jnp.int32),
            pltpu.VMEM((n,), jnp.int32),
            pltpu.VMEM((_LANES,), jnp.int32),
        ],
        compiler_params=pltpu.CompilerParams(needs_layout_passes=False),
    )
    def compact(cost_hbm, idx_hbm, g_hbm, cnt_hbm, cost_v, idx_v, g_v, cnt_v):
        @pl.when(_wid() == 0)
        def _():
            pltpu.sync_copy(cost_hbm, cost_v)

            def init_body(j, carry):
                idx_v[pl.ds(j * _LANES, _LANES)] = jnp.zeros(
                    (_LANES,), jnp.int32)
                return carry
            lax.fori_loop(0, _C // _LANES, init_body, jnp.int32(0))

            def scan_body(i, offv):
                cvec = cost_v[pl.ds(i * _LANES, _LANES)]
                m = cvec > 0.0
                base = lax.broadcast(i * _LANES, (_LANES,))
                ids = lax.iota(jnp.int32, _LANES) + base
                cum = plsc.cumsum(m.astype(jnp.int32))
                pos = offv + cum - jnp.ones((_LANES,), jnp.int32)
                cap = jnp.full((_LANES,), _C, jnp.int32)
                m_ok = m & (pos < cap)
                plsc.store_scatter(idx_v, [pos], ids, mask=m_ok)
                zrow = cap + (ids & jnp.full((_LANES,), 255, jnp.int32))
                g_v[pl.ds(i * _LANES, _LANES)] = jnp.where(m_ok, pos, zrow)
                return offv + plsc.all_reduce_population_count(m)
            total = lax.fori_loop(0, nv, scan_body,
                                  jnp.zeros((_LANES,), jnp.int32))

            cnt_v[...] = total
            pltpu.sync_copy(idx_v, idx_hbm)
            pltpu.sync_copy(g_v, g_hbm)
            pltpu.sync_copy(cnt_v, cnt_hbm)

    return compact


def _make_gather(n, nin):
    pw = _C // _NW

    @functools.partial(
        pl.kernel,
        mesh=_sc_mesh(),
        out_type=[
            jax.ShapeDtypeStruct((_C, nin), jnp.float32),
            jax.ShapeDtypeStruct((_C, _WPAD), jnp.float32),
        ],
        scratch_types=[
            pltpu.VMEM((pw,), jnp.int32),
            pltpu.VMEM((pw, nin), jnp.float32),
            pltpu.VMEM((pw, _WPAD), jnp.float32),
            pltpu.SemaphoreType.DMA,
            pltpu.SemaphoreType.DMA,
        ],
    )
    def gather(x_hbm, weff_hbm, idx_hbm, xc_hbm, wc_hbm,
               idx_v, rows_v, wrow_v, sem1, sem2):
        base = _wid() * pw
        pltpu.sync_copy(idx_hbm.at[pl.ds(base, pw)], idx_v)
        cp1 = pltpu.async_copy(x_hbm.at[idx_v], rows_v, sem1)
        cp2 = pltpu.async_copy(weff_hbm.at[idx_v], wrow_v, sem2)
        cp1.wait()
        cp2.wait()
        pltpu.sync_copy(rows_v, xc_hbm.at[pl.ds(base, pw)])
        pltpu.sync_copy(wrow_v, wc_hbm.at[pl.ds(base, pw)])

    return gather


def _make_finalize(n, nout):
    pw = n // _NW
    chunk = 32
    nchunk = pw // chunk

    @functools.partial(
        pl.kernel,
        mesh=_sc_mesh(),
        out_type=jax.ShapeDtypeStruct((n, nout), jnp.float32),
        scratch_types=[
            pltpu.VMEM((pw,), jnp.int32),
            pltpu.VMEM((chunk, nout), jnp.float32),
            pltpu.VMEM((chunk, nout), jnp.float32),
            pltpu.SemaphoreType.DMA,
            pltpu.SemaphoreType.DMA,
        ],
    )
    def finalize(yc_hbm, g_hbm, out_hbm, g_v, buf0, buf1, sem0, sem1):
        base = _wid() * pw
        pltpu.sync_copy(g_hbm.at[pl.ds(base, pw)], g_v)
        bufs = (buf0, buf1)
        sems = (sem0, sem1)
        cps = [None, None]
        cps[0] = pltpu.async_copy(
            yc_hbm.at[g_v.at[pl.ds(0, chunk)]], buf0, sem0)
        for c in range(nchunk):
            nxt = c + 1
            if nxt < nchunk:
                cps[nxt % 2] = pltpu.async_copy(
                    yc_hbm.at[g_v.at[pl.ds(nxt * chunk, chunk)]],
                    bufs[nxt % 2], sems[nxt % 2])
            cps[c % 2].wait()
            pltpu.sync_copy(
                bufs[c % 2], out_hbm.at[pl.ds(base + c * chunk, chunk)])

    return finalize


@jax.jit
def kernel(x, Wsel, bsel, Wexp, bexp):
    n, nin = x.shape
    nout = Wexp.shape[1]
    tb = 512

    weff, cost = pl.pallas_call(
        _routing_body,
        grid=(n // tb,),
        in_specs=[
            pl.BlockSpec((tb, nin), lambda t: (t, 0)),
            pl.BlockSpec((_E, nin), lambda t: (0, 0)),
            pl.BlockSpec((1, _E), lambda t: (0, 0)),
        ],
        out_specs=[
            pl.BlockSpec((tb, _WPAD), lambda t: (t, 0)),
            pl.BlockSpec((tb, 1), lambda t: (t, 0)),
        ],
        out_shape=[
            jax.ShapeDtypeStruct((n, _WPAD), jnp.float32),
            jax.ShapeDtypeStruct((n, 1), jnp.float32),
        ],
        compiler_params=pltpu.CompilerParams(
            dimension_semantics=("parallel",)),
    )(x, Wsel, bsel.reshape(1, _E))

    wexp_b = Wexp.astype(jnp.bfloat16)

    idx, g, cnt = _make_compact(n)(cost.reshape(n))

    def sparse_path(_):
        xc, weffc = _make_gather(n, nin)(x, weff, idx)
        xcb = xc.astype(jnp.bfloat16)
        ctb = 1792
        yc = pl.pallas_call(
            _combine_body,
            grid=(_C // ctb, _E),
            in_specs=[
                pl.BlockSpec((ctb, _WPAD), lambda t, e: (t, 0)),
                pl.BlockSpec((ctb, nin), lambda t, e: (t, 0)),
                pl.BlockSpec((1, nout, nin), lambda t, e: (e, 0, 0)),
                pl.BlockSpec((1, 1, nout), lambda t, e: (e, 0, 0)),
            ],
            out_specs=pl.BlockSpec((ctb, nout), lambda t, e: (t, 0)),
            out_shape=jax.ShapeDtypeStruct((_C, nout), jnp.float32),
            compiler_params=pltpu.CompilerParams(
                dimension_semantics=("parallel", "arbitrary")),
        )(weffc, xcb, wexp_b, bexp.reshape(_E, 1, nout))
        yc_full = jnp.concatenate(
            [yc, jnp.zeros((256, nout), jnp.float32)], axis=0)
        return _make_finalize(n, nout)(yc_full, g)

    def dense_path(_):
        xb = x.astype(jnp.bfloat16)
        return _dense_combine(weff, xb, wexp_b, bexp, n, nin, nout)

    out = lax.cond(cnt[0] <= _C, sparse_path, dense_path, 0)
    return (out, cost.reshape(n))

# --- scband reference (transcript-rebuilt; emitter-appended) ---
"""Pipeline reference for scband-smo-e-47476568490359 (READ-ONLY COPY).

The authoritative reference and input builder live on the scoring server;
editing this copy changes nothing except your own understanding.
"""

import jax, jax.numpy as jnp
import numpy as np

E = 8
NIN = 1024
NOUT = 1024
N = 8192
EPS = 0.2
GEPS = 0.2
SF = 5.0


def setup_inputs(seed: int = 0) -> dict:
    key = jax.random.key(seed)
    k1, k2, k3, k4, k5 = jax.random.split(key, 5)
    x = jax.random.normal(k1, (N, NIN), dtype=jnp.float32)
    # selector: nn.Linear(nIn, E) with weight/bias scaled by sFactor
    Wsel = jax.random.normal(k2, (E, NIN), dtype=jnp.float32) * (SF / np.sqrt(NIN))
    bsel = jax.random.normal(k3, (E,), dtype=jnp.float32) * (SF / np.sqrt(NIN))
    # experts: E x nn.Linear(nIn, nOut), stacked
    Wexp = jax.random.normal(k4, (E, NOUT, NIN), dtype=jnp.float32) * (1.0 / np.sqrt(NIN))
    bexp = jax.random.normal(k5, (E, NOUT), dtype=jnp.float32) * (1.0 / np.sqrt(NIN))
    return {"x": x, "Wsel": Wsel, "bsel": bsel, "Wexp": Wexp, "bexp": bexp}


def reference(x, Wsel, bsel, Wexp, bexp):
    n = x.shape[0]
    # selector: Linear + Softmax
    logits = x @ Wsel.T + bsel
    weightMat = jax.nn.softmax(logits, axis=1)
    # --- sparse_MoE ---
    # sort descending along experts dim
    index = jnp.argsort(-weightMat, axis=1)
    topW = jnp.take_along_axis(weightMat, index, axis=1)
    cumW = jnp.cumsum(topW, axis=1)
    padded = jnp.concatenate([cumW[:, 1:], jnp.ones((n, 1), dtype=cumW.dtype)], axis=1)
    sparse_weight = jax.nn.relu(jnp.minimum(padded, 1.0 - EPS) - cumW)
    sw_shift = jnp.concatenate([sparse_weight[:, 1:], jnp.zeros((n, 1), dtype=sparse_weight.dtype)], axis=1)
    softCost = jnp.sum(jnp.where(sw_shift > 0, jnp.ones((), dtype=sparse_weight.dtype), sparse_weight), axis=1)
    # torch.gather(sparse_weight, 1, index)
    sparse_weight = jnp.take_along_axis(sparse_weight, index, axis=1)
    usage = sparse_weight > 0
    # column-normalized gradient-balancing mask
    g = weightMat / jnp.sum(weightMat, axis=0, keepdims=True)
    Gindex = jnp.argsort(-g, axis=0)
    topG = jnp.take_along_axis(g, Gindex, axis=0)
    GcumW = jnp.cumsum(topG, axis=0)
    gpad = jnp.concatenate([GcumW[1:, :], jnp.ones((1, g.shape[1]), dtype=GcumW.dtype)], axis=0)
    GSW = (jnp.minimum(gpad, 1.0 - GEPS) - GcumW) > 0
    usage = usage | jnp.take_along_axis(GSW, Gindex, axis=0)
    # scatter_add over selected tokens == masked weighted sum of expert outputs
    sw_eff = jnp.where(usage, sparse_weight, jnp.zeros((), dtype=sparse_weight.dtype))
    outputs = jnp.zeros((n, NOUT), dtype=x.dtype)
    for i in range(E):
        eout = x @ Wexp[i].T + bexp[i]
        outputs = outputs + sw_eff[:, i:i + 1] * eout
    return (outputs, softCost)

if __name__ == "__main__":
    import jax
    _d = setup_inputs()
    print(jax.jit(kernel)(*tuple(_d.values())))

</pallas_src>

<mosaic_0001>
#map = affine_map<(d0, d1) -> (0, 0)>
#map1 = affine_map<(d0, d1) -> (0)>
module attributes {stable_mosaic.version = 14 : i64} {
  func.func @finalize(%arg0: i32, %arg1: i32, %arg2: memref<3840x1024xf32, #tpu.memory_space<hbm>>, %arg3: memref<8192xi32, #tpu.memory_space<hbm>>, %arg4: memref<8192x1024xf32, #tpu.memory_space<hbm>>, %arg5: memref<256xi32, #tpu.memory_space<vmem>>, %arg6: memref<32x1024xf32, #tpu.memory_space<vmem>>, %arg7: memref<32x1024xf32, #tpu.memory_space<vmem>>, %arg8: memref<!tpu.dma_semaphore, #tpu.memory_space<semaphore_mem>>, %arg9: memref<!tpu.dma_semaphore, #tpu.memory_space<semaphore_mem>>) attributes {dimension_semantics = [#tpu.dimension_semantics<core_parallel>, #tpu.dimension_semantics<subcore_parallel>], iteration_bounds = array<i64: 2, 16>, scalar_prefetch = 0 : i64, scratch_operands = 5 : i64, tpu.core_type = #tpu.core_type<sc_vector_subcore>, window_params = [{transform_indices = #map}, {transform_indices = #map1}, {transform_indices = #map}]} {
    %mul3A = arith.constant 2 : i32
    %mul3A_0 = arith.muli %arg1, %mul3A : i32
    %add3A = arith.addi %mul3A_0, %arg0 : i32
    %mul3A_1 = arith.constant 256 : i32
    %mul3A_2 = arith.muli %add3A, %mul3A_1 : i32
    "tpu.region"() ({
      %run_scoped3A = tpu.sem_alloc : memref<!tpu.dma_semaphore, #tpu.memory_space<semaphore_mem>>
      %dma_start3A_97 = tpu.memref_slice %arg3[%mul3A_2] : memref<8192xi32, #tpu.memory_space<hbm>> -> memref<256xi32, #tpu.memory_space<hbm>>
      %dma_start3A_98 = tpu.memref_slice %arg3[%mul3A_2] : memref<8192xi32, #tpu.memory_space<hbm>> -> memref<256xi32, #tpu.memory_space<hbm>>
      tpu.enqueue_dma source(%dma_start3A_98 : memref<256xi32, #tpu.memory_space<hbm>>) target(%arg5 : memref<256xi32, #tpu.memory_space<vmem>>) target_semaphore(%run_scoped3A : memref<!tpu.dma_semaphore, #tpu.memory_space<semaphore_mem>>)
      %dma_wait3A_99 = tpu.memref_slice %arg3[%mul3A_2] : memref<8192xi32, #tpu.memory_space<hbm>> -> memref<256xi32, #tpu.memory_space<hbm>>
      %dma_wait3A_100 = tpu.memref_slice %arg3[%mul3A_2] : memref<8192xi32, #tpu.memory_space<hbm>> -> memref<256xi32, #tpu.memory_space<hbm>>
      tpu.wait_dma2 semaphore(%run_scoped3A : memref<!tpu.dma_semaphore, #tpu.memory_space<semaphore_mem>>) src(%dma_wait3A_100 : memref<256xi32, #tpu.memory_space<hbm>>) dst(%arg5 : memref<256xi32, #tpu.memory_space<vmem>>)
      tpu.yield
    }) : () -> ()
    %dma_start3A = arith.constant 0 : i32
    %dma_start3A_3 = tpu.memref_slice %arg5[%dma_start3A] : memref<256xi32, #tpu.memory_space<vmem>> -> memref<32xi32, #tpu.memory_space<vmem>>
    %dma_start3A_4 = arith.constant 0 : i32
    %dma_start3A_5 = arith.constant 0 : i32
    %dma_start3A_6 = tpu.memref_slice %arg2[%dma_start3A_4, %dma_start3A_5] : memref<3840x1024xf32, #tpu.memory_space<hbm>> -> memref<3840x1024xf32, #tpu.memory_space<hbm>>
    tpu.enqueue_indirect_dma source(%dma_start3A_6 : memref<3840x1024xf32, #tpu.memory_space<hbm>>) target(%arg6 : memref<32x1024xf32, #tpu.memory_space<vmem>>) offsets(%dma_start3A_3 : memref<32xi32, #tpu.memory_space<vmem>>) semaphore(%arg8 : memref<!tpu.dma_semaphore, #tpu.memory_space<semaphore_mem>>)
    %dma_start3A_7 = arith.constant 32 : i32
    %dma_start3A_8 = tpu.memref_slice %arg5[%dma_start3A_7] : memref<256xi32, #tpu.memory_space<vmem>> -> memref<32xi32, #tpu.memory_space<vmem>>
    %dma_start3A_9 = arith.constant 0 : i32
    %dma_start3A_10 = arith.constant 0 : i32
    %dma_start3A_11 = tpu.memref_slice %arg2[%dma_start3A_9, %dma_start3A_10] : memref<3840x1024xf32, #tpu.memory_space<hbm>> -> memref<3840x1024xf32, #tpu.memory_space<hbm>>
    tpu.enqueue_indirect_dma source(%dma_start3A_11 : memref<3840x1024xf32, #tpu.memory_space<hbm>>) target(%arg7 : memref<32x1024xf32, #tpu.memory_space<vmem>>) offsets(%dma_start3A_8 : memref<32xi32, #tpu.memory_space<vmem>>) semaphore(%arg9 : memref<!tpu.dma_semaphore, #tpu.memory_space<semaphore_mem>>)
    %dma_wait3A = arith.constant 0 : i32
    %dma_wait3A_12 = tpu.memref_slice %arg5[%dma_wait3A] : memref<256xi32, #tpu.memory_space<vmem>> -> memref<32xi32, #tpu.memory_space<vmem>>
    %dma_wait3A_13 = arith.constant 0 : i32
    %dma_wait3A_14 = arith.constant 0 : i32
    %dma_wait3A_15 = tpu.memref_slice %arg2[%dma_wait3A_13, %dma_wait3A_14] : memref<3840x1024xf32, #tpu.memory_space<hbm>> -> memref<3840x1024xf32, #tpu.memory_space<hbm>>
    tpu.wait_indirect_dma semaphore(%arg8 : memref<!tpu.dma_semaphore, #tpu.memory_space<semaphore_mem>>) src(%dma_wait3A_15 : memref<3840x1024xf32, #tpu.memory_space<hbm>>) dst(%arg6 : memref<32x1024xf32, #tpu.memory_space<vmem>>)
    %add3A_16 = arith.constant 0 : i32
    %add3A_17 = arith.addi %mul3A_2, %add3A_16 : i32
    "tpu.region"() ({
      %run_scoped3A = tpu.sem_alloc : memref<!tpu.dma_semaphore, #tpu.memory_space<semaphore_mem>>
      %dma_start3A_97 = arith.constant 0 : i32
      %dma_start3A_98 = tpu.memref_slice %arg4[%add3A_17, %dma_start3A_97] : memref<8192x1024xf32, #tpu.memory_space<hbm>> -> memref<32x1024xf32, #tpu.memory_space<hbm>>
      %dma_start3A_99 = arith.constant 0 : i32
      %dma_start3A_100 = tpu.memref_slice %arg4[%add3A_17, %dma_start3A_99] : memref<8192x1024xf32, #tpu.memory_space<hbm>> -> memref<32x1024xf32, #tpu.memory_space<hbm>>
      tpu.enqueue_dma source(%arg6 : memref<32x1024xf32, #tpu.memory_space<vmem>>) target(%dma_start3A_100 : memref<32x1024xf32, #tpu.memory_space<hbm>>) target_semaphore(%run_scoped3A : memref<!tpu.dma_semaphore, #tpu.memory_space<semaphore_mem>>)
      %dma_wait3A_101 = arith.constant 0 : i32
      %dma_wait3A_102 = tpu.memref_slice %arg4[%add3A_17, %dma_wait3A_101] : memref<8192x1024xf32, #tpu.memory_space<hbm>> -> memref<32x1024xf32, #tpu.memory_space<hbm>>
      %dma_wait3A_103 = arith.constant 0 : i32
      %dma_wait3A_104 = tpu.memref_slice %arg4[%add3A_17, %dma_wait3A_103] : memref<8192x1024xf32, #tpu.memory_space<hbm>> -> memref<32x1024xf32, #tpu.memory_space<hbm>>
      tpu.wait_dma2 semaphore(%run_scoped3A : memref<!tpu.dma_semaphore, #tpu.memory_space<semaphore_mem>>) src(%arg6 : memref<32x1024xf32, #tpu.memory_space<vmem>>) dst(%dma_wait3A_104 : memref<32x1024xf32, #tpu.memory_space<hbm>>)
      tpu.yield
    }) : () -> ()
    %dma_start3A_18 = arith.constant 64 : i32
    %dma_start3A_19 = tpu.memref_slice %arg5[%dma_start3A_18] : memref<256xi32, #tpu.memory_space<vmem>> -> memref<32xi32, #tpu.memory_space<vmem>>
    %dma_start3A_20 = arith.constant 0 : i32
    %dma_start3A_21 = arith.constant 0 : i32
    %dma_start3A_22 = tpu.memref_slice %arg2[%dma_start3A_20, %dma_start3A_21] : memref<3840x1024xf32, #tpu.memory_space<hbm>> -> memref<3840x1024xf32, #tpu.memory_space<hbm>>
    tpu.enqueue_indirect_dma source(%dma_start3A_22 : memref<3840x1024xf32, #tpu.memory_space<hbm>>) target(%arg6 : memref<32x1024xf32, #tpu.memory_space<vmem>>) offsets(%dma_start3A_19 : memref<32xi32, #tpu.memory_space<vmem>>) semaphore(%arg8 : memref<!tpu.dma_semaphore, #tpu.memory_space<semaphore_mem>>)
    %dma_wait3A_23 = arith.constant 32 : i32
    %dma_wait3A_24 = tpu.memref_slice %arg5[%dma_wait3A_23] : memref<256xi32, #tpu.memory_space<vmem>> -> memref<32xi32, #tpu.memory_space<vmem>>
    %dma_wait3A_25 = arith.constant 0 : i32
    %dma_wait3A_26 = arith.constant 0 : i32
    %dma_wait3A_27 = tpu.memref_slice %arg2[%dma_wait3A_25, %dma_wait3A_26] : memref<3840x1024xf32, #tpu.memory_space<hbm>> -> memref<3840x1024xf32, #tpu.memory_space<hbm>>
    tpu.wait_indirect_dma semaphore(%arg9 : memref<!tpu.dma_semaphore, #tpu.memory_space<semaphore_mem>>) src(%dma_wait3A_27 : memref<3840x1024xf32, #tpu.memory_space<hbm>>) dst(%arg7 : memref<32x1024xf32, #tpu.memory_space<vmem>>)
    %add3A_28 = arith.constant 32 : i32
    %add3A_29 = arith.addi %mul3A_2, %add3A_28 : i32
    "tpu.region"() ({
      %run_scoped3A = tpu.sem_alloc : memref<!tpu.dma_semaphore, #tpu.memory_space<semaphore_mem>>
      %dma_start3A_97 = arith.constant 0 : i32
      %dma_start3A_98 = tpu.memref_slice %arg4[%add3A_29, %dma_start3A_97] : memref<8192x1024xf32, #tpu.memory_space<hbm>> -> memref<32x1024xf32, #tpu.memory_space<hbm>>
      %dma_start3A_99 = arith.constant 0 : i32
      %dma_start3A_100 = tpu.memref_slice %arg4[%add3A_29, %dma_start3A_99] : memref<8192x1024xf32, #tpu.memory_space<hbm>> -> memref<32x1024xf32, #tpu.memory_space<hbm>>
      tpu.enqueue_dma source(%arg7 : memref<32x1024xf32, #tpu.memory_space<vmem>>) target(%dma_start3A_100 : memref<32x1024xf32, #tpu.memory_space<hbm>>) target_semaphore(%run_scoped3A : memref<!tpu.dma_semaphore, #tpu.memory_space<semaphore_mem>>)
      %dma_wait3A_101 = arith.constant 0 : i32
      %dma_wait3A_102 = tpu.memref_slice %arg4[%add3A_29, %dma_wait3A_101] : memref<8192x1024xf32, #tpu.memory_space<hbm>> -> memref<32x1024xf32, #tpu.memory_space<hbm>>
      %dma_wait3A_103 = arith.constant 0 : i32
      %dma_wait3A_104 = tpu.memref_slice %arg4[%add3A_29, %dma_wait3A_103] : memref<8192x1024xf32, #tpu.memory_space<hbm>> -> memref<32x1024xf32, #tpu.memory_space<hbm>>
      tpu.wait_dma2 semaphore(%run_scoped3A : memref<!tpu.dma_semaphore, #tpu.memory_space<semaphore_mem>>) src(%arg7 : memref<32x1024xf32, #tpu.memory_space<vmem>>) dst(%dma_wait3A_104 : memref<32x1024xf32, #tpu.memory_space<hbm>>)
      tpu.yield
    }) : () -> ()
    %dma_start3A_30 = arith.constant 96 : i32
    %dma_start3A_31 = tpu.memref_slice %arg5[%dma_start3A_30] : memref<256xi32, #tpu.memory_space<vmem>> -> memref<32xi32, #tpu.memory_space<vmem>>
    %dma_start3A_32 = arith.constant 0 : i32
    %dma_start3A_33 = arith.constant 0 : i32
    %dma_start3A_34 = tpu.memref_slice %arg2[%dma_start3A_32, %dma_start3A_33] : memref<3840x1024xf32, #tpu.memory_space<hbm>> -> memref<3840x1024xf32, #tpu.memory_space<hbm>>
    tpu.enqueue_indirect_dma source(%dma_start3A_34 : memref<3840x1024xf32, #tpu.memory_space<hbm>>) target(%arg7 : memref<32x1024xf32, #tpu.memory_space<vmem>>) offsets(%dma_start3A_31 : memref<32xi32, #tpu.memory_space<vmem>>) semaphore(%arg9 : memref<!tpu.dma_semaphore, #tpu.memory_space<semaphore_mem>>)
    %dma_wait3A_35 = arith.constant 64 : i32
    %dma_wait3A_36 = tpu.memref_slice %arg5[%dma_wait3A_35] : memref<256xi32, #tpu.memory_space<vmem>> -> memref<32xi32, #tpu.memory_space<vmem>>
    %dma_wait3A_37 = arith.constant 0 : i32
    %dma_wait3A_38 = arith.constant 0 : i32
    %dma_wait3A_39 = tpu.memref_slice %arg2[%dma_wait3A_37, %dma_wait3A_38] : memref<3840x1024xf32, #tpu.memory_space<hbm>> -> memref<3840x1024xf32, #tpu.memory_space<hbm>>
    tpu.wait_indirect_dma semaphore(%arg8 : memref<!tpu.dma_semaphore, #tpu.memory_space<semaphore_mem>>) src(%dma_wait3A_39 : memref<3840x1024xf32, #tpu.memory_space<hbm>>) dst(%arg6 : memref<32x1024xf32, #tpu.memory_space<vmem>>)
    %add3A_40 = arith.constant 64 : i32
    %add3A_41 = arith.addi %mul3A_2, %add3A_40 : i32
    "tpu.region"() ({
      %run_scoped3A = tpu.sem_alloc : memref<!tpu.dma_semaphore, #tpu.memory_space<semaphore_mem>>
      %dma_start3A_97 = arith.constant 0 : i32
      %dma_start3A_98 = tpu.memref_slice %arg4[%add3A_41, %dma_start3A_97] : memref<8192x1024xf32, #tpu.memory_space<hbm>> -> memref<32x1024xf32, #tpu.memory_space<hbm>>
      %dma_start3A_99 = arith.constant 0 : i32
      %dma_start3A_100 = tpu.memref_slice %arg4[%add3A_41, %dma_start3A_99] : memref<8192x1024xf32, #tpu.memory_space<hbm>> -> memref<32x1024xf32, #tpu.memory_space<hbm>>
      tpu.enqueue_dma source(%arg6 : memref<32x1024xf32, #tpu.memory_space<vmem>>) target(%dma_start3A_100 : memref<32x1024xf32, #tpu.memory_space<hbm>>) target_semaphore(%run_scoped3A : memref<!tpu.dma_semaphore, #tpu.memory_space<semaphore_mem>>)
      %dma_wait3A_101 = arith.constant 0 : i32
      %dma_wait3A_102 = tpu.memref_slice %arg4[%add3A_41, %dma_wait3A_101] : memref<8192x1024xf32, #tpu.memory_space<hbm>> -> memref<32x1024xf32, #tpu.memory_space<hbm>>
      %dma_wait3A_103 = arith.constant 0 : i32
      %dma_wait3A_104 = tpu.memref_slice %arg4[%add3A_41, %dma_wait3A_103] : memref<8192x1024xf32, #tpu.memory_space<hbm>> -> memref<32x1024xf32, #tpu.memory_space<hbm>>
      tpu.wait_dma2 semaphore(%run_scoped3A : memref<!tpu.dma_semaphore, #tpu.memory_space<semaphore_mem>>) src(%arg6 : memref<32x1024xf32, #tpu.memory_space<vmem>>) dst(%dma_wait3A_104 : memref<32x1024xf32, #tpu.memory_space<hbm>>)
      tpu.yield
    }) : () -> ()
    %dma_start3A_42 = arith.constant 128 : i32
    %dma_start3A_43 = tpu.memref_slice %arg5[%dma_start3A_42] : memref<256xi32, #tpu.memory_space<vmem>> -> memref<32xi32, #tpu.memory_space<vmem>>
    %dma_start3A_44 = arith.constant 0 : i32
    %dma_start3A_45 = arith.constant 0 : i32
    %dma_start3A_46 = tpu.memref_slice %arg2[%dma_start3A_44, %dma_start3A_45] : memref<3840x1024xf32, #tpu.memory_space<hbm>> -> memref<3840x1024xf32, #tpu.memory_space<hbm>>
    tpu.enqueue_indirect_dma source(%dma_start3A_46 : memref<3840x1024xf32, #tpu.memory_space<hbm>>) target(%arg6 : memref<32x1024xf32, #tpu.memory_space<vmem>>) offsets(%dma_start3A_43 : memref<32xi32, #tpu.memory_space<vmem>>) semaphore(%arg8 : memref<!tpu.dma_semaphore, #tpu.memory_space<semaphore_mem>>)
    %dma_wait3A_47 = arith.constant 96 : i32
    %dma_wait3A_48 = tpu.memref_slice %arg5[%dma_wait3A_47] : memref<256xi32, #tpu.memory_space<vmem>> -> memref<32xi32, #tpu.memory_space<vmem>>
    %dma_wait3A_49 = arith.constant 0 : i32
    %dma_wait3A_50 = arith.constant 0 : i32
    %dma_wait3A_51 = tpu.memref_slice %arg2[%dma_wait3A_49, %dma_wait3A_50] : memref<3840x1024xf32, #tpu.memory_space<hbm>> -> memref<3840x1024xf32, #tpu.memory_space<hbm>>
    tpu.wait_indirect_dma semaphore(%arg9 : memref<!tpu.dma_semaphore, #tpu.memory_space<semaphore_mem>>) src(%dma_wait3A_51 : memref<3840x1024xf32, #tpu.memory_space<hbm>>) dst(%arg7 : memref<32x1024xf32, #tpu.memory_space<vmem>>)
    %add3A_52 = arith.constant 96 : i32
    %add3A_53 = arith.addi %mul3A_2, %add3A_52 : i32
    "tpu.region"() ({
      %run_scoped3A = tpu.sem_alloc : memref<!tpu.dma_semaphore, #tpu.memory_space<semaphore_mem>>
      %dma_start3A_97 = arith.constant 0 : i32
      %dma_start3A_98 = tpu.memref_slice %arg4[%add3A_53, %dma_start3A_97] : memref<8192x1024xf32, #tpu.memory_space<hbm>> -> memref<32x1024xf32, #tpu.memory_space<hbm>>
      %dma_start3A_99 = arith.constant 0 : i32
      %dma_start3A_100 = tpu.memref_slice %arg4[%add3A_53, %dma_start3A_99] : memref<8192x1024xf32, #tpu.memory_space<hbm>> -> memref<32x1024xf32, #tpu.memory_space<hbm>>
      tpu.enqueue_dma source(%arg7 : memref<32x1024xf32, #tpu.memory_space<vmem>>) target(%dma_start3A_100 : memref<32x1024xf32, #tpu.memory_space<hbm>>) target_semaphore(%run_scoped3A : memref<!tpu.dma_semaphore, #tpu.memory_space<semaphore_mem>>)
      %dma_wait3A_101 = arith.constant 0 : i32
      %dma_wait3A_102 = tpu.memref_slice %arg4[%add3A_53, %dma_wait3A_101] : memref<8192x1024xf32, #tpu.memory_space<hbm>> -> memref<32x1024xf32, #tpu.memory_space<hbm>>
      %dma_wait3A_103 = arith.constant 0 : i32
      %dma_wait3A_104 = tpu.memref_slice %arg4[%add3A_53, %dma_wait3A_103] : memref<8192x1024xf32, #tpu.memory_space<hbm>> -> memref<32x1024xf32, #tpu.memory_space<hbm>>
      tpu.wait_dma2 semaphore(%run_scoped3A : memref<!tpu.dma_semaphore, #tpu.memory_space<semaphore_mem>>) src(%arg7 : memref<32x1024xf32, #tpu.memory_space<vmem>>) dst(%dma_wait3A_104 : memref<32x1024xf32, #tpu.memory_space<hbm>>)
      tpu.yield
    }) : () -> ()
    %dma_start3A_54 = arith.constant 160 : i32
    %dma_start3A_55 = tpu.memref_slice %arg5[%dma_start3A_54] : memref<256xi32, #tpu.memory_space<vmem>> -> memref<32xi32, #tpu.memory_space<vmem>>
    %dma_start3A_56 = arith.constant 0 : i32
    %dma_start3A_57 = arith.constant 0 : i32
    %dma_start3A_58 = tpu.memref_slice %arg2[%dma_start3A_56, %dma_start3A_57] : memref<3840x1024xf32, #tpu.memory_space<hbm>> -> memref<3840x1024xf32, #tpu.memory_space<hbm>>
    tpu.enqueue_indirect_dma source(%dma_start3A_58 : memref<3840x1024xf32, #tpu.memory_space<hbm>>) target(%arg7 : memref<32x1024xf32, #tpu.memory_space<vmem>>) offsets(%dma_start3A_55 : memref<32xi32, #tpu.memory_space<vmem>>) semaphore(%arg9 : memref<!tpu.dma_semaphore, #tpu.memory_space<semaphore_mem>>)
    %dma_wait3A_59 = arith.constant 128 : i32
    %dma_wait3A_60 = tpu.memref_slice %arg5[%dma_wait3A_59] : memref<256xi32, #tpu.memory_space<vmem>> -> memref<32xi32, #tpu.memory_space<vmem>>
    %dma_wait3A_61 = arith.constant 0 : i32
    %dma_wait3A_62 = arith.constant 0 : i32
    %dma_wait3A_63 = tpu.memref_slice %arg2[%dma_wait3A_61, %dma_wait3A_62] : memref<3840x1024xf32, #tpu.memory_space<hbm>> -> memref<3840x1024xf32, #tpu.memory_space<hbm>>
    tpu.wait_indirect_dma semaphore(%arg8 : memref<!tpu.dma_semaphore, #tpu.memory_space<semaphore_mem>>) src(%dma_wait3A_63 : memref<3840x1024xf32, #tpu.memory_space<hbm>>) dst(%arg6 : memref<32x1024xf32, #tpu.memory_space<vmem>>)
    %add3A_64 = arith.constant 128 : i32
    %add3A_65 = arith.addi %mul3A_2, %add3A_64 : i32
    "tpu.region"() ({
      %run_scoped3A = tpu.sem_alloc : memref<!tpu.dma_semaphore, #tpu.memory_space<semaphore_mem>>
      %dma_start3A_97 = arith.constant 0 : i32
      %dma_start3A_98 = tpu.memref_slice %arg4[%add3A_65, %dma_start3A_97] : memref<8192x1024xf32, #tpu.memory_space<hbm>> -> memref<32x1024xf32, #tpu.memory_space<hbm>>
      %dma_start3A_99 = arith.constant 0 : i32
      %dma_start3A_100 = tpu.memref_slice %arg4[%add3A_65, %dma_start3A_99] : memref<8192x1024xf32, #tpu.memory_space<hbm>> -> memref<32x1024xf32, #tpu.memory_space<hbm>>
      tpu.enqueue_dma source(%arg6 : memref<32x1024xf32, #tpu.memory_space<vmem>>) target(%dma_start3A_100 : memref<32x1024xf32, #tpu.memory_space<hbm>>) target_semaphore(%run_scoped3A : memref<!tpu.dma_semaphore, #tpu.memory_space<semaphore_mem>>)
      %dma_wait3A_101 = arith.constant 0 : i32
      %dma_wait3A_102 = tpu.memref_slice %arg4[%add3A_65, %dma_wait3A_101] : memref<8192x1024xf32, #tpu.memory_space<hbm>> -> memref<32x1024xf32, #tpu.memory_space<hbm>>
      %dma_wait3A_103 = arith.constant 0 : i32
      %dma_wait3A_104 = tpu.memref_slice %arg4[%add3A_65, %dma_wait3A_103] : memref<8192x1024xf32, #tpu.memory_space<hbm>> -> memref<32x1024xf32, #tpu.memory_space<hbm>>
      tpu.wait_dma2 semaphore(%run_scoped3A : memref<!tpu.dma_semaphore, #tpu.memory_space<semaphore_mem>>) src(%arg6 : memref<32x1024xf32, #tpu.memory_space<vmem>>) dst(%dma_wait3A_104 : memref<32x1024xf32, #tpu.memory_space<hbm>>)
      tpu.yield
    }) : () -> ()
    %dma_start3A_66 = arith.constant 192 : i32
    %dma_start3A_67 = tpu.memref_slice %arg5[%dma_start3A_66] : memref<256xi32, #tpu.memory_space<vmem>> -> memref<32xi32, #tpu.memory_space<vmem>>
    %dma_start3A_68 = arith.constant 0 : i32
    %dma_start3A_69 = arith.constant 0 : i32
    %dma_start3A_70 = tpu.memref_slice %arg2[%dma_start3A_68, %dma_start3A_69] : memref<3840x1024xf32, #tpu.memory_space<hbm>> -> memref<3840x1024xf32, #tpu.memory_space<hbm>>
    tpu.enqueue_indirect_dma source(%dma_start3A_70 : memref<3840x1024xf32, #tpu.memory_space<hbm>>) target(%arg6 : memref<32x1024xf32, #tpu.memory_space<vmem>>) offsets(%dma_start3A_67 : memref<32xi32, #tpu.memory_space<vmem>>) semaphore(%arg8 : memref<!tpu.dma_semaphore, #tpu.memory_space<semaphore_mem>>)
    %dma_wait3A_71 = arith.constant 160 : i32
    %dma_wait3A_72 = tpu.memref_slice %arg5[%dma_wait3A_71] : memref<256xi32, #tpu.memory_space<vmem>> -> memref<32xi32, #tpu.memory_space<vmem>>
    %dma_wait3A_73 = arith.constant 0 : i32
    %dma_wait3A_74 = arith.constant 0 : i32
    %dma_wait3A_75 = tpu.memref_slice %arg2[%dma_wait3A_73, %dma_wait3A_74] : memref<3840x1024xf32, #tpu.memory_space<hbm>> -> memref<3840x1024xf32, #tpu.memory_space<hbm>>
    tpu.wait_indirect_dma semaphore(%arg9 : memref<!tpu.dma_semaphore, #tpu.memory_space<semaphore_mem>>) src(%dma_wait3A_75 : memref<3840x1024xf32, #tpu.memory_space<hbm>>) dst(%arg7 : memref<32x1024xf32, #tpu.memory_space<vmem>>)
    %add3A_76 = arith.constant 160 : i32
    %add3A_77 = arith.addi %mul3A_2, %add3A_76 : i32
    "tpu.region"() ({
      %run_scoped3A = tpu.sem_alloc : memref<!tpu.dma_semaphore, #tpu.memory_space<semaphore_mem>>
      %dma_start3A_97 = arith.constant 0 : i32
      %dma_start3A_98 = tpu.memref_slice %arg4[%add3A_77, %dma_start3A_97] : memref<8192x1024xf32, #tpu.memory_space<hbm>> -> memref<32x1024xf32, #tpu.memory_space<hbm>>
      %dma_start3A_99 = arith.constant 0 : i32
      %dma_start3A_100 = tpu.memref_slice %arg4[%add3A_77, %dma_start3A_99] : memref<8192x1024xf32, #tpu.memory_space<hbm>> -> memref<32x1024xf32, #tpu.memory_space<hbm>>
      tpu.enqueue_dma source(%arg7 : memref<32x1024xf32, #tpu.memory_space<vmem>>) target(%dma_start3A_100 : memref<32x1024xf32, #tpu.memory_space<hbm>>) target_semaphore(%run_scoped3A : memref<!tpu.dma_semaphore, #tpu.memory_space<semaphore_mem>>)
      %dma_wait3A_101 = arith.constant 0 : i32
      %dma_wait3A_102 = tpu.memref_slice %arg4[%add3A_77, %dma_wait3A_101] : memref<8192x1024xf32, #tpu.memory_space<hbm>> -> memref<32x1024xf32, #tpu.memory_space<hbm>>
      %dma_wait3A_103 = arith.constant 0 : i32
      %dma_wait3A_104 = tpu.memref_slice %arg4[%add3A_77, %dma_wait3A_103] : memref<8192x1024xf32, #tpu.memory_space<hbm>> -> memref<32x1024xf32, #tpu.memory_space<hbm>>
      tpu.wait_dma2 semaphore(%run_scoped3A : memref<!tpu.dma_semaphore, #tpu.memory_space<semaphore_mem>>) src(%arg7 : memref<32x1024xf32, #tpu.memory_space<vmem>>) dst(%dma_wait3A_104 : memref<32x1024xf32, #tpu.memory_space<hbm>>)
      tpu.yield
    }) : () -> ()
    %dma_start3A_78 = arith.constant 224 : i32
    %dma_start3A_79 = tpu.memref_slice %arg5[%dma_start3A_78] : memref<256xi32, #tpu.memory_space<vmem>> -> memref<32xi32, #tpu.memory_space<vmem>>
    %dma_start3A_80 = arith.constant 0 : i32
    %dma_start3A_81 = arith.constant 0 : i32
    %dma_start3A_82 = tpu.memref_slice %arg2[%dma_start3A_80, %dma_start3A_81] : memref<3840x1024xf32, #tpu.memory_space<hbm>> -> memref<3840x1024xf32, #tpu.memory_space<hbm>>
    tpu.enqueue_indirect_dma source(%dma_start3A_82 : memref<3840x1024xf32, #tpu.memory_space<hbm>>) target(%arg7 : memref<32x1024xf32, #tpu.memory_space<vmem>>) offsets(%dma_start3A_79 : memref<32xi32, #tpu.memory_space<vmem>>) semaphore(%arg9 : memref<!tpu.dma_semaphore, #tpu.memory_space<semaphore_mem>>)
    %dma_wait3A_83 = arith.constant 192 : i32
    %dma_wait3A_84 = tpu.memref_slice %arg5[%dma_wait3A_83] : memref<256xi32, #tpu.memory_space<vmem>> -> memref<32xi32, #tpu.memory_space<vmem>>
    %dma_wait3A_85 = arith.constant 0 : i32
    %dma_wait3A_86 = arith.constant 0 : i32
    %dma_wait3A_87 = tpu.memref_slice %arg2[%dma_wait3A_85, %dma_wait3A_86] : memref<3840x1024xf32, #tpu.memory_space<hbm>> -> memref<3840x1024xf32, #tpu.memory_space<hbm>>
    tpu.wait_indirect_dma semaphore(%arg8 : memref<!tpu.dma_semaphore, #tpu.memory_space<semaphore_mem>>) src(%dma_wait3A_87 : memref<3840x1024xf32, #tpu.memory_space<hbm>>) dst(%arg6 : memref<32x1024xf32, #tpu.memory_space<vmem>>)
    %add3A_88 = arith.constant 192 : i32
    %add3A_89 = arith.addi %mul3A_2, %add3A_88 : i32
    "tpu.region"() ({
      %run_scoped3A = tpu.sem_alloc : memref<!tpu.dma_semaphore, #tpu.memory_space<semaphore_mem>>
      %dma_start3A_97 = arith.constant 0 : i32
      %dma_start3A_98 = tpu.memref_slice %arg4[%add3A_89, %dma_start3A_97] : memref<8192x1024xf32, #tpu.memory_space<hbm>> -> memref<32x1024xf32, #tpu.memory_space<hbm>>
      %dma_start3A_99 = arith.constant 0 : i32
      %dma_start3A_100 = tpu.memref_slice %arg4[%add3A_89, %dma_start3A_99] : memref<8192x1024xf32, #tpu.memory_space<hbm>> -> memref<32x1024xf32, #tpu.memory_space<hbm>>
      tpu.enqueue_dma source(%arg6 : memref<32x1024xf32, #tpu.memory_space<vmem>>) target(%dma_start3A_100 : memref<32x1024xf32, #tpu.memory_space<hbm>>) target_semaphore(%run_scoped3A : memref<!tpu.dma_semaphore, #tpu.memory_space<semaphore_mem>>)
      %dma_wait3A_101 = arith.constant 0 : i32
      %dma_wait3A_102 = tpu.memref_slice %arg4[%add3A_89, %dma_wait3A_101] : memref<8192x1024xf32, #tpu.memory_space<hbm>> -> memref<32x1024xf32, #tpu.memory_space<hbm>>
      %dma_wait3A_103 = arith.constant 0 : i32
      %dma_wait3A_104 = tpu.memref_slice %arg4[%add3A_89, %dma_wait3A_103] : memref<8192x1024xf32, #tpu.memory_space<hbm>> -> memref<32x1024xf32, #tpu.memory_space<hbm>>
      tpu.wait_dma2 semaphore(%run_scoped3A : memref<!tpu.dma_semaphore, #tpu.memory_space<semaphore_mem>>) src(%arg6 : memref<32x1024xf32, #tpu.memory_space<vmem>>) dst(%dma_wait3A_104 : memref<32x1024xf32, #tpu.memory_space<hbm>>)
      tpu.yield
    }) : () -> ()
    %dma_wait3A_90 = arith.constant 224 : i32
    %dma_wait3A_91 = tpu.memref_slice %arg5[%dma_wait3A_90] : memref<256xi32, #tpu.memory_space<vmem>> -> memref<32xi32, #tpu.memory_space<vmem>>
    %dma_wait3A_92 = arith.constant 0 : i32
    %dma_wait3A_93 = arith.constant 0 : i32
    %dma_wait3A_94 = tpu.memref_slice %arg2[%dma_wait3A_92, %dma_wait3A_93] : memref<3840x1024xf32, #tpu.memory_space<hbm>> -> memref<3840x1024xf32, #tpu.memory_space<hbm>>
    tpu.wait_indirect_dma semaphore(%arg9 : memref<!tpu.dma_semaphore, #tpu.memory_space<semaphore_mem>>) src(%dma_wait3A_94 : memref<3840x1024xf32, #tpu.memory_space<hbm>>) dst(%arg7 : memref<32x1024xf32, #tpu.memory_space<vmem>>)
    %add3A_95 = arith.constant 224 : i32
    %add3A_96 = arith.addi %mul3A_2, %add3A_95 : i32
    "tpu.region"() ({
      %run_scoped3A = tpu.sem_alloc : memref<!tpu.dma_semaphore, #tpu.memory_space<semaphore_mem>>
      %dma_start3A_97 = arith.constant 0 : i32
      %dma_start3A_98 = tpu.memref_slice %arg4[%add3A_96, %dma_start3A_97] : memref<8192x1024xf32, #tpu.memory_space<hbm>> -> memref<32x1024xf32, #tpu.memory_space<hbm>>
      %dma_start3A_99 = arith.constant 0 : i32
      %dma_start3A_100 = tpu.memref_slice %arg4[%add3A_96, %dma_start3A_99] : memref<8192x1024xf32, #tpu.memory_space<hbm>> -> memref<32x1024xf32, #tpu.memory_space<hbm>>
      tpu.enqueue_dma source(%arg7 : memref<32x1024xf32, #tpu.memory_space<vmem>>) target(%dma_start3A_100 : memref<32x1024xf32, #tpu.memory_space<hbm>>) target_semaphore(%run_scoped3A : memref<!tpu.dma_semaphore, #tpu.memory_space<semaphore_mem>>)
      %dma_wait3A_101 = arith.constant 0 : i32
      %dma_wait3A_102 = tpu.memref_slice %arg4[%add3A_96, %dma_wait3A_101] : memref<8192x1024xf32, #tpu.memory_space<hbm>> -> memref<32x1024xf32, #tpu.memory_space<hbm>>
      %dma_wait3A_103 = arith.constant 0 : i32
      %dma_wait3A_104 = tpu.memref_slice %arg4[%add3A_96, %dma_wait3A_103] : memref<8192x1024xf32, #tpu.memory_space<hbm>> -> memref<32x1024xf32, #tpu.memory_space<hbm>>
      tpu.wait_dma2 semaphore(%run_scoped3A : memref<!tpu.dma_semaphore, #tpu.memory_space<semaphore_mem>>) src(%arg7 : memref<32x1024xf32, #tpu.memory_space<vmem>>) dst(%dma_wait3A_104 : memref<32x1024xf32, #tpu.memory_space<hbm>>)
      tpu.yield
    }) : () -> ()
    return
  }
}

#map = affine_map<(d0, d1) -> (0, 0)>
#map1 = affine_map<(d0, d1) -> (0)>
module attributes {stable_mosaic.version = 14 : i64} {
  func.func @gather(%arg0: i32, %arg1: i32, %arg2: memref<8192x1024xf32, #tpu.memory_space<hbm>>, %arg3: memref<8192x128xf32, #tpu.memory_space<hbm>>, %arg4: memref<3584xi32, #tpu.memory_space<hbm>>, %arg5: memref<3584x1024xf32, #tpu.memory_space<hbm>>, %arg6: memref<3584x128xf32, #tpu.memory_space<hbm>>, %arg7: memref<112xi32, #tpu.memory_space<vmem>>, %arg8: memref<112x1024xf32, #tpu.memory_space<vmem>>, %arg9: memref<112x128xf32, #tpu.memory_space<vmem>>, %arg10: memref<!tpu.dma_semaphore, #tpu.memory_space<semaphore_mem>>, %arg11: memref<!tpu.dma_semaphore, #tpu.memory_space<semaphore_mem>>) attributes {dimension_semantics = [#tpu.dimension_semantics<core_parallel>, #tpu.dimension_semantics<subcore_parallel>], iteration_bounds = array<i64: 2, 16>, scalar_prefetch = 0 : i64, scratch_operands = 5 : i64, tpu.core_type = #tpu.core_type<sc_vector_subcore>, window_params = [{transform_indices = #map}, {transform_indices = #map}, {transform_indices = #map1}, {transform_indices = #map}, {transform_indices = #map}]} {
    %mul3A = arith.constant 2 : i32
    %mul3A_0 = arith.muli %arg1, %mul3A : i32
    %add3A = arith.addi %mul3A_0, %arg0 : i32
    %mul3A_1 = arith.constant 112 : i32
    %mul3A_2 = arith.muli %add3A, %mul3A_1 : i32
    "tpu.region"() ({
      %run_scoped3A = tpu.sem_alloc : memref<!tpu.dma_semaphore, #tpu.memory_space<semaphore_mem>>
      %dma_start3A_13 = tpu.memref_slice %arg4[%mul3A_2] : memref<3584xi32, #tpu.memory_space<hbm>> -> memref<112xi32, #tpu.memory_space<hbm>>
      %dma_start3A_14 = tpu.memref_slice %arg4[%mul3A_2] : memref<3584xi32, #tpu.memory_space<hbm>> -> memref<112xi32, #tpu.memory_space<hbm>>
      tpu.enqueue_dma source(%dma_start3A_14 : memref<112xi32, #tpu.memory_space<hbm>>) target(%arg7 : memref<112xi32, #tpu.memory_space<vmem>>) target_semaphore(%run_scoped3A : memref<!tpu.dma_semaphore, #tpu.memory_space<semaphore_mem>>)
      %dma_wait3A_15 = tpu.memref_slice %arg4[%mul3A_2] : memref<3584xi32, #tpu.memory_space<hbm>> -> memref<112xi32, #tpu.memory_space<hbm>>
      %dma_wait3A_16 = tpu.memref_slice %arg4[%mul3A_2] : memref<3584xi32, #tpu.memory_space<hbm>> -> memref<112xi32, #tpu.memory_space<hbm>>
      tpu.wait_dma2 semaphore(%run_scoped3A : memref<!tpu.dma_semaphore, #tpu.memory_space<semaphore_mem>>) src(%dma_wait3A_16 : memref<112xi32, #tpu.memory_space<hbm>>) dst(%arg7 : memref<112xi32, #tpu.memory_space<vmem>>)
      tpu.yield
    }) : () -> ()
    %dma_start3A = arith.constant 0 : i32
    %dma_start3A_3 = arith.constant 0 : i32
    %dma_start3A_4 = tpu.memref_slice %arg2[%dma_start3A, %dma_start3A_3] : memref<8192x1024xf32, #tpu.memory_space<hbm>> -> memref<8192x1024xf32, #tpu.memory_space<hbm>>
    tpu.enqueue_indirect_dma source(%dma_start3A_4 : memref<8192x1024xf32, #tpu.memory_space<hbm>>) target(%arg8 : memref<112x1024xf32, #tpu.memory_space<vmem>>) offsets(%arg7 : memref<112xi32, #tpu.memory_space<vmem>>) semaphore(%arg10 : memref<!tpu.dma_semaphore, #tpu.memory_space<semaphore_mem>>)
    %dma_start3A_5 = arith.constant 0 : i32
    %dma_start3A_6 = arith.constant 0 : i32
    %dma_start3A_7 = tpu.memref_slice %arg3[%dma_start3A_5, %dma_start3A_6] : memref<8192x128xf32, #tpu.memory_space<hbm>> -> memref<8192x128xf32, #tpu.memory_space<hbm>>
    tpu.enqueue_indirect_dma source(%dma_start3A_7 : memref<8192x128xf32, #tpu.memory_space<hbm>>) target(%arg9 : memref<112x128xf32, #tpu.memory_space<vmem>>) offsets(%arg7 : memref<112xi32, #tpu.memory_space<vmem>>) semaphore(%arg11 : memref<!tpu.dma_semaphore, #tpu.memory_space<semaphore_mem>>)
    %dma_wait3A = arith.constant 0 : i32
    %dma_wait3A_8 = arith.constant 0 : i32
    %dma_wait3A_9 = tpu.memref_slice %arg2[%dma_wait3A, %dma_wait3A_8] : memref<8192x1024xf32, #tpu.memory_space<hbm>> -> memref<8192x1024xf32, #tpu.memory_space<hbm>>
    tpu.wait_indirect_dma semaphore(%arg10 : memref<!tpu.dma_semaphore, #tpu.memory_space<semaphore_mem>>) src(%dma_wait3A_9 : memref<8192x1024xf32, #tpu.memory_space<hbm>>) dst(%arg8 : memref<112x1024xf32, #tpu.memory_space<vmem>>)
    %dma_wait3A_10 = arith.constant 0 : i32
    %dma_wait3A_11 = arith.constant 0 : i32
    %dma_wait3A_12 = tpu.memref_slice %arg3[%dma_wait3A_10, %dma_wait3A_11] : memref<8192x128xf32, #tpu.memory_space<hbm>> -> memref<8192x128xf32, #tpu.memory_space<hbm>>
    tpu.wait_indirect_dma semaphore(%arg11 : memref<!tpu.dma_semaphore, #tpu.memory_space<semaphore_mem>>) src(%dma_wait3A_12 : memref<8192x128xf32, #tpu.memory_space<hbm>>) dst(%arg9 : memref<112x128xf32, #tpu.memory_space<vmem>>)
    "tpu.region"() ({
      %run_scoped3A = tpu.sem_alloc : memref<!tpu.dma_semaphore, #tpu.memory_space<semaphore_mem>>
      %dma_start3A_13 = arith.constant 0 : i32
      %dma_start3A_14 = tpu.memref_slice %arg5[%mul3A_2, %dma_start3A_13] : memref<3584x1024xf32, #tpu.memory_space<hbm>> -> memref<112x1024xf32, #tpu.memory_space<hbm>>
      %dma_start3A_15 = arith.constant 0 : i32
      %dma_start3A_16 = tpu.memref_slice %arg5[%mul3A_2, %dma_start3A_15] : memref<3584x1024xf32, #tpu.memory_space<hbm>> -> memref<112x1024xf32, #tpu.memory_space<hbm>>
      tpu.enqueue_dma source(%arg8 : memref<112x1024xf32, #tpu.memory_space<vmem>>) target(%dma_start3A_16 : memref<112x1024xf32, #tpu.memory_space<hbm>>) target_semaphore(%run_scoped3A : memref<!tpu.dma_semaphore, #tpu.memory_space<semaphore_mem>>)
      %dma_wait3A_17 = arith.constant 0 : i32
      %dma_wait3A_18 = tpu.memref_slice %arg5[%mul3A_2, %dma_wait3A_17] : memref<3584x1024xf32, #tpu.memory_space<hbm>> -> memref<112x1024xf32, #tpu.memory_space<hbm>>
      %dma_wait3A_19 = arith.constant 0 : i32
      %dma_wait3A_20 = tpu.memref_slice %arg5[%mul3A_2, %dma_wait3A_19] : memref<3584x1024xf32, #tpu.memory_space<hbm>> -> memref<112x1024xf32, #tpu.memory_space<hbm>>
      tpu.wait_dma2 semaphore(%run_scoped3A : memref<!tpu.dma_semaphore, #tpu.memory_space<semaphore_mem>>) src(%arg8 : memref<112x1024xf32, #tpu.memory_space<vmem>>) dst(%dma_wait3A_20 : memref<112x1024xf32, #tpu.memory_space<hbm>>)
      tpu.yield
    }) : () -> ()
    "tpu.region"() ({
      %run_scoped3A = tpu.sem_alloc : memref<!tpu.dma_semaphore, #tpu.memory_space<semaphore_mem>>
      %dma_start3A_13 = arith.constant 0 : i32
      %dma_start3A_14 = tpu.memref_slice %arg6[%mul3A_2, %dma_start3A_13] : memref<3584x128xf32, #tpu.memory_space<hbm>> -> memref<112x128xf32, #tpu.memory_space<hbm>>
      %dma_start3A_15 = arith.constant 0 : i32
      %dma_start3A_16 = tpu.memref_slice %arg6[%mul3A_2, %dma_start3A_15] : memref<3584x128xf32, #tpu.memory_space<hbm>> -> memref<112x128xf32, #tpu.memory_space<hbm>>
      tpu.enqueue_dma source(%arg9 : memref<112x128xf32, #tpu.memory_space<vmem>>) target(%dma_start3A_16 : memref<112x128xf32, #tpu.memory_space<hbm>>) target_semaphore(%run_scoped3A : memref<!tpu.dma_semaphore, #tpu.memory_space<semaphore_mem>>)
      %dma_wait3A_17 = arith.constant 0 : i32
      %dma_wait3A_18 = tpu.memref_slice %arg6[%mul3A_2, %dma_wait3A_17] : memref<3584x128xf32, #tpu.memory_space<hbm>> -> memref<112x128xf32, #tpu.memory_space<hbm>>
      %dma_wait3A_19 = arith.constant 0 : i32
      %dma_wait3A_20 = tpu.memref_slice %arg6[%mul3A_2, %dma_wait3A_19] : memref<3584x128xf32, #tpu.memory_space<hbm>> -> memref<112x128xf32, #tpu.memory_space<hbm>>
      tpu.wait_dma2 semaphore(%run_scoped3A : memref<!tpu.dma_semaphore, #tpu.memory_space<semaphore_mem>>) src(%arg9 : memref<112x128xf32, #tpu.memory_space<vmem>>) dst(%dma_wait3A_20 : memref<112x128xf32, #tpu.memory_space<hbm>>)
      tpu.yield
    }) : () -> ()
    return
  }
}

#map = affine_map<(d0, d1) -> (0)>
module attributes {stable_mosaic.version = 14 : i64} {
  func.func @compact(%arg0: i32, %arg1: i32, %arg2: memref<8192xf32, #tpu.memory_space<hbm>>, %arg3: memref<3584xi32, #tpu.memory_space<hbm>>, %arg4: memref<8192xi32, #tpu.memory_space<hbm>>, %arg5: memref<16xi32, #tpu.memory_space<hbm>>, %arg6: memref<8192xf32, #tpu.memory_space<vmem>>, %arg7: memref<3584xi32, #tpu.memory_space<vmem>>, %arg8: memref<8192xi32, #tpu.memory_space<vmem>>, %arg9: memref<16xi32, #tpu.memory_space<vmem>>) attributes {dimension_semantics = [#tpu.dimension_semantics<core_parallel>, #tpu.dimension_semantics<subcore_parallel>], iteration_bounds = array<i64: 2, 16>, scalar_prefetch = 0 : i64, scratch_operands = 4 : i64, tpu.core_type = #tpu.core_type<sc_vector_subcore>, window_params = [{transform_indices = #map}, {transform_indices = #map}, {transform_indices = #map}, {transform_indices = #map}]} {
    %mul3A = arith.constant 2 : i32
    %mul3A_0 = arith.muli %arg1, %mul3A : i32
    %add3A = arith.addi %mul3A_0, %arg0 : i32
    %eq3A = arith.constant 0 : i32
    %eq3A_1 = arith.cmpi eq, %add3A, %eq3A : i32
    %convert_element_type3A = arith.extui %eq3A_1 : i1 to i32
    %cond3A = arith.constant 0 : i32
    %cond3A_2 = arith.cmpi ne, %convert_element_type3A, %cond3A : i32
    scf.if %cond3A_2 {
      "tpu.region"() ({
        %run_scoped3A = tpu.sem_alloc : memref<!tpu.dma_semaphore, #tpu.memory_space<semaphore_mem>>
        tpu.enqueue_dma source(%arg2 : memref<8192xf32, #tpu.memory_space<hbm>>) target(%arg6 : memref<8192xf32, #tpu.memory_space<vmem>>) target_semaphore(%run_scoped3A : memref<!tpu.dma_semaphore, #tpu.memory_space<semaphore_mem>>)
        tpu.wait_dma2 semaphore(%run_scoped3A : memref<!tpu.dma_semaphore, #tpu.memory_space<semaphore_mem>>) src(%arg2 : memref<8192xf32, #tpu.memory_space<hbm>>) dst(%arg6 : memref<8192xf32, #tpu.memory_space<vmem>>)
        tpu.yield
      }) : () -> ()
      %scan3A = arith.constant 0 : i32
      %scan3A_3 = arith.constant 0 : i32
      %scan3A_4 = arith.constant 224 : i32
      %scan3A_5 = arith.addi %scan3A_3, %scan3A_4 : i32
      %scan3A_6 = arith.constant 1 : i32
      scf.for %scan3A_16 = %scan3A_3 to %scan3A_5 step %scan3A_6  : i32 {
        %broadcast_in_dim3A_17 = arith.constant 0 : i32
        %broadcast_in_dim3A_18 = vector.broadcast %broadcast_in_dim3A_17 : i32 to vector<16xi32>
        %mul3A_19 = arith.constant 16 : i32
        %mul3A_20 = arith.muli %scan3A_16, %mul3A_19 : i32
        %swap3A_21 = arith.index_cast %mul3A_20 : i32 to index
        %swap3A_22 = tpu.vector_load %arg7[%swap3A_21] {strides = array<i32>} : memref<3584xi32, #tpu.memory_space<vmem>>, vector<16xi32>,
        tpu.vector_store %arg7[%swap3A_21], %broadcast_in_dim3A_18 {strides = array<i32>} : memref<3584xi32, #tpu.memory_space<vmem>>, vector<16xi32>,
      }
      %scan3A_7 = arith.constant 224 : i32
      %broadcast_in_dim3A = arith.constant 0 : i32
      %broadcast_in_dim3A_8 = vector.broadcast %broadcast_in_dim3A : i32 to vector<16xi32>
      %scan3A_9 = arith.constant 0 : i32
      %scan3A_10 = arith.constant 512 : i32
      %scan3A_11 = arith.addi %scan3A_9, %scan3A_10 : i32
      %scan3A_12 = arith.constant 1 : i32
      %scan3A_13 = scf.for %scan3A_16 = %scan3A_9 to %scan3A_11 step %scan3A_12 iter_args(%scan3A_17 = %broadcast_in_dim3A_8) -> (vector<16xi32>)  : i32 {
        %mul3A_18 = arith.constant 16 : i32
        %mul3A_19 = arith.muli %scan3A_16, %mul3A_18 : i32
        %get3A = arith.index_cast %mul3A_19 : i32 to index
        %get3A_20 = tpu.vector_load %arg6[%get3A] {strides = array<i32>} : memref<8192xf32, #tpu.memory_space<vmem>>, vector<16xf32>,
        %gt3A = arith.constant 0.000000e+00 : f32
        %gt3A_21 = vector.broadcast %gt3A : f32 to vector<16xf32>
        %gt3A_22 = arith.cmpf ogt, %get3A_20, %gt3A_21 : vector<16xf32>
        %mul3A_23 = arith.constant 16 : i32
        %mul3A_24 = arith.muli %scan3A_16, %mul3A_23 : i32
        %broadcast_in_dim3A_25 = vector.broadcast %mul3A_24 : i32 to vector<16xi32>
        %iota3A = tpu.iota {dimensions = array<i32: 0>} : vector<16xi32>
        %add3A_26 = arith.addi %iota3A, %broadcast_in_dim3A_25 : vector<16xi32>
        %convert_element_type3A_27 = arith.extui %gt3A_22 : vector<16xi1> to vector<16xi32>
        %broadcast_in_dim3A_28 = arith.constant true
        %broadcast_in_dim3A_29 = vector.broadcast %broadcast_in_dim3A_28 : i1 to vector<16xi1>
        %masked_cumsum3A = tpu.scan <sum>, %convert_element_type3A_27 masked %broadcast_in_dim3A_29 : vector<16xi32>, vector<16xi1> -> vector<16xi32>
        %add3A_30 = arith.addi %scan3A_17, %masked_cumsum3A : vector<16xi32>
        %broadcast_in_dim3A_31 = arith.constant 1 : i32
        %broadcast_in_dim3A_32 = vector.broadcast %broadcast_in_dim3A_31 : i32 to vector<16xi32>
        %sub3A = arith.subi %add3A_30, %broadcast_in_dim3A_32 : vector<16xi32>
        %broadcast_in_dim3A_33 = arith.constant 3584 : i32
        %broadcast_in_dim3A_34 = vector.broadcast %broadcast_in_dim3A_33 : i32 to vector<16xi32>
        %lt3A = arith.cmpi slt, %sub3A, %broadcast_in_dim3A_34 : vector<16xi32>
        %and3A = arith.andi %gt3A_22, %lt3A : vector<16xi1>
        tpu.vector_store_idx %arg7[%sub3A], %add3A_26 masked %and3A : memref<3584xi32, #tpu.memory_space<vmem>>[vector<16xi32>], vector<16xi32>, vector<16xi1>
        %broadcast_in_dim3A_35 = arith.constant 255 : i32
        %broadcast_in_dim3A_36 = vector.broadcast %broadcast_in_dim3A_35 : i32 to vector<16xi32>
        %and3A_37 = arith.andi %add3A_26, %broadcast_in_dim3A_36 : vector<16xi32>
        %add3A_38 = arith.addi %broadcast_in_dim3A_34, %and3A_37 : vector<16xi32>
        %select_n3A = arith.select %and3A, %sub3A, %add3A_38 : vector<16xi1>, vector<16xi32>
        %mul3A_39 = arith.constant 16 : i32
        %mul3A_40 = arith.muli %scan3A_16, %mul3A_39 : i32
        %swap3A_41 = arith.index_cast %mul3A_40 : i32 to index
        %swap3A_42 = tpu.vector_load %arg8[%swap3A_41] {strides = array<i32>} : memref<8192xi32, #tpu.memory_space<vmem>>, vector<16xi32>,
        tpu.vector_store %arg8[%swap3A_41], %select_n3A {strides = array<i32>} : memref<8192xi32, #tpu.memory_space<vmem>>, vector<16xi32>,
        %all_reduce_population_count3A = tpu.all_reduce %gt3A_22 {dim = 0 : i64, kind = #tpu.reduction_kind<sum>} : vector<16xi1> -> vector<16xi32>
        %add3A_43 = arith.addi %scan3A_17, %all_reduce_population_count3A : vector<16xi32>
        scf.yield %add3A_43 : vector<16xi32>
      }
      %scan3A_14 = arith.constant 512 : i32
      %swap3A = arith.constant 0 : index
      %swap3A_15 = tpu.vector_load %arg9[%swap3A] {strides = array<i32>} : memref<16xi32, #tpu.memory_space<vmem>>, vector<16xi32>,
      tpu.vector_store %arg9[%swap3A], %scan3A_13 {strides = array<i32>} : memref<16xi32, #tpu.memory_space<vmem>>, vector<16xi32>,
      "tpu.region"() ({
        %run_scoped3A = tpu.sem_alloc : memref<!tpu.dma_semaphore, #tpu.memory_space<semaphore_mem>>
        tpu.enqueue_dma source(%arg7 : memref<3584xi32, #tpu.memory_space<vmem>>) target(%arg3 : memref<3584xi32, #tpu.memory_space<hbm>>) target_semaphore(%run_scoped3A : memref<!tpu.dma_semaphore, #tpu.memory_space<semaphore_mem>>)
        tpu.wait_dma2 semaphore(%run_scoped3A : memref<!tpu.dma_semaphore, #tpu.memory_space<semaphore_mem>>) src(%arg7 : memref<3584xi32, #tpu.memory_space<vmem>>) dst(%arg3 : memref<3584xi32, #tpu.memory_space<hbm>>)
        tpu.yield
      }) : () -> ()
      "tpu.region"() ({
        %run_scoped3A = tpu.sem_alloc : memref<!tpu.dma_semaphore, #tpu.memory_space<semaphore_mem>>
        tpu.enqueue_dma source(%arg8 : memref<8192xi32, #tpu.memory_space<vmem>>) target(%arg4 : memref<8192xi32, #tpu.memory_space<hbm>>) target_semaphore(%run_scoped3A : memref<!tpu.dma_semaphore, #tpu.memory_space<semaphore_mem>>)
        tpu.wait_dma2 semaphore(%run_scoped3A : memref<!tpu.dma_semaphore, #tpu.memory_space<semaphore_mem>>) src(%arg8 : memref<8192xi32, #tpu.memory_space<vmem>>) dst(%arg4 : memref<8192xi32, #tpu.memory_space<hbm>>)
        tpu.yield
      }) : () -> ()
      "tpu.region"() ({
        %run_scoped3A = tpu.sem_alloc : memref<!tpu.dma_semaphore, #tpu.memory_space<semaphore_mem>>
        tpu.enqueue_dma source(%arg9 : memref<16xi32, #tpu.memory_space<vmem>>) target(%arg5 : memref<16xi32, #tpu.memory_space<hbm>>) target_semaphore(%run_scoped3A : memref<!tpu.dma_semaphore, #tpu.memory_space<semaphore_mem>>)
        tpu.wait_dma2 semaphore(%run_scoped3A : memref<!tpu.dma_semaphore, #tpu.memory_space<semaphore_mem>>) src(%arg9 : memref<16xi32, #tpu.memory_space<vmem>>) dst(%arg5 : memref<16xi32, #tpu.memory_space<hbm>>)
        tpu.yield
      }) : () -> ()
    } else {
    }
    return
  }
}

module attributes {stable_mosaic.version = 14 : i64} {
  func.func @_routing_body(%arg0: i32, %arg1: memref<512x1024xf32, #tpu.memory_space<vmem>>, %arg2: memref<8x1024xf32, #tpu.memory_space<vmem>>, %arg3: memref<1x8xf32, #tpu.memory_space<vmem>>, %arg4: memref<512x128xf32, #tpu.memory_space<vmem>>, %arg5: memref<512x1xf32, #tpu.memory_space<vmem>>) attributes {dimension_semantics = [#tpu.dimension_semantics<parallel>], iteration_bounds = array<i64: 16>, scalar_prefetch = 0 : i64, scratch_operands = 0 : i64, tpu.core_type = #tpu.core_type<tc>, window_params = [{transform_indices = @transform_0, window_bounds = array<i64: 512, 1024>}, {pipeline_mode = #tpu.pipeline_mode<synchronous>, transform_indices = @transform_1, window_bounds = array<i64: 8, 1024>}, {pipeline_mode = #tpu.pipeline_mode<synchronous>, transform_indices = @transform_2, window_bounds = array<i64: 1, 8>}, {transform_indices = @transform_3, window_bounds = array<i64: 512, 128>}, {transform_indices = @transform_4, window_bounds = array<i64: 512, 1>}]} {
    %get3A = arith.constant 0 : index
    %get3A_0 = arith.constant 0 : index
    %get3A_1 = vector.load %arg1[%get3A, %get3A_0] : memref<512x1024xf32, #tpu.memory_space<vmem>>, vector<512x1024xf32>
    %get3A_2 = arith.constant 0 : index
    %get3A_3 = arith.constant 0 : index
    %get3A_4 = vector.load %arg2[%get3A_2, %get3A_3] : memref<8x1024xf32, #tpu.memory_space<vmem>>, vector<8x1024xf32>
    %dot_general3A = arith.constant dense<0.000000e+00> : vector<512x8xf32>
    %dot_general3A_5 = tpu.matmul %get3A_1, %get3A_4, %dot_general3A {dimension_numbers = #tpu.dot_dimension_numbers<[1], [1], [0], [0], [0, 0, 1, 0], [], []>, transpose_lhs_hint = false} : vector<512x1024xf32>, vector<8x1024xf32>, vector<512x8xf32> -> vector<512x8xf32>
    %get3A_6 = arith.constant 0 : index
    %get3A_7 = arith.constant 0 : index
    %get3A_8 = vector.load %arg3[%get3A_6, %get3A_7] : memref<1x8xf32, #tpu.memory_space<vmem>>, vector<1x8xf32>
    %add3A = vector.broadcast %get3A_8 : vector<1x8xf32> to vector<512x8xf32>
    %add3A_9 = arith.addf %dot_general3A_5, %add3A : vector<512x8xf32>
    %reduce_max3A = arith.constant dense<0xFF800000> : vector<512xf32>
    %reduce_max3A_10 = vector.multi_reduction <maximumf>, %add3A_9, %reduce_max3A [1] : vector<512x8xf32> to vector<512xf32>
    %broadcast_in_dim3A = vector.shape_cast %reduce_max3A_10 : vector<512xf32> to vector<512x1xf32>
    %sub3A = vector.broadcast %broadcast_in_dim3A : vector<512x1xf32> to vector<512x8xf32>
    %sub3A_11 = arith.subf %add3A_9, %sub3A : vector<512x8xf32>
    %exp3A = math.exp %sub3A_11 : vector<512x8xf32>
    %reduce_sum3A = arith.constant dense<0.000000e+00> : vector<512xf32>
    %reduce_sum3A_12 = vector.multi_reduction <add>, %exp3A, %reduce_sum3A [1] : vector<512x8xf32> to vector<512xf32>
    %broadcast_in_dim3A_13 = vector.shape_cast %reduce_sum3A_12 : vector<512xf32> to vector<512x1xf32>
    %div3A = vector.broadcast %broadcast_in_dim3A_13 : vector<512x1xf32> to vector<512x8xf32>
    %div3A_14 = arith.divf %exp3A, %div3A : vector<512x8xf32>
    %slice3A = vector.extract_strided_slice %div3A_14 {offsets = [0, 0], sizes = [512, 1], strides = [1, 1]} : vector<512x8xf32> to vector<512x1xf32>
    %slice3A_15 = vector.extract_strided_slice %div3A_14 {offsets = [0, 1], sizes = [512, 1], strides = [1, 1]} : vector<512x8xf32> to vector<512x1xf32>
    %slice3A_16 = vector.extract_strided_slice %div3A_14 {offsets = [0, 2], sizes = [512, 1], strides = [1, 1]} : vector<512x8xf32> to vector<512x1xf32>
    %slice3A_17 = vector.extract_strided_slice %div3A_14 {offsets = [0, 3], sizes = [512, 1], strides = [1, 1]} : vector<512x8xf32> to vector<512x1xf32>
    %slice3A_18 = vector.extract_strided_slice %div3A_14 {offsets = [0, 4], sizes = [512, 1], strides = [1, 1]} : vector<512x8xf32> to vector<512x1xf32>
    %slice3A_19 = vector.extract_strided_slice %div3A_14 {offsets = [0, 5], sizes = [512, 1], strides = [1, 1]} : vector<512x8xf32> to vector<512x1xf32>
    %slice3A_20 = vector.extract_strided_slice %div3A_14 {offsets = [0, 6], sizes = [512, 1], strides = [1, 1]} : vector<512x8xf32> to vector<512x1xf32>
    %slice3A_21 = vector.extract_strided_slice %div3A_14 {offsets = [0, 7], sizes = [512, 1], strides = [1, 1]} : vector<512x8xf32> to vector<512x1xf32>
    %broadcast_in_dim3A_22 = arith.constant 0 : i32
    %broadcast_in_dim3A_23 = vector.broadcast %broadcast_in_dim3A_22 : i32 to vector<512x1xi32>
    %broadcast_in_dim3A_24 = arith.constant 1 : i32
    %broadcast_in_dim3A_25 = vector.broadcast %broadcast_in_dim3A_24 : i32 to vector<512x1xi32>
    %broadcast_in_dim3A_26 = arith.constant 2 : i32
    %broadcast_in_dim3A_27 = vector.broadcast %broadcast_in_dim3A_26 : i32 to vector<512x1xi32>
    %broadcast_in_dim3A_28 = arith.constant 3 : i32
    %broadcast_in_dim3A_29 = vector.broadcast %broadcast_in_dim3A_28 : i32 to vector<512x1xi32>
    %broadcast_in_dim3A_30 = arith.constant 4 : i32
    %broadcast_in_dim3A_31 = vector.broadcast %broadcast_in_dim3A_30 : i32 to vector<512x1xi32>
    %broadcast_in_dim3A_32 = arith.constant 5 : i32
    %broadcast_in_dim3A_33 = vector.broadcast %broadcast_in_dim3A_32 : i32 to vector<512x1xi32>
    %broadcast_in_dim3A_34 = arith.constant 6 : i32
    %broadcast_in_dim3A_35 = vector.broadcast %broadcast_in_dim3A_34 : i32 to vector<512x1xi32>
    %broadcast_in_dim3A_36 = arith.constant 7 : i32
    %broadcast_in_dim3A_37 = vector.broadcast %broadcast_in_dim3A_36 : i32 to vector<512x1xi32>
    %gt3A = arith.cmpf ogt, %slice3A_15, %slice3A : vector<512x1xf32>
    %eq3A = arith.cmpf oeq, %slice3A_15, %slice3A : vector<512x1xf32>
    %lt3A = arith.cmpi slt, %broadcast_in_dim3A_25, %broadcast_in_dim3A_23 : vector<512x1xi32>
    %and3A = arith.andi %eq3A, %lt3A : vector<512x1xi1>
    %or3A = arith.ori %gt3A, %and3A : vector<512x1xi1>
    %select_n3A = arith.select %or3A, %slice3A_15, %slice3A : vector<512x1xi1>, vector<512x1xf32>
    %select_n3A_38 = arith.select %or3A, %slice3A, %slice3A_15 : vector<512x1xi1>, vector<512x1xf32>
    %select_n3A_39 = arith.select %or3A, %broadcast_in_dim3A_25, %broadcast_in_dim3A_23 : vector<512x1xi1>, vector<512x1xi32>
    %select_n3A_40 = arith.select %or3A, %broadcast_in_dim3A_23, %broadcast_in_dim3A_25 : vector<512x1xi1>, vector<512x1xi32>
    %gt3A_41 = arith.cmpf ogt, %slice3A_17, %slice3A_16 : vector<512x1xf32>
    %eq3A_42 = arith.cmpf oeq, %slice3A_17, %slice3A_16 : vector<512x1xf32>
    %lt3A_43 = arith.cmpi slt, %broadcast_in_dim3A_29, %broadcast_in_dim3A_27 : vector<512x1xi32>
    %and3A_44 = arith.andi %eq3A_42, %lt3A_43 : vector<512x1xi1>
    %or3A_45 = arith.ori %gt3A_41, %and3A_44 : vector<512x1xi1>
    %select_n3A_46 = arith.select %or3A_45, %slice3A_17, %slice3A_16 : vector<512x1xi1>, vector<512x1xf32>
    %select_n3A_47 = arith.select %or3A_45, %slice3A_16, %slice3A_17 : vector<512x1xi1>, vector<512x1xf32>
    %select_n3A_48 = arith.select %or3A_45, %broadcast_in_dim3A_29, %broadcast_in_dim3A_27 : vector<512x1xi1>, vector<512x1xi32>
    %select_n3A_49 = arith.select %or3A_45, %broadcast_in_dim3A_27, %broadcast_in_dim3A_29 : vector<512x1xi1>, vector<512x1xi32>
    %gt3A_50 = arith.cmpf ogt, %slice3A_19, %slice3A_18 : vector<512x1xf32>
    %eq3A_51 = arith.cmpf oeq, %slice3A_19, %slice3A_18 : vector<512x1xf32>
    %lt3A_52 = arith.cmpi slt, %broadcast_in_dim3A_33, %broadcast_in_dim3A_31 : vector<512x1xi32>
    %and3A_53 = arith.andi %eq3A_51, %lt3A_52 : vector<512x1xi1>
    %or3A_54 = arith.ori %gt3A_50, %and3A_53 : vector<512x1xi1>
    %select_n3A_55 = arith.select %or3A_54, %slice3A_19, %slice3A_18 : vector<512x1xi1>, vector<512x1xf32>
    %select_n3A_56 = arith.select %or3A_54, %slice3A_18, %slice3A_19 : vector<512x1xi1>, vector<512x1xf32>
    %select_n3A_57 = arith.select %or3A_54, %broadcast_in_dim3A_33, %broadcast_in_dim3A_31 : vector<512x1xi1>, vector<512x1xi32>
    %select_n3A_58 = arith.select %or3A_54, %broadcast_in_dim3A_31, %broadcast_in_dim3A_33 : vector<512x1xi1>, vector<512x1xi32>
    %gt3A_59 = arith.cmpf ogt, %slice3A_21, %slice3A_20 : vector<512x1xf32>
    %eq3A_60 = arith.cmpf oeq, %slice3A_21, %slice3A_20 : vector<512x1xf32>
    %lt3A_61 = arith.cmpi slt, %broadcast_in_dim3A_37, %broadcast_in_dim3A_35 : vector<512x1xi32>
    %and3A_62 = arith.andi %eq3A_60, %lt3A_61 : vector<512x1xi1>
    %or3A_63 = arith.ori %gt3A_59, %and3A_62 : vector<512x1xi1>
    %select_n3A_64 = arith.select %or3A_63, %slice3A_21, %slice3A_20 : vector<512x1xi1>, vector<512x1xf32>
    %select_n3A_65 = arith.select %or3A_63, %slice3A_20, %slice3A_21 : vector<512x1xi1>, vector<512x1xf32>
    %select_n3A_66 = arith.select %or3A_63, %broadcast_in_dim3A_37, %broadcast_in_dim3A_35 : vector<512x1xi1>, vector<512x1xi32>
    %select_n3A_67 = arith.select %or3A_63, %broadcast_in_dim3A_35, %broadcast_in_dim3A_37 : vector<512x1xi1>, vector<512x1xi32>
    %gt3A_68 = arith.cmpf ogt, %select_n3A_46, %select_n3A : vector<512x1xf32>
    %eq3A_69 = arith.cmpf oeq, %select_n3A_46, %select_n3A : vector<512x1xf32>
    %lt3A_70 = arith.cmpi slt, %select_n3A_48, %select_n3A_39 : vector<512x1xi32>
    %and3A_71 = arith.andi %eq3A_69, %lt3A_70 : vector<512x1xi1>
    %or3A_72 = arith.ori %gt3A_68, %and3A_71 : vector<512x1xi1>
    %select_n3A_73 = arith.select %or3A_72, %select_n3A_46, %select_n3A : vector<512x1xi1>, vector<512x1xf32>
    %select_n3A_74 = arith.select %or3A_72, %select_n3A, %select_n3A_46 : vector<512x1xi1>, vector<512x1xf32>
    %select_n3A_75 = arith.select %or3A_72, %select_n3A_48, %select_n3A_39 : vector<512x1xi1>, vector<512x1xi32>
    %select_n3A_76 = arith.select %or3A_72, %select_n3A_39, %select_n3A_48 : vector<512x1xi1>, vector<512x1xi32>
    %gt3A_77 = arith.cmpf ogt, %select_n3A_47, %select_n3A_38 : vector<512x1xf32>
    %eq3A_78 = arith.cmpf oeq, %select_n3A_47, %select_n3A_38 : vector<512x1xf32>
    %lt3A_79 = arith.cmpi slt, %select_n3A_49, %select_n3A_40 : vector<512x1xi32>
    %and3A_80 = arith.andi %eq3A_78, %lt3A_79 : vector<512x1xi1>
    %or3A_81 = arith.ori %gt3A_77, %and3A_80 : vector<512x1xi1>
    %select_n3A_82 = arith.select %or3A_81, %select_n3A_47, %select_n3A_38 : vector<512x1xi1>, vector<512x1xf32>
    %select_n3A_83 = arith.select %or3A_81, %select_n3A_38, %select_n3A_47 : vector<512x1xi1>, vector<512x1xf32>
    %select_n3A_84 = arith.select %or3A_81, %select_n3A_49, %select_n3A_40 : vector<512x1xi1>, vector<512x1xi32>
    %select_n3A_85 = arith.select %or3A_81, %select_n3A_40, %select_n3A_49 : vector<512x1xi1>, vector<512x1xi32>
    %gt3A_86 = arith.cmpf ogt, %select_n3A_64, %select_n3A_55 : vector<512x1xf32>
    %eq3A_87 = arith.cmpf oeq, %select_n3A_64, %select_n3A_55 : vector<512x1xf32>
    %lt3A_88 = arith.cmpi slt, %select_n3A_66, %select_n3A_57 : vector<512x1xi32>
    %and3A_89 = arith.andi %eq3A_87, %lt3A_88 : vector<512x1xi1>
    %or3A_90 = arith.ori %gt3A_86, %and3A_89 : vector<512x1xi1>
    %select_n3A_91 = arith.select %or3A_90, %select_n3A_64, %select_n3A_55 : vector<512x1xi1>, vector<512x1xf32>
    %select_n3A_92 = arith.select %or3A_90, %select_n3A_55, %select_n3A_64 : vector<512x1xi1>, vector<512x1xf32>
    %select_n3A_93 = arith.select %or3A_90, %select_n3A_66, %select_n3A_57 : vector<512x1xi1>, vector<512x1xi32>
    %select_n3A_94 = arith.select %or3A_90, %select_n3A_57, %select_n3A_66 : vector<512x1xi1>, vector<512x1xi32>
    %gt3A_95 = arith.cmpf ogt, %select_n3A_65, %select_n3A_56 : vector<512x1xf32>
    %eq3A_96 = arith.cmpf oeq, %select_n3A_65, %select_n3A_56 : vector<512x1xf32>
    %lt3A_97 = arith.cmpi slt, %select_n3A_67, %select_n3A_58 : vector<512x1xi32>
    %and3A_98 = arith.andi %eq3A_96, %lt3A_97 : vector<512x1xi1>
    %or3A_99 = arith.ori %gt3A_95, %and3A_98 : vector<512x1xi1>
    %select_n3A_100 = arith.select %or3A_99, %select_n3A_65, %select_n3A_56 : vector<512x1xi1>, vector<512x1xf32>
    %select_n3A_101 = arith.select %or3A_99, %select_n3A_56, %select_n3A_65 : vector<512x1xi1>, vector<512x1xf32>
    %select_n3A_102 = arith.select %or3A_99, %select_n3A_67, %select_n3A_58 : vector<512x1xi1>, vector<512x1xi32>
    %select_n3A_103 = arith.select %or3A_99, %select_n3A_58, %select_n3A_67 : vector<512x1xi1>, vector<512x1xi32>
    %gt3A_104 = arith.cmpf ogt, %select_n3A_74, %select_n3A_82 : vector<512x1xf32>
    %eq3A_105 = arith.cmpf oeq, %select_n3A_74, %select_n3A_82 : vector<512x1xf32>
    %lt3A_106 = arith.cmpi slt, %select_n3A_76, %select_n3A_84 : vector<512x1xi32>
    %and3A_107 = arith.andi %eq3A_105, %lt3A_106 : vector<512x1xi1>
    %or3A_108 = arith.ori %gt3A_104, %and3A_107 : vector<512x1xi1>
    %select_n3A_109 = arith.select %or3A_108, %select_n3A_74, %select_n3A_82 : vector<512x1xi1>, vector<512x1xf32>
    %select_n3A_110 = arith.select %or3A_108, %select_n3A_82, %select_n3A_74 : vector<512x1xi1>, vector<512x1xf32>
    %select_n3A_111 = arith.select %or3A_108, %select_n3A_76, %select_n3A_84 : vector<512x1xi1>, vector<512x1xi32>
    %select_n3A_112 = arith.select %or3A_108, %select_n3A_84, %select_n3A_76 : vector<512x1xi1>, vector<512x1xi32>
    %gt3A_113 = arith.cmpf ogt, %select_n3A_92, %select_n3A_100 : vector<512x1xf32>
    %eq3A_114 = arith.cmpf oeq, %select_n3A_92, %select_n3A_100 : vector<512x1xf32>
    %lt3A_115 = arith.cmpi slt, %select_n3A_94, %select_n3A_102 : vector<512x1xi32>
    %and3A_116 = arith.andi %eq3A_114, %lt3A_115 : vector<512x1xi1>
    %or3A_117 = arith.ori %gt3A_113, %and3A_116 : vector<512x1xi1>
    %select_n3A_118 = arith.select %or3A_117, %select_n3A_92, %select_n3A_100 : vector<512x1xi1>, vector<512x1xf32>
    %select_n3A_119 = arith.select %or3A_117, %select_n3A_100, %select_n3A_92 : vector<512x1xi1>, vector<512x1xf32>
    %select_n3A_120 = arith.select %or3A_117, %select_n3A_94, %select_n3A_102 : vector<512x1xi1>, vector<512x1xi32>
    %select_n3A_121 = arith.select %or3A_117, %select_n3A_102, %select_n3A_94 : vector<512x1xi1>, vector<512x1xi32>
    %gt3A_122 = arith.cmpf ogt, %select_n3A_91, %select_n3A_73 : vector<512x1xf32>
    %eq3A_123 = arith.cmpf oeq, %select_n3A_91, %select_n3A_73 : vector<512x1xf32>
    %lt3A_124 = arith.cmpi slt, %select_n3A_93, %select_n3A_75 : vector<512x1xi32>
    %and3A_125 = arith.andi %eq3A_123, %lt3A_124 : vector<512x1xi1>
    %or3A_126 = arith.ori %gt3A_122, %and3A_125 : vector<512x1xi1>
    %select_n3A_127 = arith.select %or3A_126, %select_n3A_91, %select_n3A_73 : vector<512x1xi1>, vector<512x1xf32>
    %select_n3A_128 = arith.select %or3A_126, %select_n3A_73, %select_n3A_91 : vector<512x1xi1>, vector<512x1xf32>
    %select_n3A_129 = arith.select %or3A_126, %select_n3A_93, %select_n3A_75 : vector<512x1xi1>, vector<512x1xi32>
    %select_n3A_130 = arith.select %or3A_126, %select_n3A_75, %select_n3A_93 : vector<512x1xi1>, vector<512x1xi32>
    %gt3A_131 = arith.cmpf ogt, %select_n3A_101, %select_n3A_83 : vector<512x1xf32>
    %eq3A_132 = arith.cmpf oeq, %select_n3A_101, %select_n3A_83 : vector<512x1xf32>
    %lt3A_133 = arith.cmpi slt, %select_n3A_103, %select_n3A_85 : vector<512x1xi32>
    %and3A_134 = arith.andi %eq3A_132, %lt3A_133 : vector<512x1xi1>
    %or3A_135 = arith.ori %gt3A_131, %and3A_134 : vector<512x1xi1>
    %select_n3A_136 = arith.select %or3A_135, %select_n3A_101, %select_n3A_83 : vector<512x1xi1>, vector<512x1xf32>
    %select_n3A_137 = arith.select %or3A_135, %select_n3A_83, %select_n3A_101 : vector<512x1xi1>, vector<512x1xf32>
    %select_n3A_138 = arith.select %or3A_135, %select_n3A_103, %select_n3A_85 : vector<512x1xi1>, vector<512x1xi32>
    %select_n3A_139 = arith.select %or3A_135, %select_n3A_85, %select_n3A_103 : vector<512x1xi1>, vector<512x1xi32>
    %gt3A_140 = arith.cmpf ogt, %select_n3A_118, %select_n3A_109 : vector<512x1xf32>
    %eq3A_141 = arith.cmpf oeq, %select_n3A_118, %select_n3A_109 : vector<512x1xf32>
    %lt3A_142 = arith.cmpi slt, %select_n3A_120, %select_n3A_111 : vector<512x1xi32>
    %and3A_143 = arith.andi %eq3A_141, %lt3A_142 : vector<512x1xi1>
    %or3A_144 = arith.ori %gt3A_140, %and3A_143 : vector<512x1xi1>
    %select_n3A_145 = arith.select %or3A_144, %select_n3A_118, %select_n3A_109 : vector<512x1xi1>, vector<512x1xf32>
    %select_n3A_146 = arith.select %or3A_144, %select_n3A_109, %select_n3A_118 : vector<512x1xi1>, vector<512x1xf32>
    %select_n3A_147 = arith.select %or3A_144, %select_n3A_120, %select_n3A_111 : vector<512x1xi1>, vector<512x1xi32>
    %select_n3A_148 = arith.select %or3A_144, %select_n3A_111, %select_n3A_120 : vector<512x1xi1>, vector<512x1xi32>
    %gt3A_149 = arith.cmpf ogt, %select_n3A_119, %select_n3A_110 : vector<512x1xf32>
    %eq3A_150 = arith.cmpf oeq, %select_n3A_119, %select_n3A_110 : vector<512x1xf32>
    %lt3A_151 = arith.cmpi slt, %select_n3A_121, %select_n3A_112 : vector<512x1xi32>
    %and3A_152 = arith.andi %eq3A_150, %lt3A_151 : vector<512x1xi1>
    %or3A_153 = arith.ori %gt3A_149, %and3A_152 : vector<512x1xi1>
    %select_n3A_154 = arith.select %or3A_153, %select_n3A_119, %select_n3A_110 : vector<512x1xi1>, vector<512x1xf32>
    %select_n3A_155 = arith.select %or3A_153, %select_n3A_110, %select_n3A_119 : vector<512x1xi1>, vector<512x1xf32>
    %select_n3A_156 = arith.select %or3A_153, %select_n3A_121, %select_n3A_112 : vector<512x1xi1>, vector<512x1xi32>
    %select_n3A_157 = arith.select %or3A_153, %select_n3A_112, %select_n3A_121 : vector<512x1xi1>, vector<512x1xi32>
    %gt3A_158 = arith.cmpf ogt, %select_n3A_128, %select_n3A_145 : vector<512x1xf32>
    %eq3A_159 = arith.cmpf oeq, %select_n3A_128, %select_n3A_145 : vector<512x1xf32>
    %lt3A_160 = arith.cmpi slt, %select_n3A_130, %select_n3A_147 : vector<512x1xi32>
    %and3A_161 = arith.andi %eq3A_159, %lt3A_160 : vector<512x1xi1>
    %or3A_162 = arith.ori %gt3A_158, %and3A_161 : vector<512x1xi1>
    %select_n3A_163 = arith.select %or3A_162, %select_n3A_128, %select_n3A_145 : vector<512x1xi1>, vector<512x1xf32>
    %select_n3A_164 = arith.select %or3A_162, %select_n3A_145, %select_n3A_128 : vector<512x1xi1>, vector<512x1xf32>
    %select_n3A_165 = arith.select %or3A_162, %select_n3A_130, %select_n3A_147 : vector<512x1xi1>, vector<512x1xi32>
    %select_n3A_166 = arith.select %or3A_162, %select_n3A_147, %select_n3A_130 : vector<512x1xi1>, vector<512x1xi32>
    %gt3A_167 = arith.cmpf ogt, %select_n3A_155, %select_n3A_136 : vector<512x1xf32>
    %eq3A_168 = arith.cmpf oeq, %select_n3A_155, %select_n3A_136 : vector<512x1xf32>
    %lt3A_169 = arith.cmpi slt, %select_n3A_157, %select_n3A_138 : vector<512x1xi32>
    %and3A_170 = arith.andi %eq3A_168, %lt3A_169 : vector<512x1xi1>
    %or3A_171 = arith.ori %gt3A_167, %and3A_170 : vector<512x1xi1>
    %select_n3A_172 = arith.select %or3A_171, %select_n3A_155, %select_n3A_136 : vector<512x1xi1>, vector<512x1xf32>
    %select_n3A_173 = arith.select %or3A_171, %select_n3A_136, %select_n3A_155 : vector<512x1xi1>, vector<512x1xf32>
    %select_n3A_174 = arith.select %or3A_171, %select_n3A_157, %select_n3A_138 : vector<512x1xi1>, vector<512x1xi32>
    %select_n3A_175 = arith.select %or3A_171, %select_n3A_138, %select_n3A_157 : vector<512x1xi1>, vector<512x1xi32>
    %gt3A_176 = arith.cmpf ogt, %select_n3A_164, %select_n3A_154 : vector<512x1xf32>
    %eq3A_177 = arith.cmpf oeq, %select_n3A_164, %select_n3A_154 : vector<512x1xf32>
    %lt3A_178 = arith.cmpi slt, %select_n3A_166, %select_n3A_156 : vector<512x1xi32>
    %and3A_179 = arith.andi %eq3A_177, %lt3A_178 : vector<512x1xi1>
    %or3A_180 = arith.ori %gt3A_176, %and3A_179 : vector<512x1xi1>
    %select_n3A_181 = arith.select %or3A_180, %select_n3A_164, %select_n3A_154 : vector<512x1xi1>, vector<512x1xf32>
    %select_n3A_182 = arith.select %or3A_180, %select_n3A_154, %select_n3A_164 : vector<512x1xi1>, vector<512x1xf32>
    %select_n3A_183 = arith.select %or3A_180, %select_n3A_166, %select_n3A_156 : vector<512x1xi1>, vector<512x1xi32>
    %select_n3A_184 = arith.select %or3A_180, %select_n3A_156, %select_n3A_166 : vector<512x1xi1>, vector<512x1xi32>
    %gt3A_185 = arith.cmpf ogt, %select_n3A_146, %select_n3A_172 : vector<512x1xf32>
    %eq3A_186 = arith.cmpf oeq, %select_n3A_146, %select_n3A_172 : vector<512x1xf32>
    %lt3A_187 = arith.cmpi slt, %select_n3A_148, %select_n3A_174 : vector<512x1xi32>
    %and3A_188 = arith.andi %eq3A_186, %lt3A_187 : vector<512x1xi1>
    %or3A_189 = arith.ori %gt3A_185, %and3A_188 : vector<512x1xi1>
    %select_n3A_190 = arith.select %or3A_189, %select_n3A_146, %select_n3A_172 : vector<512x1xi1>, vector<512x1xf32>
    %select_n3A_191 = arith.select %or3A_189, %select_n3A_172, %select_n3A_146 : vector<512x1xi1>, vector<512x1xf32>
    %select_n3A_192 = arith.select %or3A_189, %select_n3A_148, %select_n3A_174 : vector<512x1xi1>, vector<512x1xi32>
    %select_n3A_193 = arith.select %or3A_189, %select_n3A_174, %select_n3A_148 : vector<512x1xi1>, vector<512x1xi32>
    %gt3A_194 = arith.cmpf ogt, %select_n3A_182, %select_n3A_190 : vector<512x1xf32>
    %eq3A_195 = arith.cmpf oeq, %select_n3A_182, %select_n3A_190 : vector<512x1xf32>
    %lt3A_196 = arith.cmpi slt, %select_n3A_184, %select_n3A_192 : vector<512x1xi32>
    %and3A_197 = arith.andi %eq3A_195, %lt3A_196 : vector<512x1xi1>
    %or3A_198 = arith.ori %gt3A_194, %and3A_197 : vector<512x1xi1>
    %select_n3A_199 = arith.select %or3A_198, %select_n3A_182, %select_n3A_190 : vector<512x1xi1>, vector<512x1xf32>
    %select_n3A_200 = arith.select %or3A_198, %select_n3A_190, %select_n3A_182 : vector<512x1xi1>, vector<512x1xf32>
    %select_n3A_201 = arith.select %or3A_198, %select_n3A_184, %select_n3A_192 : vector<512x1xi1>, vector<512x1xi32>
    %select_n3A_202 = arith.select %or3A_198, %select_n3A_192, %select_n3A_184 : vector<512x1xi1>, vector<512x1xi32>
    %add3A_203 = arith.addf %select_n3A_127, %select_n3A_163 : vector<512x1xf32>
    %add3A_204 = arith.addf %add3A_203, %select_n3A_181 : vector<512x1xf32>
    %add3A_205 = arith.addf %add3A_204, %select_n3A_199 : vector<512x1xf32>
    %add3A_206 = arith.addf %add3A_205, %select_n3A_200 : vector<512x1xf32>
    %add3A_207 = arith.addf %add3A_206, %select_n3A_191 : vector<512x1xf32>
    %add3A_208 = arith.addf %add3A_207, %select_n3A_173 : vector<512x1xf32>
    %add3A_209 = arith.addf %add3A_208, %select_n3A_137 : vector<512x1xf32>
    %min3A = arith.constant 8.000000e-01 : f32
    %min3A_210 = vector.broadcast %min3A : f32 to vector<512x1xf32>
    %min3A_211 = arith.minimumf %add3A_203, %min3A_210 : vector<512x1xf32>
    %sub3A_212 = arith.subf %min3A_211, %select_n3A_127 : vector<512x1xf32>
    %max3A = arith.constant 0.000000e+00 : f32
    %max3A_213 = vector.broadcast %max3A : f32 to vector<512x1xf32>
    %max3A_214 = arith.maximumf %sub3A_212, %max3A_213 : vector<512x1xf32>
    %min3A_215 = arith.constant 8.000000e-01 : f32
    %min3A_216 = vector.broadcast %min3A_215 : f32 to vector<512x1xf32>
    %min3A_217 = arith.minimumf %add3A_204, %min3A_216 : vector<512x1xf32>
    %sub3A_218 = arith.subf %min3A_217, %add3A_203 : vector<512x1xf32>
    %max3A_219 = arith.constant 0.000000e+00 : f32
    %max3A_220 = vector.broadcast %max3A_219 : f32 to vector<512x1xf32>
    %max3A_221 = arith.maximumf %sub3A_218, %max3A_220 : vector<512x1xf32>
    %min3A_222 = arith.constant 8.000000e-01 : f32
    %min3A_223 = vector.broadcast %min3A_222 : f32 to vector<512x1xf32>
    %min3A_224 = arith.minimumf %add3A_205, %min3A_223 : vector<512x1xf32>
    %sub3A_225 = arith.subf %min3A_224, %add3A_204 : vector<512x1xf32>
    %max3A_226 = arith.constant 0.000000e+00 : f32
    %max3A_227 = vector.broadcast %max3A_226 : f32 to vector<512x1xf32>
    %max3A_228 = arith.maximumf %sub3A_225, %max3A_227 : vector<512x1xf32>
    %min3A_229 = arith.constant 8.000000e-01 : f32
    %min3A_230 = vector.broadcast %min3A_229 : f32 to vector<512x1xf32>
    %min3A_231 = arith.minimumf %add3A_206, %min3A_230 : vector<512x1xf32>
    %sub3A_232 = arith.subf %min3A_231, %add3A_205 : vector<512x1xf32>
    %max3A_233 = arith.constant 0.000000e+00 : f32
    %max3A_234 = vector.broadcast %max3A_233 : f32 to vector<512x1xf32>
    %max3A_235 = arith.maximumf %sub3A_232, %max3A_234 : vector<512x1xf32>
    %min3A_236 = arith.constant 8.000000e-01 : f32
    %min3A_237 = vector.broadcast %min3A_236 : f32 to vector<512x1xf32>
    %min3A_238 = arith.minimumf %add3A_207, %min3A_237 : vector<512x1xf32>
    %sub3A_239 = arith.subf %min3A_238, %add3A_206 : vector<512x1xf32>
    %max3A_240 = arith.constant 0.000000e+00 : f32
    %max3A_241 = vector.broadcast %max3A_240 : f32 to vector<512x1xf32>
    %max3A_242 = arith.maximumf %sub3A_239, %max3A_241 : vector<512x1xf32>
    %min3A_243 = arith.constant 8.000000e-01 : f32
    %min3A_244 = vector.broadcast %min3A_243 : f32 to vector<512x1xf32>
    %min3A_245 = arith.minimumf %add3A_208, %min3A_244 : vector<512x1xf32>
    %sub3A_246 = arith.subf %min3A_245, %add3A_207 : vector<512x1xf32>
    %max3A_247 = arith.constant 0.000000e+00 : f32
    %max3A_248 = vector.broadcast %max3A_247 : f32 to vector<512x1xf32>
    %max3A_249 = arith.maximumf %sub3A_246, %max3A_248 : vector<512x1xf32>
    %min3A_250 = arith.constant 8.000000e-01 : f32
    %min3A_251 = vector.broadcast %min3A_250 : f32 to vector<512x1xf32>
    %min3A_252 = arith.minimumf %add3A_209, %min3A_251 : vector<512x1xf32>
    %sub3A_253 = arith.subf %min3A_252, %add3A_208 : vector<512x1xf32>
    %max3A_254 = arith.constant 0.000000e+00 : f32
    %max3A_255 = vector.broadcast %max3A_254 : f32 to vector<512x1xf32>
    %max3A_256 = arith.maximumf %sub3A_253, %max3A_255 : vector<512x1xf32>
    %broadcast_in_dim3A_257 = arith.constant 1.000000e+00 : f32
    %broadcast_in_dim3A_258 = vector.broadcast %broadcast_in_dim3A_257 : f32 to vector<512x1xf32>
    %min3A_259 = arith.constant 8.000000e-01 : f32
    %min3A_260 = vector.broadcast %min3A_259 : f32 to vector<512x1xf32>
    %min3A_261 = arith.minimumf %broadcast_in_dim3A_258, %min3A_260 : vector<512x1xf32>
    %sub3A_262 = arith.subf %min3A_261, %add3A_209 : vector<512x1xf32>
    %max3A_263 = arith.constant 0.000000e+00 : f32
    %max3A_264 = vector.broadcast %max3A_263 : f32 to vector<512x1xf32>
    %max3A_265 = arith.maximumf %sub3A_262, %max3A_264 : vector<512x1xf32>
    %gt3A_266 = arith.constant 0.000000e+00 : f32
    %gt3A_267 = vector.broadcast %gt3A_266 : f32 to vector<512x1xf32>
    %gt3A_268 = arith.cmpf ogt, %max3A_221, %gt3A_267 : vector<512x1xf32>
    %jit3A = arith.constant 1.000000e+00 : f32
    %broadcast_in_dim3A_269 = vector.broadcast %jit3A : f32 to vector<512x1xf32>
    %select_n3A_270 = arith.select %gt3A_268, %broadcast_in_dim3A_269, %max3A_214 : vector<512x1xi1>, vector<512x1xf32>
    %add3A_271 = arith.addf %max3A_265, %select_n3A_270 : vector<512x1xf32>
    %gt3A_272 = arith.constant 0.000000e+00 : f32
    %gt3A_273 = vector.broadcast %gt3A_272 : f32 to vector<512x1xf32>
    %gt3A_274 = arith.cmpf ogt, %max3A_228, %gt3A_273 : vector<512x1xf32>
    %jit3A_275 = arith.constant 1.000000e+00 : f32
    %broadcast_in_dim3A_276 = vector.broadcast %jit3A_275 : f32 to vector<512x1xf32>
    %select_n3A_277 = arith.select %gt3A_274, %broadcast_in_dim3A_276, %max3A_221 : vector<512x1xi1>, vector<512x1xf32>
    %add3A_278 = arith.addf %add3A_271, %select_n3A_277 : vector<512x1xf32>
    %gt3A_279 = arith.constant 0.000000e+00 : f32
    %gt3A_280 = vector.broadcast %gt3A_279 : f32 to vector<512x1xf32>
    %gt3A_281 = arith.cmpf ogt, %max3A_235, %gt3A_280 : vector<512x1xf32>
    %jit3A_282 = arith.constant 1.000000e+00 : f32
    %broadcast_in_dim3A_283 = vector.broadcast %jit3A_282 : f32 to vector<512x1xf32>
    %select_n3A_284 = arith.select %gt3A_281, %broadcast_in_dim3A_283, %max3A_228 : vector<512x1xi1>, vector<512x1xf32>
    %add3A_285 = arith.addf %add3A_278, %select_n3A_284 : vector<512x1xf32>
    %gt3A_286 = arith.constant 0.000000e+00 : f32
    %gt3A_287 = vector.broadcast %gt3A_286 : f32 to vector<512x1xf32>
    %gt3A_288 = arith.cmpf ogt, %max3A_242, %gt3A_287 : vector<512x1xf32>
    %jit3A_289 = arith.constant 1.000000e+00 : f32
    %broadcast_in_dim3A_290 = vector.broadcast %jit3A_289 : f32 to vector<512x1xf32>
    %select_n3A_291 = arith.select %gt3A_288, %broadcast_in_dim3A_290, %max3A_235 : vector<512x1xi1>, vector<512x1xf32>
    %add3A_292 = arith.addf %add3A_285, %select_n3A_291 : vector<512x1xf32>
    %gt3A_293 = arith.constant 0.000000e+00 : f32
    %gt3A_294 = vector.broadcast %gt3A_293 : f32 to vector<512x1xf32>
    %gt3A_295 = arith.cmpf ogt, %max3A_249, %gt3A_294 : vector<512x1xf32>
    %jit3A_296 = arith.constant 1.000000e+00 : f32
    %broadcast_in_dim3A_297 = vector.broadcast %jit3A_296 : f32 to vector<512x1xf32>
    %select_n3A_298 = arith.select %gt3A_295, %broadcast_in_dim3A_297, %max3A_242 : vector<512x1xi1>, vector<512x1xf32>
    %add3A_299 = arith.addf %add3A_292, %select_n3A_298 : vector<512x1xf32>
    %gt3A_300 = arith.constant 0.000000e+00 : f32
    %gt3A_301 = vector.broadcast %gt3A_300 : f32 to vector<512x1xf32>
    %gt3A_302 = arith.cmpf ogt, %max3A_256, %gt3A_301 : vector<512x1xf32>
    %jit3A_303 = arith.constant 1.000000e+00 : f32
    %broadcast_in_dim3A_304 = vector.broadcast %jit3A_303 : f32 to vector<512x1xf32>
    %select_n3A_305 = arith.select %gt3A_302, %broadcast_in_dim3A_304, %max3A_249 : vector<512x1xi1>, vector<512x1xf32>
    %add3A_306 = arith.addf %add3A_299, %select_n3A_305 : vector<512x1xf32>
    %gt3A_307 = arith.constant 0.000000e+00 : f32
    %gt3A_308 = vector.broadcast %gt3A_307 : f32 to vector<512x1xf32>
    %gt3A_309 = arith.cmpf ogt, %max3A_265, %gt3A_308 : vector<512x1xf32>
    %jit3A_310 = arith.constant 1.000000e+00 : f32
    %broadcast_in_dim3A_311 = vector.broadcast %jit3A_310 : f32 to vector<512x1xf32>
    %select_n3A_312 = arith.select %gt3A_309, %broadcast_in_dim3A_311, %max3A_256 : vector<512x1xi1>, vector<512x1xf32>
    %add3A_313 = arith.addf %add3A_306, %select_n3A_312 : vector<512x1xf32>
    %broadcast_in_dim3A_314 = arith.constant 0.000000e+00 : f32
    %broadcast_in_dim3A_315 = vector.broadcast %broadcast_in_dim3A_314 : f32 to vector<512x1xf32>
    %eq3A_316 = arith.constant 0 : i32
    %eq3A_317 = vector.broadcast %eq3A_316 : i32 to vector<512x1xi32>
    %eq3A_318 = arith.cmpi eq, %select_n3A_129, %eq3A_317 : vector<512x1xi32>
    %select_n3A_319 = arith.select %eq3A_318, %max3A_214, %broadcast_in_dim3A_315 : vector<512x1xi1>, vector<512x1xf32>
    %eq3A_320 = arith.constant 1 : i32
    %eq3A_321 = vector.broadcast %eq3A_320 : i32 to vector<512x1xi32>
    %eq3A_322 = arith.cmpi eq, %select_n3A_129, %eq3A_321 : vector<512x1xi32>
    %select_n3A_323 = arith.select %eq3A_322, %max3A_221, %select_n3A_319 : vector<512x1xi1>, vector<512x1xf32>
    %eq3A_324 = arith.constant 2 : i32
    %eq3A_325 = vector.broadcast %eq3A_324 : i32 to vector<512x1xi32>
    %eq3A_326 = arith.cmpi eq, %select_n3A_129, %eq3A_325 : vector<512x1xi32>
    %select_n3A_327 = arith.select %eq3A_326, %max3A_228, %select_n3A_323 : vector<512x1xi1>, vector<512x1xf32>
    %eq3A_328 = arith.constant 3 : i32
    %eq3A_329 = vector.broadcast %eq3A_328 : i32 to vector<512x1xi32>
    %eq3A_330 = arith.cmpi eq, %select_n3A_129, %eq3A_329 : vector<512x1xi32>
    %select_n3A_331 = arith.select %eq3A_330, %max3A_235, %select_n3A_327 : vector<512x1xi1>, vector<512x1xf32>
    %eq3A_332 = arith.constant 4 : i32
    %eq3A_333 = vector.broadcast %eq3A_332 : i32 to vector<512x1xi32>
    %eq3A_334 = arith.cmpi eq, %select_n3A_129, %eq3A_333 : vector<512x1xi32>
    %select_n3A_335 = arith.select %eq3A_334, %max3A_242, %select_n3A_331 : vector<512x1xi1>, vector<512x1xf32>
    %eq3A_336 = arith.constant 5 : i32
    %eq3A_337 = vector.broadcast %eq3A_336 : i32 to vector<512x1xi32>
    %eq3A_338 = arith.cmpi eq, %select_n3A_129, %eq3A_337 : vector<512x1xi32>
    %select_n3A_339 = arith.select %eq3A_338, %max3A_249, %select_n3A_335 : vector<512x1xi1>, vector<512x1xf32>
    %eq3A_340 = arith.constant 6 : i32
    %eq3A_341 = vector.broadcast %eq3A_340 : i32 to vector<512x1xi32>
    %eq3A_342 = arith.cmpi eq, %select_n3A_129, %eq3A_341 : vector<512x1xi32>
    %select_n3A_343 = arith.select %eq3A_342, %max3A_256, %select_n3A_339 : vector<512x1xi1>, vector<512x1xf32>
    %eq3A_344 = arith.constant 7 : i32
    %eq3A_345 = vector.broadcast %eq3A_344 : i32 to vector<512x1xi32>
    %eq3A_346 = arith.cmpi eq, %select_n3A_129, %eq3A_345 : vector<512x1xi32>
    %select_n3A_347 = arith.select %eq3A_346, %max3A_265, %select_n3A_343 : vector<512x1xi1>, vector<512x1xf32>
    %broadcast_in_dim3A_348 = arith.constant 0.000000e+00 : f32
    %broadcast_in_dim3A_349 = vector.broadcast %broadcast_in_dim3A_348 : f32 to vector<512x1xf32>
    %eq3A_350 = arith.constant 0 : i32
    %eq3A_351 = vector.broadcast %eq3A_350 : i32 to vector<512x1xi32>
    %eq3A_352 = arith.cmpi eq, %select_n3A_165, %eq3A_351 : vector<512x1xi32>
    %select_n3A_353 = arith.select %eq3A_352, %max3A_214, %broadcast_in_dim3A_349 : vector<512x1xi1>, vector<512x1xf32>
    %eq3A_354 = arith.constant 1 : i32
    %eq3A_355 = vector.broadcast %eq3A_354 : i32 to vector<512x1xi32>
    %eq3A_356 = arith.cmpi eq, %select_n3A_165, %eq3A_355 : vector<512x1xi32>
    %select_n3A_357 = arith.select %eq3A_356, %max3A_221, %select_n3A_353 : vector<512x1xi1>, vector<512x1xf32>
    %eq3A_358 = arith.constant 2 : i32
    %eq3A_359 = vector.broadcast %eq3A_358 : i32 to vector<512x1xi32>
    %eq3A_360 = arith.cmpi eq, %select_n3A_165, %eq3A_359 : vector<512x1xi32>
    %select_n3A_361 = arith.select %eq3A_360, %max3A_228, %select_n3A_357 : vector<512x1xi1>, vector<512x1xf32>
    %eq3A_362 = arith.constant 3 : i32
    %eq3A_363 = vector.broadcast %eq3A_362 : i32 to vector<512x1xi32>
    %eq3A_364 = arith.cmpi eq, %select_n3A_165, %eq3A_363 : vector<512x1xi32>
    %select_n3A_365 = arith.select %eq3A_364, %max3A_235, %select_n3A_361 : vector<512x1xi1>, vector<512x1xf32>
    %eq3A_366 = arith.constant 4 : i32
    %eq3A_367 = vector.broadcast %eq3A_366 : i32 to vector<512x1xi32>
    %eq3A_368 = arith.cmpi eq, %select_n3A_165, %eq3A_367 : vector<512x1xi32>
    %select_n3A_369 = arith.select %eq3A_368, %max3A_242, %select_n3A_365 : vector<512x1xi1>, vector<512x1xf32>
    %eq3A_370 = arith.constant 5 : i32
    %eq3A_371 = vector.broadcast %eq3A_370 : i32 to vector<512x1xi32>
    %eq3A_372 = arith.cmpi eq, %select_n3A_165, %eq3A_371 : vector<512x1xi32>
    %select_n3A_373 = arith.select %eq3A_372, %max3A_249, %select_n3A_369 : vector<512x1xi1>, vector<512x1xf32>
    %eq3A_374 = arith.constant 6 : i32
    %eq3A_375 = vector.broadcast %eq3A_374 : i32 to vector<512x1xi32>
    %eq3A_376 = arith.cmpi eq, %select_n3A_165, %eq3A_375 : vector<512x1xi32>
    %select_n3A_377 = arith.select %eq3A_376, %max3A_256, %select_n3A_373 : vector<512x1xi1>, vector<512x1xf32>
    %eq3A_378 = arith.constant 7 : i32
    %eq3A_379 = vector.broadcast %eq3A_378 : i32 to vector<512x1xi32>
    %eq3A_380 = arith.cmpi eq, %select_n3A_165, %eq3A_379 : vector<512x1xi32>
    %select_n3A_381 = arith.select %eq3A_380, %max3A_265, %select_n3A_377 : vector<512x1xi1>, vector<512x1xf32>
    %broadcast_in_dim3A_382 = arith.constant 0.000000e+00 : f32
    %broadcast_in_dim3A_383 = vector.broadcast %broadcast_in_dim3A_382 : f32 to vector<512x1xf32>
    %eq3A_384 = arith.constant 0 : i32
    %eq3A_385 = vector.broadcast %eq3A_384 : i32 to vector<512x1xi32>
    %eq3A_386 = arith.cmpi eq, %select_n3A_183, %eq3A_385 : vector<512x1xi32>
    %select_n3A_387 = arith.select %eq3A_386, %max3A_214, %broadcast_in_dim3A_383 : vector<512x1xi1>, vector<512x1xf32>
    %eq3A_388 = arith.constant 1 : i32
    %eq3A_389 = vector.broadcast %eq3A_388 : i32 to vector<512x1xi32>
    %eq3A_390 = arith.cmpi eq, %select_n3A_183, %eq3A_389 : vector<512x1xi32>
    %select_n3A_391 = arith.select %eq3A_390, %max3A_221, %select_n3A_387 : vector<512x1xi1>, vector<512x1xf32>
    %eq3A_392 = arith.constant 2 : i32
    %eq3A_393 = vector.broadcast %eq3A_392 : i32 to vector<512x1xi32>
    %eq3A_394 = arith.cmpi eq, %select_n3A_183, %eq3A_393 : vector<512x1xi32>
    %select_n3A_395 = arith.select %eq3A_394, %max3A_228, %select_n3A_391 : vector<512x1xi1>, vector<512x1xf32>
    %eq3A_396 = arith.constant 3 : i32
    %eq3A_397 = vector.broadcast %eq3A_396 : i32 to vector<512x1xi32>
    %eq3A_398 = arith.cmpi eq, %select_n3A_183, %eq3A_397 : vector<512x1xi32>
    %select_n3A_399 = arith.select %eq3A_398, %max3A_235, %select_n3A_395 : vector<512x1xi1>, vector<512x1xf32>
    %eq3A_400 = arith.constant 4 : i32
    %eq3A_401 = vector.broadcast %eq3A_400 : i32 to vector<512x1xi32>
    %eq3A_402 = arith.cmpi eq, %select_n3A_183, %eq3A_401 : vector<512x1xi32>
    %select_n3A_403 = arith.select %eq3A_402, %max3A_242, %select_n3A_399 : vector<512x1xi1>, vector<512x1xf32>
    %eq3A_404 = arith.constant 5 : i32
    %eq3A_405 = vector.broadcast %eq3A_404 : i32 to vector<512x1xi32>
    %eq3A_406 = arith.cmpi eq, %select_n3A_183, %eq3A_405 : vector<512x1xi32>
    %select_n3A_407 = arith.select %eq3A_406, %max3A_249, %select_n3A_403 : vector<512x1xi1>, vector<512x1xf32>
    %eq3A_408 = arith.constant 6 : i32
    %eq3A_409 = vector.broadcast %eq3A_408 : i32 to vector<512x1xi32>
    %eq3A_410 = arith.cmpi eq, %select_n3A_183, %eq3A_409 : vector<512x1xi32>
    %select_n3A_411 = arith.select %eq3A_410, %max3A_256, %select_n3A_407 : vector<512x1xi1>, vector<512x1xf32>
    %eq3A_412 = arith.constant 7 : i32
    %eq3A_413 = vector.broadcast %eq3A_412 : i32 to vector<512x1xi32>
    %eq3A_414 = arith.cmpi eq, %select_n3A_183, %eq3A_413 : vector<512x1xi32>
    %select_n3A_415 = arith.select %eq3A_414, %max3A_265, %select_n3A_411 : vector<512x1xi1>, vector<512x1xf32>
    %broadcast_in_dim3A_416 = arith.constant 0.000000e+00 : f32
    %broadcast_in_dim3A_417 = vector.broadcast %broadcast_in_dim3A_416 : f32 to vector<512x1xf32>
    %eq3A_418 = arith.constant 0 : i32
    %eq3A_419 = vector.broadcast %eq3A_418 : i32 to vector<512x1xi32>
    %eq3A_420 = arith.cmpi eq, %select_n3A_201, %eq3A_419 : vector<512x1xi32>
    %select_n3A_421 = arith.select %eq3A_420, %max3A_214, %broadcast_in_dim3A_417 : vector<512x1xi1>, vector<512x1xf32>
    %eq3A_422 = arith.constant 1 : i32
    %eq3A_423 = vector.broadcast %eq3A_422 : i32 to vector<512x1xi32>
    %eq3A_424 = arith.cmpi eq, %select_n3A_201, %eq3A_423 : vector<512x1xi32>
    %select_n3A_425 = arith.select %eq3A_424, %max3A_221, %select_n3A_421 : vector<512x1xi1>, vector<512x1xf32>
    %eq3A_426 = arith.constant 2 : i32
    %eq3A_427 = vector.broadcast %eq3A_426 : i32 to vector<512x1xi32>
    %eq3A_428 = arith.cmpi eq, %select_n3A_201, %eq3A_427 : vector<512x1xi32>
    %select_n3A_429 = arith.select %eq3A_428, %max3A_228, %select_n3A_425 : vector<512x1xi1>, vector<512x1xf32>
    %eq3A_430 = arith.constant 3 : i32
    %eq3A_431 = vector.broadcast %eq3A_430 : i32 to vector<512x1xi32>
    %eq3A_432 = arith.cmpi eq, %select_n3A_201, %eq3A_431 : vector<512x1xi32>
    %select_n3A_433 = arith.select %eq3A_432, %max3A_235, %select_n3A_429 : vector<512x1xi1>, vector<512x1xf32>
    %eq3A_434 = arith.constant 4 : i32
    %eq3A_435 = vector.broadcast %eq3A_434 : i32 to vector<512x1xi32>
    %eq3A_436 = arith.cmpi eq, %select_n3A_201, %eq3A_435 : vector<512x1xi32>
    %select_n3A_437 = arith.select %eq3A_436, %max3A_242, %select_n3A_433 : vector<512x1xi1>, vector<512x1xf32>
    %eq3A_438 = arith.constant 5 : i32
    %eq3A_439 = vector.broadcast %eq3A_438 : i32 to vector<512x1xi32>
    %eq3A_440 = arith.cmpi eq, %select_n3A_201, %eq3A_439 : vector<512x1xi32>
    %select_n3A_441 = arith.select %eq3A_440, %max3A_249, %select_n3A_437 : vector<512x1xi1>, vector<512x1xf32>
    %eq3A_442 = arith.constant 6 : i32
    %eq3A_443 = vector.broadcast %eq3A_442 : i32 to vector<512x1xi32>
    %eq3A_444 = arith.cmpi eq, %select_n3A_201, %eq3A_443 : vector<512x1xi32>
    %select_n3A_445 = arith.select %eq3A_444, %max3A_256, %select_n3A_441 : vector<512x1xi1>, vector<512x1xf32>
    %eq3A_446 = arith.constant 7 : i32
    %eq3A_447 = vector.broadcast %eq3A_446 : i32 to vector<512x1xi32>
    %eq3A_448 = arith.cmpi eq, %select_n3A_201, %eq3A_447 : vector<512x1xi32>
    %select_n3A_449 = arith.select %eq3A_448, %max3A_265, %select_n3A_445 : vector<512x1xi1>, vector<512x1xf32>
    %broadcast_in_dim3A_450 = arith.constant 0.000000e+00 : f32
    %broadcast_in_dim3A_451 = vector.broadcast %broadcast_in_dim3A_450 : f32 to vector<512x1xf32>
    %eq3A_452 = arith.constant 0 : i32
    %eq3A_453 = vector.broadcast %eq3A_452 : i32 to vector<512x1xi32>
    %eq3A_454 = arith.cmpi eq, %select_n3A_202, %eq3A_453 : vector<512x1xi32>
    %select_n3A_455 = arith.select %eq3A_454, %max3A_214, %broadcast_in_dim3A_451 : vector<512x1xi1>, vector<512x1xf32>
    %eq3A_456 = arith.constant 1 : i32
    %eq3A_457 = vector.broadcast %eq3A_456 : i32 to vector<512x1xi32>
    %eq3A_458 = arith.cmpi eq, %select_n3A_202, %eq3A_457 : vector<512x1xi32>
    %select_n3A_459 = arith.select %eq3A_458, %max3A_221, %select_n3A_455 : vector<512x1xi1>, vector<512x1xf32>
    %eq3A_460 = arith.constant 2 : i32
    %eq3A_461 = vector.broadcast %eq3A_460 : i32 to vector<512x1xi32>
    %eq3A_462 = arith.cmpi eq, %select_n3A_202, %eq3A_461 : vector<512x1xi32>
    %select_n3A_463 = arith.select %eq3A_462, %max3A_228, %select_n3A_459 : vector<512x1xi1>, vector<512x1xf32>
    %eq3A_464 = arith.constant 3 : i32
    %eq3A_465 = vector.broadcast %eq3A_464 : i32 to vector<512x1xi32>
    %eq3A_466 = arith.cmpi eq, %select_n3A_202, %eq3A_465 : vector<512x1xi32>
    %select_n3A_467 = arith.select %eq3A_466, %max3A_235, %select_n3A_463 : vector<512x1xi1>, vector<512x1xf32>
    %eq3A_468 = arith.constant 4 : i32
    %eq3A_469 = vector.broadcast %eq3A_468 : i32 to vector<512x1xi32>
    %eq3A_470 = arith.cmpi eq, %select_n3A_202, %eq3A_469 : vector<512x1xi32>
    %select_n3A_471 = arith.select %eq3A_470, %max3A_242, %select_n3A_467 : vector<512x1xi1>, vector<512x1xf32>
    %eq3A_472 = arith.constant 5 : i32
    %eq3A_473 = vector.broadcast %eq3A_472 : i32 to vector<512x1xi32>
    %eq3A_474 = arith.cmpi eq, %select_n3A_202, %eq3A_473 : vector<512x1xi32>
    %select_n3A_475 = arith.select %eq3A_474, %max3A_249, %select_n3A_471 : vector<512x1xi1>, vector<512x1xf32>
    %eq3A_476 = arith.constant 6 : i32
    %eq3A_477 = vector.broadcast %eq3A_476 : i32 to vector<512x1xi32>
    %eq3A_478 = arith.cmpi eq, %select_n3A_202, %eq3A_477 : vector<512x1xi32>
    %select_n3A_479 = arith.select %eq3A_478, %max3A_256, %select_n3A_475 : vector<512x1xi1>, vector<512x1xf32>
    %eq3A_480 = arith.constant 7 : i32
    %eq3A_481 = vector.broadcast %eq3A_480 : i32 to vector<512x1xi32>
    %eq3A_482 = arith.cmpi eq, %select_n3A_202, %eq3A_481 : vector<512x1xi32>
    %select_n3A_483 = arith.select %eq3A_482, %max3A_265, %select_n3A_479 : vector<512x1xi1>, vector<512x1xf32>
    %broadcast_in_dim3A_484 = arith.constant 0.000000e+00 : f32
    %broadcast_in_dim3A_485 = vector.broadcast %broadcast_in_dim3A_484 : f32 to vector<512x1xf32>
    %eq3A_486 = arith.constant 0 : i32
    %eq3A_487 = vector.broadcast %eq3A_486 : i32 to vector<512x1xi32>
    %eq3A_488 = arith.cmpi eq, %select_n3A_193, %eq3A_487 : vector<512x1xi32>
    %select_n3A_489 = arith.select %eq3A_488, %max3A_214, %broadcast_in_dim3A_485 : vector<512x1xi1>, vector<512x1xf32>
    %eq3A_490 = arith.constant 1 : i32
    %eq3A_491 = vector.broadcast %eq3A_490 : i32 to vector<512x1xi32>
    %eq3A_492 = arith.cmpi eq, %select_n3A_193, %eq3A_491 : vector<512x1xi32>
    %select_n3A_493 = arith.select %eq3A_492, %max3A_221, %select_n3A_489 : vector<512x1xi1>, vector<512x1xf32>
    %eq3A_494 = arith.constant 2 : i32
    %eq3A_495 = vector.broadcast %eq3A_494 : i32 to vector<512x1xi32>
    %eq3A_496 = arith.cmpi eq, %select_n3A_193, %eq3A_495 : vector<512x1xi32>
    %select_n3A_497 = arith.select %eq3A_496, %max3A_228, %select_n3A_493 : vector<512x1xi1>, vector<512x1xf32>
    %eq3A_498 = arith.constant 3 : i32
    %eq3A_499 = vector.broadcast %eq3A_498 : i32 to vector<512x1xi32>
    %eq3A_500 = arith.cmpi eq, %select_n3A_193, %eq3A_499 : vector<512x1xi32>
    %select_n3A_501 = arith.select %eq3A_500, %max3A_235, %select_n3A_497 : vector<512x1xi1>, vector<512x1xf32>
    %eq3A_502 = arith.constant 4 : i32
    %eq3A_503 = vector.broadcast %eq3A_502 : i32 to vector<512x1xi32>
    %eq3A_504 = arith.cmpi eq, %select_n3A_193, %eq3A_503 : vector<512x1xi32>
    %select_n3A_505 = arith.select %eq3A_504, %max3A_242, %select_n3A_501 : vector<512x1xi1>, vector<512x1xf32>
    %eq3A_506 = arith.constant 5 : i32
    %eq3A_507 = vector.broadcast %eq3A_506 : i32 to vector<512x1xi32>
    %eq3A_508 = arith.cmpi eq, %select_n3A_193, %eq3A_507 : vector<512x1xi32>
    %select_n3A_509 = arith.select %eq3A_508, %max3A_249, %select_n3A_505 : vector<512x1xi1>, vector<512x1xf32>
    %eq3A_510 = arith.constant 6 : i32
    %eq3A_511 = vector.broadcast %eq3A_510 : i32 to vector<512x1xi32>
    %eq3A_512 = arith.cmpi eq, %select_n3A_193, %eq3A_511 : vector<512x1xi32>
    %select_n3A_513 = arith.select %eq3A_512, %max3A_256, %select_n3A_509 : vector<512x1xi1>, vector<512x1xf32>
    %eq3A_514 = arith.constant 7 : i32
    %eq3A_515 = vector.broadcast %eq3A_514 : i32 to vector<512x1xi32>
    %eq3A_516 = arith.cmpi eq, %select_n3A_193, %eq3A_515 : vector<512x1xi32>
    %select_n3A_517 = arith.select %eq3A_516, %max3A_265, %select_n3A_513 : vector<512x1xi1>, vector<512x1xf32>
    %broadcast_in_dim3A_518 = arith.constant 0.000000e+00 : f32
    %broadcast_in_dim3A_519 = vector.broadcast %broadcast_in_dim3A_518 : f32 to vector<512x1xf32>
    %eq3A_520 = arith.constant 0 : i32
    %eq3A_521 = vector.broadcast %eq3A_520 : i32 to vector<512x1xi32>
    %eq3A_522 = arith.cmpi eq, %select_n3A_175, %eq3A_521 : vector<512x1xi32>
    %select_n3A_523 = arith.select %eq3A_522, %max3A_214, %broadcast_in_dim3A_519 : vector<512x1xi1>, vector<512x1xf32>
    %eq3A_524 = arith.constant 1 : i32
    %eq3A_525 = vector.broadcast %eq3A_524 : i32 to vector<512x1xi32>
    %eq3A_526 = arith.cmpi eq, %select_n3A_175, %eq3A_525 : vector<512x1xi32>
    %select_n3A_527 = arith.select %eq3A_526, %max3A_221, %select_n3A_523 : vector<512x1xi1>, vector<512x1xf32>
    %eq3A_528 = arith.constant 2 : i32
    %eq3A_529 = vector.broadcast %eq3A_528 : i32 to vector<512x1xi32>
    %eq3A_530 = arith.cmpi eq, %select_n3A_175, %eq3A_529 : vector<512x1xi32>
    %select_n3A_531 = arith.select %eq3A_530, %max3A_228, %select_n3A_527 : vector<512x1xi1>, vector<512x1xf32>
    %eq3A_532 = arith.constant 3 : i32
    %eq3A_533 = vector.broadcast %eq3A_532 : i32 to vector<512x1xi32>
    %eq3A_534 = arith.cmpi eq, %select_n3A_175, %eq3A_533 : vector<512x1xi32>
    %select_n3A_535 = arith.select %eq3A_534, %max3A_235, %select_n3A_531 : vector<512x1xi1>, vector<512x1xf32>
    %eq3A_536 = arith.constant 4 : i32
    %eq3A_537 = vector.broadcast %eq3A_536 : i32 to vector<512x1xi32>
    %eq3A_538 = arith.cmpi eq, %select_n3A_175, %eq3A_537 : vector<512x1xi32>
    %select_n3A_539 = arith.select %eq3A_538, %max3A_242, %select_n3A_535 : vector<512x1xi1>, vector<512x1xf32>
    %eq3A_540 = arith.constant 5 : i32
    %eq3A_541 = vector.broadcast %eq3A_540 : i32 to vector<512x1xi32>
    %eq3A_542 = arith.cmpi eq, %select_n3A_175, %eq3A_541 : vector<512x1xi32>
    %select_n3A_543 = arith.select %eq3A_542, %max3A_249, %select_n3A_539 : vector<512x1xi1>, vector<512x1xf32>
    %eq3A_544 = arith.constant 6 : i32
    %eq3A_545 = vector.broadcast %eq3A_544 : i32 to vector<512x1xi32>
    %eq3A_546 = arith.cmpi eq, %select_n3A_175, %eq3A_545 : vector<512x1xi32>
    %select_n3A_547 = arith.select %eq3A_546, %max3A_256, %select_n3A_543 : vector<512x1xi1>, vector<512x1xf32>
    %eq3A_548 = arith.constant 7 : i32
    %eq3A_549 = vector.broadcast %eq3A_548 : i32 to vector<512x1xi32>
    %eq3A_550 = arith.cmpi eq, %select_n3A_175, %eq3A_549 : vector<512x1xi32>
    %select_n3A_551 = arith.select %eq3A_550, %max3A_265, %select_n3A_547 : vector<512x1xi1>, vector<512x1xf32>
    %broadcast_in_dim3A_552 = arith.constant 0.000000e+00 : f32
    %broadcast_in_dim3A_553 = vector.broadcast %broadcast_in_dim3A_552 : f32 to vector<512x1xf32>
    %eq3A_554 = arith.constant 0 : i32
    %eq3A_555 = vector.broadcast %eq3A_554 : i32 to vector<512x1xi32>
    %eq3A_556 = arith.cmpi eq, %select_n3A_139, %eq3A_555 : vector<512x1xi32>
    %select_n3A_557 = arith.select %eq3A_556, %max3A_214, %broadcast_in_dim3A_553 : vector<512x1xi1>, vector<512x1xf32>
    %eq3A_558 = arith.constant 1 : i32
    %eq3A_559 = vector.broadcast %eq3A_558 : i32 to vector<512x1xi32>
    %eq3A_560 = arith.cmpi eq, %select_n3A_139, %eq3A_559 : vector<512x1xi32>
    %select_n3A_561 = arith.select %eq3A_560, %max3A_221, %select_n3A_557 : vector<512x1xi1>, vector<512x1xf32>
    %eq3A_562 = arith.constant 2 : i32
    %eq3A_563 = vector.broadcast %eq3A_562 : i32 to vector<512x1xi32>
    %eq3A_564 = arith.cmpi eq, %select_n3A_139, %eq3A_563 : vector<512x1xi32>
    %select_n3A_565 = arith.select %eq3A_564, %max3A_228, %select_n3A_561 : vector<512x1xi1>, vector<512x1xf32>
    %eq3A_566 = arith.constant 3 : i32
    %eq3A_567 = vector.broadcast %eq3A_566 : i32 to vector<512x1xi32>
    %eq3A_568 = arith.cmpi eq, %select_n3A_139, %eq3A_567 : vector<512x1xi32>
    %select_n3A_569 = arith.select %eq3A_568, %max3A_235, %select_n3A_565 : vector<512x1xi1>, vector<512x1xf32>
    %eq3A_570 = arith.constant 4 : i32
    %eq3A_571 = vector.broadcast %eq3A_570 : i32 to vector<512x1xi32>
    %eq3A_572 = arith.cmpi eq, %select_n3A_139, %eq3A_571 : vector<512x1xi32>
    %select_n3A_573 = arith.select %eq3A_572, %max3A_242, %select_n3A_569 : vector<512x1xi1>, vector<512x1xf32>
    %eq3A_574 = arith.constant 5 : i32
    %eq3A_575 = vector.broadcast %eq3A_574 : i32 to vector<512x1xi32>
    %eq3A_576 = arith.cmpi eq, %select_n3A_139, %eq3A_575 : vector<512x1xi32>
    %select_n3A_577 = arith.select %eq3A_576, %max3A_249, %select_n3A_573 : vector<512x1xi1>, vector<512x1xf32>
    %eq3A_578 = arith.constant 6 : i32
    %eq3A_579 = vector.broadcast %eq3A_578 : i32 to vector<512x1xi32>
    %eq3A_580 = arith.cmpi eq, %select_n3A_139, %eq3A_579 : vector<512x1xi32>
    %select_n3A_581 = arith.select %eq3A_580, %max3A_256, %select_n3A_577 : vector<512x1xi1>, vector<512x1xf32>
    %eq3A_582 = arith.constant 7 : i32
    %eq3A_583 = vector.broadcast %eq3A_582 : i32 to vector<512x1xi32>
    %eq3A_584 = arith.cmpi eq, %select_n3A_139, %eq3A_583 : vector<512x1xi32>
    %select_n3A_585 = arith.select %eq3A_584, %max3A_265, %select_n3A_581 : vector<512x1xi1>, vector<512x1xf32>
    %broadcast_in_dim3A_586 = arith.constant 0.000000e+00 : f32
    %broadcast_in_dim3A_587 = vector.broadcast %broadcast_in_dim3A_586 : f32 to vector<512x1xf32>
    %concatenate3A = tpu.concatenate %select_n3A_347, %select_n3A_381, %select_n3A_415, %select_n3A_449, %select_n3A_483, %select_n3A_517, %select_n3A_551, %select_n3A_585, %broadcast_in_dim3A_587, %broadcast_in_dim3A_587, %broadcast_in_dim3A_587, %broadcast_in_dim3A_587, %broadcast_in_dim3A_587, %broadcast_in_dim3A_587, %broadcast_in_dim3A_587, %broadcast_in_dim3A_587, %broadcast_in_dim3A_587, %broadcast_in_dim3A_587, %broadcast_in_dim3A_587, %broadcast_in_dim3A_587, %broadcast_in_dim3A_587, %broadcast_in_dim3A_587, %broadcast_in_dim3A_587, %broadcast_in_dim3A_587, %broadcast_in_dim3A_587, %broadcast_in_dim3A_587, %broadcast_in_dim3A_587, %broadcast_in_dim3A_587, %broadcast_in_dim3A_587, %broadcast_in_dim3A_587, %broadcast_in_dim3A_587, %broadcast_in_dim3A_587, %broadcast_in_dim3A_587, %broadcast_in_dim3A_587, %broadcast_in_dim3A_587, %broadcast_in_dim3A_587, %broadcast_in_dim3A_587, %broadcast_in_dim3A_587, %broadcast_in_dim3A_587, %broadcast_in_dim3A_587, %broadcast_in_dim3A_587, %broadcast_in_dim3A_587, %broadcast_in_dim3A_587, %broadcast_in_dim3A_587, %broadcast_in_dim3A_587, %broadcast_in_dim3A_587, %broadcast_in_dim3A_587, %broadcast_in_dim3A_587, %broadcast_in_dim3A_587, %broadcast_in_dim3A_587, %broadcast_in_dim3A_587, %broadcast_in_dim3A_587, %broadcast_in_dim3A_587, %broadcast_in_dim3A_587, %broadcast_in_dim3A_587, %broadcast_in_dim3A_587, %broadcast_in_dim3A_587, %broadcast_in_dim3A_587, %broadcast_in_dim3A_587, %broadcast_in_dim3A_587, %broadcast_in_dim3A_587, %broadcast_in_dim3A_587, %broadcast_in_dim3A_587, %broadcast_in_dim3A_587, %broadcast_in_dim3A_587, %broadcast_in_dim3A_587, %broadcast_in_dim3A_587, %broadcast_in_dim3A_587, %broadcast_in_dim3A_587, %broadcast_in_dim3A_587, %broadcast_in_dim3A_587, %broadcast_in_dim3A_587, %broadcast_in_dim3A_587, %broadcast_in_dim3A_587, %broadcast_in_dim3A_587, %broadcast_in_dim3A_587, %broadcast_in_dim3A_587, %broadcast_in_dim3A_587, %broadcast_in_dim3A_587, %broadcast_in_dim3A_587, %broadcast_in_dim3A_587, %broadcast_in_dim3A_587, %broadcast_in_dim3A_587, %broadcast_in_dim3A_587, %broadcast_in_dim3A_587, %broadcast_in_dim3A_587, %broadcast_in_dim3A_587, %broadcast_in_dim3A_587, %broadcast_in_dim3A_587, %broadcast_in_dim3A_587, %broadcast_in_dim3A_587, %broadcast_in_dim3A_587, %broadcast_in_dim3A_587, %broadcast_in_dim3A_587, %broadcast_in_dim3A_587, %broadcast_in_dim3A_587, %broadcast_in_dim3A_587, %broadcast_in_dim3A_587, %broadcast_in_dim3A_587, %broadcast_in_dim3A_587, %broadcast_in_dim3A_587, %broadcast_in_dim3A_587, %broadcast_in_dim3A_587, %broadcast_in_dim3A_587, %broadcast_in_dim3A_587, %broadcast_in_dim3A_587, %broadcast_in_dim3A_587, %broadcast_in_dim3A_587, %broadcast_in_dim3A_587, %broadcast_in_dim3A_587, %broadcast_in_dim3A_587, %broadcast_in_dim3A_587, %broadcast_in_dim3A_587, %broadcast_in_dim3A_587, %broadcast_in_dim3A_587, %broadcast_in_dim3A_587, %broadcast_in_dim3A_587, %broadcast_in_dim3A_587, %broadcast_in_dim3A_587, %broadcast_in_dim3A_587, %broadcast_in_dim3A_587, %broadcast_in_dim3A_587, %broadcast_in_dim3A_587, %broadcast_in_dim3A_587, %broadcast_in_dim3A_587, %broadcast_in_dim3A_587, %broadcast_in_dim3A_587, %broadcast_in_dim3A_587 in 1 : vector<512x1xf32>, vector<512x1xf32>, vector<512x1xf32>, vector<512x1xf32>, vector<512x1xf32>, vector<512x1xf32>, vector<512x1xf32>, vector<512x1xf32>, vector<512x1xf32>, vector<512x1xf32>, vector<512x1xf32>, vector<512x1xf32>, vector<512x1xf32>, vector<512x1xf32>, vector<512x1xf32>, vector<512x1xf32>, vector<512x1xf32>, vector<512x1xf32>, vector<512x1xf32>, vector<512x1xf32>, vector<512x1xf32>, vector<512x1xf32>, vector<512x1xf32>, vector<512x1xf32>, vector<512x1xf32>, vector<512x1xf32>, vector<512x1xf32>, vector<512x1xf32>, vector<512x1xf32>, vector<512x1xf32>, vector<512x1xf32>, vector<512x1xf32>, vector<512x1xf32>, vector<512x1xf32>, vector<512x1xf32>, vector<512x1xf32>, vector<512x1xf32>, vector<512x1xf32>, vector<512x1xf32>, vector<512x1xf32>, vector<512x1xf32>, vector<512x1xf32>, vector<512x1xf32>, vector<512x1xf32>, vector<512x1xf32>, vector<512x1xf32>, vector<512x1xf32>, vector<512x1xf32>, vector<512x1xf32>, vector<512x1xf32>, vector<512x1xf32>, vector<512x1xf32>, vector<512x1xf32>, vector<512x1xf32>, vector<512x1xf32>, vector<512x1xf32>, vector<512x1xf32>, vector<512x1xf32>, vector<512x1xf32>, vector<512x1xf32>, vector<512x1xf32>, vector<512x1xf32>, vector<512x1xf32>, vector<512x1xf32>, vector<512x1xf32>, vector<512x1xf32>, vector<512x1xf32>, vector<512x1xf32>, vector<512x1xf32>, vector<512x1xf32>, vector<512x1xf32>, vector<512x1xf32>, vector<512x1xf32>, vector<512x1xf32>, vector<512x1xf32>, vector<512x1xf32>, vector<512x1xf32>, vector<512x1xf32>, vector<512x1xf32>, vector<512x1xf32>, vector<512x1xf32>, vector<512x1xf32>, vector<512x1xf32>, vector<512x1xf32>, vector<512x1xf32>, vector<512x1xf32>, vector<512x1xf32>, vector<512x1xf32>, vector<512x1xf32>, vector<512x1xf32>, vector<512x1xf32>, vector<512x1xf32>, vector<512x1xf32>, vector<512x1xf32>, vector<512x1xf32>, vector<512x1xf32>, vector<512x1xf32>, vector<512x1xf32>, vector<512x1xf32>, vector<512x1xf32>, vector<512x1xf32>, vector<512x1xf32>, vector<512x1xf32>, vector<512x1xf32>, vector<512x1xf32>, vector<512x1xf32>, vector<512x1xf32>, vector<512x1xf32>, vector<512x1xf32>, vector<512x1xf32>, vector<512x1xf32>, vector<512x1xf32>, vector<512x1xf32>, vector<512x1xf32>, vector<512x1xf32>, vector<512x1xf32>, vector<512x1xf32>, vector<512x1xf32>, vector<512x1xf32>, vector<512x1xf32>, vector<512x1xf32>, vector<512x1xf32>, vector<512x1xf32>, vector<512x1xf32>, vector<512x1xf32>, vector<512x1xf32>, vector<512x1xf32>, vector<512x1xf32> -> vector<512x128xf32>
    %swap3A = arith.constant 0 : index
    %swap3A_588 = arith.constant 0 : index
    %swap3A_589 = vector.load %arg4[%swap3A, %swap3A_588] : memref<512x128xf32, #tpu.memory_space<vmem>>, vector<512x128xf32>
    tpu.vector_store %arg4[%swap3A, %swap3A_588], %concatenate3A {strides = array<i32>} : memref<512x128xf32, #tpu.memory_space<vmem>>, vector<512x128xf32>,
    %swap3A_590 = arith.constant 0 : index
    %swap3A_591 = arith.constant 0 : index
    %swap3A_592 = vector.load %arg5[%swap3A_590, %swap3A_591] : memref<512x1xf32, #tpu.memory_space<vmem>>, vector<512x1xf32>
    tpu.vector_store %arg5[%swap3A_590, %swap3A_591], %add3A_313 {strides = array<i32>} : memref<512x1xf32, #tpu.memory_space<vmem>>, vector<512x1xf32>,
    return
  }
  func.func @transform_0(%arg0: i32) -> (i32, i32) {
    %c0_i32 = arith.constant 0 : i32
    %c0_i32_0 = arith.constant 0 : i32
    return %arg0, %c0_i32 : i32, i32
  }
  func.func @transform_1(%arg0: i32) -> (i32, i32) {
    %c0_i32 = arith.constant 0 : i32
    %c0_i32_0 = arith.constant 0 : i32
    %c0_i32_1 = arith.constant 0 : i32
    return %c0_i32, %c0_i32_0 : i32, i32
  }
  func.func @transform_2(%arg0: i32) -> (i32, i32) {
    %c0_i32 = arith.constant 0 : i32
    %c0_i32_0 = arith.constant 0 : i32
    %c0_i32_1 = arith.constant 0 : i32
    return %c0_i32, %c0_i32_0 : i32, i32
  }
  func.func @transform_3(%arg0: i32) -> (i32, i32) {
    %c0_i32 = arith.constant 0 : i32
    %c0_i32_0 = arith.constant 0 : i32
    return %arg0, %c0_i32 : i32, i32
  }
  func.func @transform_4(%arg0: i32) -> (i32, i32) {
    %c0_i32 = arith.constant 0 : i32
    %c0_i32_0 = arith.constant 0 : i32
    return %arg0, %c0_i32 : i32, i32
  }
}

module attributes {stable_mosaic.version = 14 : i64} {
  func.func @_combine_body(%arg0: i32, %arg1: i32, %arg2: memref<2048x128xf32, #tpu.memory_space<vmem>>, %arg3: memref<2048x1024xbf16, #tpu.memory_space<vmem>>, %arg4: memref<1x1024x1024xbf16, #tpu.memory_space<vmem>>, %arg5: memref<1x1x1024xf32, #tpu.memory_space<vmem>>, %arg6: memref<2048x1024xf32, #tpu.memory_space<vmem>>) attributes {dimension_semantics = [#tpu.dimension_semantics<parallel>, #tpu.dimension_semantics<arbitrary>], iteration_bounds = array<i64: 4, 8>, scalar_prefetch = 0 : i64, scratch_operands = 0 : i64, tpu.core_type = #tpu.core_type<tc>, window_params = [{transform_indices = @transform_0, window_bounds = array<i64: 2048, 128>}, {transform_indices = @transform_1, window_bounds = array<i64: 2048, 1024>}, {transform_indices = @transform_2, window_bounds = array<i64: 1, 1024, 1024>}, {transform_indices = @transform_3, window_bounds = array<i64: 1, 1, 1024>}, {transform_indices = @transform_4, window_bounds = array<i64: 2048, 1024>}]} {
    %get3A = arith.constant 0 : index
    %get3A_0 = arith.constant 0 : index
    %get3A_1 = vector.load %arg3[%get3A, %get3A_0] : memref<2048x1024xbf16, #tpu.memory_space<vmem>>, vector<2048x1024xbf16>
    %get3A_2 = arith.constant 0 : index
    %get3A_3 = arith.constant 0 : index
    %get3A_4 = arith.constant 0 : index
    %get3A_5 = vector.load %arg4[%get3A_2, %get3A_3, %get3A_4] : memref<1x1024x1024xbf16, #tpu.memory_space<vmem>>, vector<1x1024x1024xbf16>
    %get3A_6 = vector.shape_cast %get3A_5 : vector<1x1024x1024xbf16> to vector<1024x1024xbf16>
    %dot_general3A = arith.constant dense<0.000000e+00> : vector<2048x1024xf32>
    %dot_general3A_7 = tpu.matmul %get3A_1, %get3A_6, %dot_general3A {dimension_numbers = #tpu.dot_dimension_numbers<[1], [1], [0], [0], [0, 0, 1, 0], [], []>, transpose_lhs_hint = false} : vector<2048x1024xbf16>, vector<1024x1024xbf16>, vector<2048x1024xf32> -> vector<2048x1024xf32>
    %get3A_8 = arith.constant 0 : index
    %get3A_9 = arith.constant 0 : index
    %get3A_10 = vector.load %arg2[%get3A_8, %get3A_9] : memref<2048x128xf32, #tpu.memory_space<vmem>>, vector<2048x128xf32>
    %iota3A = tpu.iota {dimensions = array<i32: 1>} : vector<2048x128xi32>
    %eq3A = vector.broadcast %arg1 : i32 to vector<2048x128xi32>
    %eq3A_11 = arith.cmpi eq, %iota3A, %eq3A : vector<2048x128xi32>
    %jit3A = arith.constant 0.000000e+00 : f32
    %broadcast_in_dim3A = vector.broadcast %jit3A : f32 to vector<2048x128xf32>
    %select_n3A = arith.select %eq3A_11, %get3A_10, %broadcast_in_dim3A : vector<2048x128xi1>, vector<2048x128xf32>
    %reduce_sum3A = arith.constant dense<0.000000e+00> : vector<2048xf32>
    %reduce_sum3A_12 = vector.multi_reduction <add>, %select_n3A, %reduce_sum3A [1] : vector<2048x128xf32> to vector<2048xf32>
    %broadcast_in_dim3A_13 = vector.shape_cast %reduce_sum3A_12 : vector<2048xf32> to vector<2048x1xf32>
    %get3A_14 = arith.constant 0 : index
    %get3A_15 = arith.constant 0 : index
    %get3A_16 = arith.constant 0 : index
    %get3A_17 = vector.load %arg5[%get3A_14, %get3A_15, %get3A_16] : memref<1x1x1024xf32, #tpu.memory_space<vmem>>, vector<1x1x1024xf32>
    %get3A_18 = vector.shape_cast %get3A_17 : vector<1x1x1024xf32> to vector<1x1024xf32>
    %add3A = vector.broadcast %get3A_18 : vector<1x1024xf32> to vector<2048x1024xf32>
    %add3A_19 = arith.addf %dot_general3A_7, %add3A : vector<2048x1024xf32>
    %mul3A = vector.broadcast %broadcast_in_dim3A_13 : vector<2048x1xf32> to vector<2048x1024xf32>
    %mul3A_20 = arith.mulf %mul3A, %add3A_19 : vector<2048x1024xf32>
    %eq3A_21 = arith.constant 0 : i32
    %eq3A_22 = arith.cmpi eq, %arg1, %eq3A_21 : i32
    %convert_element_type3A = arith.extui %eq3A_22 : i1 to i32
    %cond3A = arith.constant 0 : i32
    %cond3A_23 = arith.cmpi ne, %convert_element_type3A, %cond3A : i32
    scf.if %cond3A_23 {
      %swap3A = arith.constant 0 : index
      %swap3A_28 = arith.constant 0 : index
      %swap3A_29 = vector.load %arg6[%swap3A, %swap3A_28] : memref<2048x1024xf32, #tpu.memory_space<vmem>>, vector<2048x1024xf32>
      tpu.vector_store %arg6[%swap3A, %swap3A_28], %mul3A_20 {strides = array<i32>} : memref<2048x1024xf32, #tpu.memory_space<vmem>>, vector<2048x1024xf32>,
    } else {
    }
    %ne3A = arith.constant 0 : i32
    %ne3A_24 = arith.cmpi ne, %arg1, %ne3A : i32
    %convert_element_type3A_25 = arith.extui %ne3A_24 : i1 to i32
    %cond3A_26 = arith.constant 0 : i32
    %cond3A_27 = arith.cmpi ne, %convert_element_type3A_25, %cond3A_26 : i32
    scf.if %cond3A_27 {
      %get3A_28 = arith.constant 0 : index
      %get3A_29 = arith.constant 0 : index
      %get3A_30 = vector.load %arg6[%get3A_28, %get3A_29] : memref<2048x1024xf32, #tpu.memory_space<vmem>>, vector<2048x1024xf32>
      %add3A_31 = arith.addf %get3A_30, %mul3A_20 : vector<2048x1024xf32>
      %swap3A = arith.constant 0 : index
      %swap3A_32 = arith.constant 0 : index
      %swap3A_33 = vector.load %arg6[%swap3A, %swap3A_32] : memref<2048x1024xf32, #tpu.memory_space<vmem>>, vector<2048x1024xf32>
      tpu.vector_store %arg6[%swap3A, %swap3A_32], %add3A_31 {strides = array<i32>} : memref<2048x1024xf32, #tpu.memory_space<vmem>>, vector<2048x1024xf32>,
    } else {
    }
    return
  }
  func.func @transform_0(%arg0: i32, %arg1: i32) -> (i32, i32) {
    %c0_i32 = arith.constant 0 : i32
    %c0_i32_0 = arith.constant 0 : i32
    return %arg0, %c0_i32 : i32, i32
  }
  func.func @transform_1(%arg0: i32, %arg1: i32) -> (i32, i32) {
    %c0_i32 = arith.constant 0 : i32
    %c0_i32_0 = arith.constant 0 : i32
    return %arg0, %c0_i32 : i32, i32
  }
  func.func @transform_2(%arg0: i32, %arg1: i32) -> (i32, i32, i32) {
    %c0_i32 = arith.constant 0 : i32
    %c0_i32_0 = arith.constant 0 : i32
    %c0_i32_1 = arith.constant 0 : i32
    return %arg1, %c0_i32, %c0_i32_0 : i32, i32, i32
  }
  func.func @transform_3(%arg0: i32, %arg1: i32) -> (i32, i32, i32) {
    %c0_i32 = arith.constant 0 : i32
    %c0_i32_0 = arith.constant 0 : i32
    %c0_i32_1 = arith.constant 0 : i32
    return %arg1, %c0_i32, %c0_i32_0 : i32, i32, i32
  }
  func.func @transform_4(%arg0: i32, %arg1: i32) -> (i32, i32) {
    %c0_i32 = arith.constant 0 : i32
    %c0_i32_0 = arith.constant 0 : i32
    return %arg0, %c0_i32 : i32, i32
  }
}

module attributes {stable_mosaic.version = 14 : i64} {
  func.func @_combine_body(%arg0: i32, %arg1: i32, %arg2: memref<1792x128xf32, #tpu.memory_space<vmem>>, %arg3: memref<1792x1024xbf16, #tpu.memory_space<vmem>>, %arg4: memref<1x1024x1024xbf16, #tpu.memory_space<vmem>>, %arg5: memref<1x1x1024xf32, #tpu.memory_space<vmem>>, %arg6: memref<1792x1024xf32, #tpu.memory_space<vmem>>) attributes {dimension_semantics = [#tpu.dimension_semantics<parallel>, #tpu.dimension_semantics<arbitrary>], iteration_bounds = array<i64: 2, 8>, scalar_prefetch = 0 : i64, scratch_operands = 0 : i64, tpu.core_type = #tpu.core_type<tc>, window_params = [{transform_indices = @transform_0, window_bounds = array<i64: 1792, 128>}, {transform_indices = @transform_1, window_bounds = array<i64: 1792, 1024>}, {transform_indices = @transform_2, window_bounds = array<i64: 1, 1024, 1024>}, {transform_indices = @transform_3, window_bounds = array<i64: 1, 1, 1024>}, {transform_indices = @transform_4, window_bounds = array<i64: 1792, 1024>}]} {
    %get3A = arith.constant 0 : index
    %get3A_0 = arith.constant 0 : index
    %get3A_1 = vector.load %arg3[%get3A, %get3A_0] : memref<1792x1024xbf16, #tpu.memory_space<vmem>>, vector<1792x1024xbf16>
    %get3A_2 = arith.constant 0 : index
    %get3A_3 = arith.constant 0 : index
    %get3A_4 = arith.constant 0 : index
    %get3A_5 = vector.load %arg4[%get3A_2, %get3A_3, %get3A_4] : memref<1x1024x1024xbf16, #tpu.memory_space<vmem>>, vector<1x1024x1024xbf16>
    %get3A_6 = vector.shape_cast %get3A_5 : vector<1x1024x1024xbf16> to vector<1024x1024xbf16>
    %dot_general3A = arith.constant dense<0.000000e+00> : vector<1792x1024xf32>
    %dot_general3A_7 = tpu.matmul %get3A_1, %get3A_6, %dot_general3A {dimension_numbers = #tpu.dot_dimension_numbers<[1], [1], [0], [0], [0, 0, 1, 0], [], []>, transpose_lhs_hint = false} : vector<1792x1024xbf16>, vector<1024x1024xbf16>, vector<1792x1024xf32> -> vector<1792x1024xf32>
    %get3A_8 = arith.constant 0 : index
    %get3A_9 = arith.constant 0 : index
    %get3A_10 = vector.load %arg2[%get3A_8, %get3A_9] : memref<1792x128xf32, #tpu.memory_space<vmem>>, vector<1792x128xf32>
    %iota3A = tpu.iota {dimensions = array<i32: 1>} : vector<1792x128xi32>
    %eq3A = vector.broadcast %arg1 : i32 to vector<1792x128xi32>
    %eq3A_11 = arith.cmpi eq, %iota3A, %eq3A : vector<1792x128xi32>
    %jit3A = arith.constant 0.000000e+00 : f32
    %broadcast_in_dim3A = vector.broadcast %jit3A : f32 to vector<1792x128xf32>
    %select_n3A = arith.select %eq3A_11, %get3A_10, %broadcast_in_dim3A : vector<1792x128xi1>, vector<1792x128xf32>
    %reduce_sum3A = arith.constant dense<0.000000e+00> : vector<1792xf32>
    %reduce_sum3A_12 = vector.multi_reduction <add>, %select_n3A, %reduce_sum3A [1] : vector<1792x128xf32> to vector<1792xf32>
    %broadcast_in_dim3A_13 = vector.shape_cast %reduce_sum3A_12 : vector<1792xf32> to vector<1792x1xf32>
    %get3A_14 = arith.constant 0 : index
    %get3A_15 = arith.constant 0 : index
    %get3A_16 = arith.constant 0 : index
    %get3A_17 = vector.load %arg5[%get3A_14, %get3A_15, %get3A_16] : memref<1x1x1024xf32, #tpu.memory_space<vmem>>, vector<1x1x1024xf32>
    %get3A_18 = vector.shape_cast %get3A_17 : vector<1x1x1024xf32> to vector<1x1024xf32>
    %add3A = vector.broadcast %get3A_18 : vector<1x1024xf32> to vector<1792x1024xf32>
    %add3A_19 = arith.addf %dot_general3A_7, %add3A : vector<1792x1024xf32>
    %mul3A = vector.broadcast %broadcast_in_dim3A_13 : vector<1792x1xf32> to vector<1792x1024xf32>
    %mul3A_20 = arith.mulf %mul3A, %add3A_19 : vector<1792x1024xf32>
    %eq3A_21 = arith.constant 0 : i32
    %eq3A_22 = arith.cmpi eq, %arg1, %eq3A_21 : i32
    %convert_element_type3A = arith.extui %eq3A_22 : i1 to i32
    %cond3A = arith.constant 0 : i32
    %cond3A_23 = arith.cmpi ne, %convert_element_type3A, %cond3A : i32
    scf.if %cond3A_23 {
      %swap3A = arith.constant 0 : index
      %swap3A_28 = arith.constant 0 : index
      %swap3A_29 = vector.load %arg6[%swap3A, %swap3A_28] : memref<1792x1024xf32, #tpu.memory_space<vmem>>, vector<1792x1024xf32>
      tpu.vector_store %arg6[%swap3A, %swap3A_28], %mul3A_20 {strides = array<i32>} : memref<1792x1024xf32, #tpu.memory_space<vmem>>, vector<1792x1024xf32>,
    } else {
    }
    %ne3A = arith.constant 0 : i32
    %ne3A_24 = arith.cmpi ne, %arg1, %ne3A : i32
    %convert_element_type3A_25 = arith.extui %ne3A_24 : i1 to i32
    %cond3A_26 = arith.constant 0 : i32
    %cond3A_27 = arith.cmpi ne, %convert_element_type3A_25, %cond3A_26 : i32
    scf.if %cond3A_27 {
      %get3A_28 = arith.constant 0 : index
      %get3A_29 = arith.constant 0 : index
      %get3A_30 = vector.load %arg6[%get3A_28, %get3A_29] : memref<1792x1024xf32, #tpu.memory_space<vmem>>, vector<1792x1024xf32>
      %add3A_31 = arith.addf %get3A_30, %mul3A_20 : vector<1792x1024xf32>
      %swap3A = arith.constant 0 : index
      %swap3A_32 = arith.constant 0 : index
      %swap3A_33 = vector.load %arg6[%swap3A, %swap3A_32] : memref<1792x1024xf32, #tpu.memory_space<vmem>>, vector<1792x1024xf32>
      tpu.vector_store %arg6[%swap3A, %swap3A_32], %add3A_31 {strides = array<i32>} : memref<1792x1024xf32, #tpu.memory_space<vmem>>, vector<1792x1024xf32>,
    } else {
    }
    return
  }
  func.func @transform_0(%arg0: i32, %arg1: i32) -> (i32, i32) {
    %c0_i32 = arith.constant 0 : i32
    %c0_i32_0 = arith.constant 0 : i32
    return %arg0, %c0_i32 : i32, i32
  }
  func.func @transform_1(%arg0: i32, %arg1: i32) -> (i32, i32) {
    %c0_i32 = arith.constant 0 : i32
    %c0_i32_0 = arith.constant 0 : i32
    return %arg0, %c0_i32 : i32, i32
  }
  func.func @transform_2(%arg0: i32, %arg1: i32) -> (i32, i32, i32) {
    %c0_i32 = arith.constant 0 : i32
    %c0_i32_0 = arith.constant 0 : i32
    %c0_i32_1 = arith.constant 0 : i32
    return %arg1, %c0_i32, %c0_i32_0 : i32, i32, i32
  }
  func.func @transform_3(%arg0: i32, %arg1: i32) -> (i32, i32, i32) {
    %c0_i32 = arith.constant 0 : i32
    %c0_i32_0 = arith.constant 0 : i32
    %c0_i32_1 = arith.constant 0 : i32
    return %arg1, %c0_i32, %c0_i32_0 : i32, i32, i32
  }
  func.func @transform_4(%arg0: i32, %arg1: i32) -> (i32, i32) {
    %c0_i32 = arith.constant 0 : i32
    %c0_i32_0 = arith.constant 0 : i32
    return %arg0, %c0_i32 : i32, i32
  }
}

</mosaic_0001>

<sc_bundles>
// kernel: branch_1_fun.5.cloned.1.call-start
scs
__scs_entry_jumppad:
0x0: {  	(pc) =	sbr.rel $0x88, $3  }
0x1: {  	(tag) =	ssettag $0x0;
	lr =	simm.s32 $0x1  }
0x2: {  	[smem:$0x3F9C] =	sst lr;
	_ =	strace $0xD0000000  }
0x3: {  	_ = 	snop  }
0x4: {  	_ = 	snop  }
0x5: {  	_ = 	snop  }
0x6: {  	_ = 	snop  }
0x7: {  	_ = 	snop  }
__scs_overlays_trampoline_lowered:
0x8: {  	[smem:$0x3FAB] =	sst s0  }
0x9: {  	[smem:$0x3FAC] =	sst s1  }
0xa: {  	[smem:$0x3FAD] =	sst s2  }
0xb: {  	[smem:$0x3FAE] =	sst s3  }
0xc: {  	[smem:$0x3FAF] =	sst s4  }
0xd: {  	[smem:$0x3FB0] =	sst s5  }
0xe: {  	[smem:$0x3FB1] =	sst s6  }
0xf: {  	[smem:$0x3FB2] =	sst s7  }
0x10: {  	[smem:$0x3FB3] =	sst s8  }
0x11: {  	[smem:$0x3FB4] =	sst s9;
	s0 =	simm.s32 @!p0 $0x0  }
0x12: {  	s1 =	sld [smem:$0x3F9A];
	s0 =	simm.s32 @p0 $0x1  }
0x13: {  	[smem:$0x3FB5] =	sst s0;
	s0 =	simm.s32 @!p1 $0x0  }
0x14: {  	s2 =	sld [smem:$0x3F99];
	s0 =	simm.s32 @p1 $0x1  }
0x15: {  	[smem:$0x3FB6] =	sst s0;
	s0 =	simm.s32 @!p2 $0x0  }
0x16: {  	s3 =	sld [smem:$0x3FDB];
	s0 =	simm.s32 @p2 $0x1  }
0x17: {  	s4 =	simm.s32 $0x1BF5;
	[smem:$0x3FB8] =	sst s0  }
0x18: {  	s0 =	sld [smem:$0x3F9B];
	_ =	swait.ge [sflag:s4], $0x0  }
0x19: {  	s7 =	sld [smem:$0x3F9C]  }
0x1a: {  	s8 =	sadd.s32 $0xFFFFE003, lr  }
0x1b: {  	s9 =	sadd.s32 $0xFFFFFEF7, lr;
	s5 =	simm.s32 $0xFFFFFFFF;
	p2 =	slt.u32 s8, $0xFFFFF086  }
0x1c: {  	p1 =	slt.u32 s9, $0xF7A;
	s5 =	simm.s32 @!p2 $0x0  }
0x1d: {  	s5 =	simm.s32 @p1 $0x1;
	p0 =	seq.s32 s7, s2  }
0x1e: {  	s7 =	smul.u32 @!p0 $0xF7A, s2;
	p2 =	seq.s32 @!p0 s5, $0x0  }
0x1f: {  	s9 =	smul.u32 $0xF7A, s1;
	s8 =	simm.s32 @!p0 $0x1BF5;
	p2 =	por !p2, p0  }
0x20: {  	[sflag:s8] =	ssyncset.s32 @!p0 $0xFFFFF086;
	s6 =	sadd.s32 @!p0 s3, s7;
	s7 =	simm.s32 @!p0 $0x108  }
0x21: {  	s3 =	sadd.s32 s3, s9;
	s6 =	sadd.s32 @!p0 $0x88, s6;
	s7 =	simm.s32 @p2 $0x1082  }
0x22: {  	[simem:s7], [sflag:s8] =	dma.local @!p0 [hbm:s6], $0xF7A  }
0x23: {  	s9 =	sor.u32 $0xD0000000, s2;
	s6 =	simm.s32 $0x108;
	_ =	swait.ge @!p0 [sflag:s8], $0x0  }
0x24: {  	s3 =	sadd.s32 $0x88, s3;
	s6 =	simm.s32 @!p1 $0x1082;
	[sflag:s4] =	ssyncset.s32 $0xFFFFF086  }
0x25: {  	[simem:s6], [sflag:s4] =	dma.local [hbm:s3], $0xF7A  }
0x26: {  	[smem:$0x3F9C] =	sst s1;
	(tag) =	ssettag s2;
	_ =	strace s9  }
0x27: {  	s1 =	sld [smem:$0x3FAC]  }
0x28: {  	s2 =	sld [smem:$0x3FAD]  }
0x29: {  	s4 =	sld [smem:$0x3FAF]  }
0x2a: {  	p0 =	seq.s32 s5, $0x0;
	s5 =	sld [smem:$0x3FB0]  }
0x2b: {  	s6 =	sld [smem:$0x3FB1]  }
0x2c: {  	s7 =	sld [smem:$0x3FB2]  }
0x2d: {  	s3 =	simm.s32 $0x108;
	s8 =	sld [smem:$0x3FB3]  }
0x2e: {  	s3 =	simm.s32 @!p0 $0x1082;
	s9 =	sld [smem:$0x3FB4]  }
0x2f: {  	lr =	sadd.s32 s0, s3;
	s0 =	sld [smem:$0x3FAB]  }
0x30: {  	s3 =	sld [smem:$0x3FAE]  }
0x31: {  	[smem:$0x3FB7] =	sst s10  }
0x32: {  	s10 =	sld [smem:$0x3FB5];
	_ =	sdelay $0x3  }
0x33: {  	p0 =	seq.s32 s10, $0x1;
	s10 =	sld [smem:$0x3FB7];
	_ =	sdelay $0x3  }
0x34: {  	[smem:$0x3FB7] =	sst s10  }
0x35: {  	s10 =	sld [smem:$0x3FB6];
	_ =	sdelay $0x3  }
0x36: {  	p1 =	seq.s32 s10, $0x1;
	s10 =	sld [smem:$0x3FB7];
	_ =	sdelay $0x3  }
0x37: {  	[smem:$0x3FB7] =	sst s10  }
0x38: {  	s10 =	sld [smem:$0x3FB8]  }
0x39: {  	_ = 	snop;
	(pc) =	sbr.ind lr, $3  }
0x3a: {  	_ = 	snop  }
0x3b: {  	_ = 	snop  }
0x3c: {  	p2 =	seq.s32 s10, $0x1;
	s10 =	sld [smem:$0x3FB7]  }
0x3d: {  	_ =	shalt  }
0x3e: {  	_ =	shalt  }
0x3f: {  	_ =	shalt  }
0x40: {  	_ =	shalt  }
0x41: {  	_ =	shalt  }
0x42: {  	_ =	shalt  }
0x43: {  	_ =	shalt  }
0x44: {  	_ =	shalt  }
0x45: {  	_ =	shalt  }
0x46: {  	_ =	shalt  }
0x47: {  	_ =	shalt  }
0x48: {  	_ =	shalt  }
0x49: {  	_ =	shalt  }
0x4a: {  	_ =	shalt  }
0x4b: {  	_ =	shalt  }
0x4c: {  	_ =	shalt  }
0x4d: {  	_ =	shalt  }
0x4e: {  	_ =	shalt  }
0x4f: {  	_ =	shalt  }
0x50: {  	_ =	shalt  }
0x51: {  	_ =	shalt  }
0x52: {  	_ =	shalt  }
0x53: {  	_ =	shalt  }
0x54: {  	_ =	shalt  }
0x55: {  	_ =	shalt  }
0x56: {  	_ =	shalt  }
0x57: {  	_ =	shalt  }
0x58: {  	_ =	shalt  }
0x59: {  	_ =	shalt  }
0x5a: {  	_ =	shalt  }
0x5b: {  	_ =	shalt  }
0x5c: {  	_ =	shalt  }
0x5d: {  	_ =	shalt  }
0x5e: {  	_ =	shalt  }
0x5f: {  	_ =	shalt  }
0x60: {  	_ =	shalt  }
0x61: {  	_ =	shalt  }
0x62: {  	_ =	shalt  }
0x63: {  	_ =	shalt  }
0x64: {  	_ =	shalt  }
0x65: {  	_ =	shalt  }
0x66: {  	_ =	shalt  }
0x67: {  	_ =	shalt  }
0x68: {  	_ =	shalt  }
0x69: {  	_ =	shalt  }
0x6a: {  	_ =	shalt  }
0x6b: {  	_ =	shalt  }
0x6c: {  	_ =	shalt  }
0x6d: {  	_ =	shalt  }
0x6e: {  	_ =	shalt  }
0x6f: {  	_ =	shalt  }
0x70: {  	_ =	shalt  }
0x71: {  	_ =	shalt  }
0x72: {  	_ =	shalt  }
0x73: {  	_ =	shalt  }
0x74: {  	_ =	shalt  }
0x75: {  	_ =	shalt  }
0x76: {  	_ =	shalt  }
0x77: {  	_ =	shalt  }
0x78: {  	_ =	shalt  }
0x79: {  	_ =	shalt  }
0x7a: {  	_ =	shalt  }
0x7b: {  	_ =	shalt  }
0x7c: {  	_ =	shalt  }
0x7d: {  	_ =	shalt  }
0x7e: {  	_ =	shalt  }
0x7f: {  	_ =	shalt  }
0x80: {  	_ =	shalt  }
0x81: {  	_ =	shalt  }
0x82: {  	_ =	shalt  }
0x83: {  	_ =	shalt  }
0x84: {  	_ =	shalt  }
0x85: {  	_ =	shalt  }
0x86: {  	_ =	shalt  }
0x87: {  	_ =	shalt  }
.Lfunc_end0:
.L_simem_size_0:
called_computation_lowered:
.L_overlay_start_0:
0x88: {  	s2 =	sld [smem:$0x3FD9]  }
0x89: {  	s3 =	sld [smem:$0x3FFE];
	_ =	sdelay $0x1  }
0x8a: {  	s1 =	srdreg.scid  }
0x8b: {  	s0 =	sand.u32 $0x1, s1  }
0x8c: {  	s14 =	sshll.u32 s0, $0xA;
	s2 =	sadd.s32 s3, s2  }
0x8d: {  	s2 =	sadd.s32 s2, s14  }
0x8e: {  	[smem:$0x3FC3] =	sst s2  }
0x8f: {  	_ = 	snop  }
0x90: {  	s2 =	sld [smem:$0x3FD0];
	_ =	sdelay $0x2  }
0x91: {  	s4 =	simm.s32 $0xA;
	s5 =	simm.s32 $0x10;
	s15 =	sld [smem:$0x3FC9]  }
0x92: {  	[smem:s5], [sflag:s4] =	dma.local [hbm:s2], $0x1  }
0x93: {  	_ =	swait.eq [sflag:s4], $0x1  }
0x94: {  	[sflag:s4] =	ssyncset.done $0x0  }
0x95: {  	[sflag:s4] =	ssyncadd.s32 $0xFFFFFFFF  }
0x96: {  	s16 =	sld [smem:$0x10];
	(tm) =	ssettm $0x1  }
0x97: {  	s17 =	sld [smem:$0x3FFB];
	_ =	sdelay $0x3  }
0x98: {  	_ =	strace s17  }
0x99: {  	s4 =	sld [smem:$0x3FFC];
	_ =	sdelay $0x3  }
0x9a: {  	_ =	strace s4  }
0x9b: {  	s4 =	sld [smem:$0x3FFD];
	_ =	sdelay $0x3  }
0x9c: {  	_ =	strace s4  }
0x9d: {  	_ =	strace $0x8FFFFFFF  }
0x9e: {  	s18 =	sld [smem:$0x3FDB];
	_ =	sdelay $0x1  }
0x9f: {  	s19 =	simm.s32 $_scs_section_size  }
0xa0: {  	s6 =	simm.s32 $_size__tile_overlayer_lowered;
	s7 =	simm.s32 $_tile_overlayer_lowered  }
0xa1: {  	s22 =	simm.s32 $0x1BFF;
	s21 =	sshll.u32 s7, $0x1;
	s4 =	sadd.s32 s19, s18  }
0xa2: {  	s8 =	simm.s32 $0x0;
	s20 =	sshll.u32 s6, $0x1;
	s6 =	sadd.s32 s21, s4  }
0xa3: {  	[timem:s8], [sflag:s22] =	dma.local [hbm:s6], s20  }
0xa4: {  	_ =	swait.ge [sflag:s22], s20  }
0xa5: {  	s5 =	ssub.s32 $0x0, s20;
	[sflag:s22] =	ssyncset.done $0x0  }
0xa6: {  	[sflag:s22] =	ssyncadd.s32 s5;
	_ =	sdelay $0x1  }
0xa7: {  	s23 =	simm.s32 $0x1B8B  }
0xa8: {  	_ =	swait.ge [sflag:s23], $0x1  }
0xa9: {  	[sflag:s23] =	ssyncset.done $0x0  }
0xaa: {  	s25 =	simm.s32 $0x1B8E;
	s24 =	sld [smem:$0x3FFE];
	[sflag:s23] =	ssyncadd.s32 $0xFFFFFFFF  }
0xab: {  	s26 =	simm.s32 $execute0_lowered;
	[smem:$0x3FD2] =	sst s25  }
0xac: {  	s6 =	sshll.u32 s26, $0x1;
	_ =	strace $0x80000046;
	[dreg:$0x1] =	wrdreg $0xFFFFFFFF  }
0xad: {  	s28 =	simm.s32 $_size_execute0_lowered;
	s4 =	sadd.s32 s4, s6;
	[dreg:$0x0] =	wrdreg $0x0  }
0xae: {  	s6 =	sshll.u32 s28, $0x1;
	[dreg:$0x2] =	wrdreg s4  }
0xaf: {  	[dreg:$0x3] =	wrdreg s6  }
0xb0: {  	[dreg:$0x4] =	wrdreg $0xC0  }
0xb1: {  	_ =	task [dreg:s8], $0x5FFFF  }
0xb2: {  	[dreg:$0x1] =	wrdreg $0xFFFFFFFF  }
0xb3: {  	[dreg:$0x0] =	wrdreg $0x60  }
0xb4: {  	[dreg:$0x2] =	wrdreg s15  }
0xb5: {  	[dreg:$0x3] =	wrdreg s24  }
0xb6: {  	[dreg:$0x4] =	wrdreg s16  }
0xb7: {  	[dreg:$0x5] =	wrdreg $0x9  }
0xb8: {  	_ =	task.clear_ibuf [dreg:s8], $0x6FFFF;
	_ =	strace $0x90000046  }
0xb9: {  	s29 =	simm.s32 $0x9;
	_ =	strace $0x80000048  }
0xba: {  	_ =	swait.ge [sflag:s29], $0x1  }
0xbb: {  	[sflag:s29] =	ssyncadd.s32 $0xFFFFFFFF  }
0xbc: {  	_ =	strace $0x90000048  }
0xbd: {  	_ =	sfence  }
0xbe: {  	s30 =	sld [smem:$0x0];
	_ =	sdelay $0x2  }
0xbf: {  	s31 =	sshll.u32 s1, $0xD;
	s1 =	sshrl.u32 s1, $0x2  }
0xc0: {  	s3 =	sand.u32 $0x4000, s31;
	s1 =	sadd.s32 s1, s30  }
0xc1: {  	s0 =	sor.u32 s3, s0;
	s1 =	sshll.u32 s1, $0x11  }
0xc2: {  	s0 =	sor.u32 s1, s0  }
0xc3: {  	s0 =	sadd.s32 $0x8F2B, s0  }
0xc4: {  	[sflag:s0] =	ssyncadd.remote.s32 $0x1  }
0xc5: {  	_ =	sfence.sel $0xFFFF  }
0xc6: {  	[dreg:$0x0] =	wrdreg $0xFFFFFFFF;
	(pc) =	sbr.abs _section_cstart, $3  }
0xc7: {  	[dreg:$0x1] =	wrdreg $0xFFFFFFFF  }
0xc8: {  	_ =	task.clear_ibuf [dreg:s8], $0x2FFFF;
	_ =	strace $0x9FFFFFFF  }
0xc9: {  	(tm) =	ssettm $0x7FFFFFFF  }
tec
execute0_lowered:
.L_overlay_start_1:
0x0: {  	(tag) =	ssettag $0x1  }
0x1: {  	s1 =	rddreg [dreg:$0x0]  }
0x2: {  	s4 =	rddreg [dreg:$0x1]  }
0x3: {  	s5 =	rddreg [dreg:$0x2];
	s3 =	simm.s32 $0x0  }
0x4: {  	[smem:$0x7FF] =	sst s3;
	s9 =	sadd.s32 $0x83A00, s4  }
0x5: {  	s12 =	simm.s32 $0x880;
	_ =	strace $0x80000047;
	[dreg:$0x4] =	wrdreg s9  }
0x6: {  	s13 =	simm.s32 $0x1080;
	[dreg:$0x8] =	wrdreg s12  }
0x7: {  	s14 =	simm.s32 $0x1880;
	[dreg:$0x9] =	wrdreg s13  }
0x8: {  	s15 =	simm.s32 $0x2080;
	[dreg:$0xa] =	wrdreg s14  }
0x9: {  	s16 =	simm.s32 $0x2880;
	[dreg:$0xb] =	wrdreg s15  }
0xa: {  	s17 =	simm.s32 $0x3080;
	[dreg:$0xc] =	wrdreg s16  }
0xb: {  	s18 =	simm.s32 $0x3880;
	[dreg:$0xd] =	wrdreg s17  }
0xc: {  	s19 =	simm.s32 $0x4080;
	[dreg:$0xe] =	wrdreg s18  }
0xd: {  	s20 =	simm.s32 $0x4880;
	[dreg:$0xf] =	wrdreg s19  }
0xe: {  	s21 =	simm.s32 $0x5080;
	[dreg:$0x10] =	wrdreg s20  }
0xf: {  	s22 =	simm.s32 $0x5880;
	[dreg:$0x11] =	wrdreg s21  }
0x10: {  	s23 =	simm.s32 $0x6080;
	[dreg:$0x12] =	wrdreg s22  }
0x11: {  	s24 =	simm.s32 $0x6880;
	[dreg:$0x13] =	wrdreg s23  }
0x12: {  	s25 =	simm.s32 $0x7080;
	[dreg:$0x14] =	wrdreg s24  }
0x13: {  	s0 =	stileid.u32;
	s26 =	simm.s32 $0x7880;
	[dreg:$0x15] =	wrdreg s25  }
0x14: {  	s6 =	sshll.u32 s0, $0x1;
	s0 =	simm.s32 $0x8080;
	[dreg:$0x16] =	wrdreg s26  }
0x15: {  	s10 =	simm.s32 $0xB080;
	[dreg:$0x17] =	wrdreg s0  }
0x16: {  	s11 =	simm.s32 $0xB880;
	[dreg:$0x1d] =	wrdreg s10  }
0x17: {  	s9 =	simm.s32 $0xA880;
	[dreg:$0x1e] =	wrdreg s11  }
0x18: {  	s2 =	srdreg.scid;
	s12 =	simm.s32 $0xC080;
	[dreg:$0x1c] =	wrdreg s9  }
0x19: {  	s28 =	simm.s32 $0x1B880;
	s13 =	simm.s32 $0xC880;
	[dreg:$0x1f] =	wrdreg s12  }
0x1a: {  	s29 =	simm.s32 $0x70;
	s14 =	simm.s32 $0xD080;
	[smem:$0x7F1] =	sst s13  }
0x1b: {  	s30 =	simm.s32 $0x1C080;
	s15 =	simm.s32 $0xD880;
	[smem:$0x7F2] =	sst s14  }
0x1c: {  	s31 =	simm.s32 $0x1;
	s16 =	simm.s32 $0xE080;
	[smem:$0x7F3] =	sst s15  }
0x1d: {  	s2 =	sand.u32 $0x1, s2;
	s17 =	simm.s32 $0xE880;
	[smem:$0x7F4] =	sst s16  }
0x1e: {  	s6 =	sor.u32 s2, s6;
	s18 =	simm.s32 $0xF080;
	[smem:$0x7F5] =	sst s17  }
0x1f: {  	s2 =	ssub.s32 $0x2, s2;
	s20 =	simm.s32 $0xF880;
	[smem:$0x7F6] =	sst s18  }
0x20: {  	s21 =	simm.s32 $0x10080;
	s22 =	simm.s32 $0x10880;
	[smem:$0x7F7] =	sst s20  }
0x21: {  	s23 =	simm.s32 $0x11080;
	s24 =	simm.s32 $0x11880;
	[smem:$0x7F8] =	sst s21  }
0x22: {  	s25 =	simm.s32 $0x12080;
	s7 =	smul.u32 $0xE, s6;
	[smem:$0x7F9] =	sst s22  }
0x23: {  	s26 =	simm.s32 $0x12880;
	s8 =	smul.u32 $0x700, s6;
	[smem:$0x7FA] =	sst s23  }
0x24: {  	s11 =	simm.s32 $0x13880;
	s6 =	smul.u32 $0x3800, s6;
	[smem:$0x7FB] =	sst s24  }
0x25: {  	s19 =	sshrl.u32 s2, $0x1;
	[smem:$0x7FC] =	sst s25;
	s9 =	simm.s32 $0x80  }
0x26: {  	[smem:$0x7FD] =	sst s26;
	s12 =	simm.s32 $0x14080;
	s13 =	simm.s32 $0x14880  }
0x27: {  	s14 =	simm.s32 $0x15080;
	s15 =	simm.s32 $0x15880;
	s16 =	simm.s32 $0x16080  }
0x28: {  	s17 =	simm.s32 $0x16880;
	s18 =	simm.s32 $0x17080;
	s20 =	simm.s32 $0x18080  }
0x29: {  	s21 =	simm.s32 $0x18880;
	s22 =	simm.s32 $0x19080;
	s23 =	simm.s32 $0x19880  }
0x2a: {  	s24 =	simm.s32 $0x1A080;
	s25 =	simm.s32 $0x1A880;
	s5 =	sadd.s32 s5, s6  }
0x2b: {  	s7 =	sadd.s32 s7, s4;
	s6 =	simm.s32 $0x9080;
	[dreg:$0x6] =	wrdreg s5  }
0x2c: {  	s4 =	sadd.s32 s8, s4;
	s8 =	simm.s32 $0xA080;
	[dreg:$0x19] =	wrdreg s6  }
0x2d: {  	s26 =	simm.s32 $0x1B080;
	s7 =	sadd.s32 $0x3200, s7;
	[dreg:$0x1b] =	wrdreg s8  }
0x2e: {  	s2 =	ssub.s32 s2, s19;
	s4 =	sadd.s32 $0xA3A00, s4;
	[dreg:$0x5] =	wrdreg s7  }
0x2f: {  	s19 =	simm.s32 $0x17880;
	s5 =	simm.s32 $0x8880;
	[dreg:$0x7] =	wrdreg s4  }
0x30: {  	v2 =	vlaneseq.u32;
	s6 =	sadd.s32 $0x300, s1;
	s8 =	simm.s32 $0x3;
	[dreg:$0x18] =	wrdreg s5  }
0x31: {  	vm0 =	vmmov $0xffff;
	v1 =	vshrl.u32 v2, $0x3;
	s7 =	simm.s32 $0x9880;
	s4 =	sadd.s32 $0x100, s1;
	s5 =	sadd.s32 $0x200, s1  }
0x32: {  	v0 =	vand.u32 $0x7, v2;
	v2 =	vor.u32 $0x8, v2;
	v1 =	vmul.u32 $0x8, v1;
	[dreg:$0x1a] =	wrdreg s7;
	s7 =	smax.u32 s2, $0x1;
	s2 =	simm.s32 $0x2  }
.LBB2_1:
0x33: {  	s0 =	rddreg [dreg:$0x5]  }
0x34: {  	[tilespmem:s3], [sflag:$0x3] =	stream.linear.gather [hbm4b:s0+s3], $0x70, $0x38;
	[tilespmem:$0x1F880] =	vst v63  }
0x35: {  	_ =	swait.ge [sflag:s8], $0x70  }
0x36: {  	[sflag:s8] =	ssyncset.done $0x0  }
0x37: {  	[sflag:s8] =	ssyncadd.s32 $0xFFFFFF90  }
0x38: {  	v3 =	vld [tilespmem:$0x0];
	_ =	sdelay $0x4  }
0x39: {  	v4 =	vshll.u32 v3, $0x3  }
0x3a: {  	v3 =	vand.u32 $0x7, v3;
	v4 =	vand.u32 $0xFFFFFFC0, v4  }
0x3b: {  	v3 =	vor.u32 v3, v4  }
0x3c: {  	v4 =	vperm.xlane v3, v0;
	_ =	sdelay $0x1  }
0x3d: {  	v4 =	vadd.s32 v1, v4;
	_ =	sdelay $0x4  }
0x3e: {  	[tilespmem:s9], [sflag:$0x1] =	stream.indirect_vreg.gather [hbm4b:s1+s3], $0x80, v4, vm0, $0xb8;
	[tilespmem:$0x1F880] =	vst v63  }
0x3f: {  	s0 =	rddreg [dreg:$0x8];
	v3 =	vperm.xlane v3, v2  }
0x40: {  	[tilespmem:s0], [sflag:$0x1] =	stream.indirect_vreg.gather [hbm4b:s4+s3], $0x80, v4, vm0, $0xb8;
	[tilespmem:$0x1F880] =	vst v63  }
0x41: {  	s10 =	rddreg [dreg:$0x9];
	v3 =	vadd.s32 v1, v3  }
0x42: {  	[tilespmem:s10], [sflag:$0x1] =	stream.indirect_vreg.gather [hbm4b:s5+s3], $0x80, v4, vm0, $0xb8;
	[tilespmem:$0x1F880] =	vst v63  }
0x43: {  	s0 =	rddreg [dreg:$0xa]  }
0x44: {  	[tilespmem:s0], [sflag:$0x1] =	stream.indirect_vreg.gather [hbm4b:s6+s3], $0x80, v4, vm0, $0xb8;
	[tilespmem:$0x1F880] =	vst v63  }
0x45: {  	s10 =	rddreg [dreg:$0xb]  }
0x46: {  	[tilespmem:s10], [sflag:$0x1] =	stream.indirect_vreg.gather [hbm4b:s1+s3], $0x80, v3, vm0, $0xb8;
	[tilespmem:$0x1F880] =	vst v63  }
0x47: {  	s0 =	rddreg [dreg:$0xc]  }
0x48: {  	[tilespmem:s0], [sflag:$0x1] =	stream.indirect_vreg.gather [hbm4b:s4+s3], $0x80, v3, vm0, $0xb8;
	[tilespmem:$0x1F880] =	vst v63  }
0x49: {  	s10 =	rddreg [dreg:$0xd]  }
0x4a: {  	[tilespmem:s10], [sflag:$0x1] =	stream.indirect_vreg.gather [hbm4b:s5+s3], $0x80, v3, vm0, $0xb8;
	[tilespmem:$0x1F880] =	vst v63  }
0x4b: {  	s0 =	rddreg [dreg:$0xe]  }
0x4c: {  	[tilespmem:s0], [sflag:$0x1] =	stream.indirect_vreg.gather [hbm4b:s6+s3], $0x80, v3, vm0, $0xb8;
	[tilespmem:$0x1F880] =	vst v63  }
0x4d: {  	v3 =	vld [tilespmem:$0x10];
	_ =	sdelay $0x4  }
0x4e: {  	v58 =	vshll.u32 v3, $0x3  }
0x4f: {  	v3 =	vand.u32 $0x7, v3;
	v4 =	vand.u32 $0xFFFFFFC0, v58  }
0x50: {  	v3 =	vor.u32 v3, v4  }
0x51: {  	v4 =	vperm.xlane v3, v0;
	_ =	sdelay $0x1  }
0x52: {  	v4 =	vadd.s32 v1, v4;
	_ =	sdelay $0x3  }
0x53: {  	s0 =	rddreg [dreg:$0xf]  }
0x54: {  	[tilespmem:s0], [sflag:$0x1] =	stream.indirect_vreg.gather [hbm4b:s1+s3], $0x80, v4, vm0, $0xb8;
	[tilespmem:$0x1F880] =	vst v63  }
0x55: {  	s10 =	rddreg [dreg:$0x10];
	v3 =	vperm.xlane v3, v2  }
0x56: {  	[tilespmem:s10], [sflag:$0x1] =	stream.indirect_vreg.gather [hbm4b:s4+s3], $0x80, v4, vm0, $0xb8;
	[tilespmem:$0x1F880] =	vst v63  }
0x57: {  	v3 =	vadd.s32 v1, v3;
	s0 =	rddreg [dreg:$0x11]  }
0x58: {  	[tilespmem:s0], [sflag:$0x1] =	stream.indirect_vreg.gather [hbm4b:s5+s3], $0x80, v4, vm0, $0xb8;
	[tilespmem:$0x1F880] =	vst v63  }
0x59: {  	s10 =	rddreg [dreg:$0x12]  }
0x5a: {  	[tilespmem:s10], [sflag:$0x1] =	stream.indirect_vreg.gather [hbm4b:s6+s3], $0x80, v4, vm0, $0xb8;
	[tilespmem:$0x1F880] =	vst v63  }
0x5b: {  	s0 =	rddreg [dreg:$0x13]  }
0x5c: {  	[tilespmem:s0], [sflag:$0x1] =	stream.indirect_vreg.gather [hbm4b:s1+s3], $0x80, v3, vm0, $0xb8;
	[tilespmem:$0x1F880] =	vst v63  }
0x5d: {  	s10 =	rddreg [dreg:$0x14]  }
0x5e: {  	[tilespmem:s10], [sflag:$0x1] =	stream.indirect_vreg.gather [hbm4b:s4+s3], $0x80, v3, vm0, $0xb8;
	[tilespmem:$0x1F880] =	vst v63  }
0x5f: {  	s0 =	rddreg [dreg:$0x15]  }
0x60: {  	[tilespmem:s0], [sflag:$0x1] =	stream.indirect_vreg.gather [hbm4b:s5+s3], $0x80, v3, vm0, $0xb8;
	[tilespmem:$0x1F880] =	vst v63  }
0x61: {  	s10 =	rddreg [dreg:$0x16]  }
0x62: {  	[tilespmem:s10], [sflag:$0x1] =	stream.indirect_vreg.gather [hbm4b:s6+s3], $0x80, v3, vm0, $0xb8;
	[tilespmem:$0x1F880] =	vst v63  }
0x63: {  	v3 =	vld [tilespmem:$0x20];
	_ =	sdelay $0x4  }
0x64: {  	v59 =	vshll.u32 v3, $0x3  }
0x65: {  	v3 =	vand.u32 $0x7, v3;
	v4 =	vand.u32 $0xFFFFFFC0, v59  }
0x66: {  	v3 =	vor.u32 v3, v4  }
0x67: {  	v4 =	vperm.xlane v3, v0;
	_ =	sdelay $0x1  }
0x68: {  	v4 =	vadd.s32 v1, v4;
	_ =	sdelay $0x3  }
0x69: {  	s0 =	rddreg [dreg:$0x17]  }
0x6a: {  	[tilespmem:s0], [sflag:$0x1] =	stream.indirect_vreg.gather [hbm4b:s1+s3], $0x80, v4, vm0, $0xb8;
	[tilespmem:$0x1F880] =	vst v63  }
0x6b: {  	s10 =	rddreg [dreg:$0x18];
	v3 =	vperm.xlane v3, v2  }
0x6c: {  	[tilespmem:s10], [sflag:$0x1] =	stream.indirect_vreg.gather [hbm4b:s4+s3], $0x80, v4, vm0, $0xb8;
	[tilespmem:$0x1F880] =	vst v63  }
0x6d: {  	v3 =	vadd.s32 v1, v3;
	s0 =	rddreg [dreg:$0x19]  }
0x6e: {  	[tilespmem:s0], [sflag:$0x1] =	stream.indirect_vreg.gather [hbm4b:s5+s3], $0x80, v4, vm0, $0xb8;
	[tilespmem:$0x1F880] =	vst v63  }
0x6f: {  	s10 =	rddreg [dreg:$0x1a]  }
0x70: {  	[tilespmem:s10], [sflag:$0x1] =	stream.indirect_vreg.gather [hbm4b:s6+s3], $0x80, v4, vm0, $0xb8;
	[tilespmem:$0x1F880] =	vst v63  }
0x71: {  	s0 =	rddreg [dreg:$0x1b]  }
0x72: {  	[tilespmem:s0], [sflag:$0x1] =	stream.indirect_vreg.gather [hbm4b:s1+s3], $0x80, v3, vm0, $0xb8;
	[tilespmem:$0x1F880] =	vst v63  }
0x73: {  	s10 =	rddreg [dreg:$0x1c]  }
0x74: {  	[tilespmem:s10], [sflag:$0x1] =	stream.indirect_vreg.gather [hbm4b:s4+s3], $0x80, v3, vm0, $0xb8;
	[tilespmem:$0x1F880] =	vst v63  }
0x75: {  	s0 =	rddreg [dreg:$0x1d]  }
0x76: {  	[tilespmem:s0], [sflag:$0x1] =	stream.indirect_vreg.gather [hbm4b:s5+s3], $0x80, v3, vm0, $0xb8;
	[tilespmem:$0x1F880] =	vst v63  }
0x77: {  	s10 =	rddreg [dreg:$0x1e]  }
0x78: {  	[tilespmem:s10], [sflag:$0x1] =	stream.indirect_vreg.gather [hbm4b:s6+s3], $0x80, v3, vm0, $0xb8;
	[tilespmem:$0x1F880] =	vst v63  }
0x79: {  	v3 =	vld [tilespmem:$0x30];
	_ =	sdelay $0x4  }
0x7a: {  	v60 =	vshll.u32 v3, $0x3  }
0x7b: {  	v3 =	vand.u32 $0x7, v3;
	v4 =	vand.u32 $0xFFFFFFC0, v60  }
0x7c: {  	v3 =	vor.u32 v3, v4  }
0x7d: {  	v4 =	vperm.xlane v3, v0;
	_ =	sdelay $0x1  }
0x7e: {  	v4 =	vadd.s32 v1, v4;
	_ =	sdelay $0x2  }
0x7f: {  	s0 =	rddreg [dreg:$0x1f]  }
0x80: {  	s10 =	sld [smem:$0x7F1]  }
0x81: {  	[tilespmem:s0], [sflag:$0x1] =	stream.indirect_vreg.gather [hbm4b:s1+s3], $0x80, v4, vm0, $0xb8;
	[tilespmem:$0x1F880] =	vst v63  }
0x82: {  	v3 =	vperm.xlane v3, v2;
	s0 =	sld [smem:$0x7F2]  }
0x83: {  	[tilespmem:s10], [sflag:$0x1] =	stream.indirect_vreg.gather [hbm4b:s4+s3], $0x80, v4, vm0, $0xb8;
	[tilespmem:$0x1F880] =	vst v63  }
0x84: {  	v3 =	vadd.s32 v1, v3;
	s10 =	sld [smem:$0x7F3]  }
0x85: {  	[tilespmem:s0], [sflag:$0x1] =	stream.indirect_vreg.gather [hbm4b:s5+s3], $0x80, v4, vm0, $0xb8;
	[tilespmem:$0x1F880] =	vst v63  }
0x86: {  	s0 =	sld [smem:$0x7F4]  }
0x87: {  	[tilespmem:s10], [sflag:$0x1] =	stream.indirect_vreg.gather [hbm4b:s6+s3], $0x80, v4, vm0, $0xb8;
	[tilespmem:$0x1F880] =	vst v63  }
0x88: {  	s10 =	sld [smem:$0x7F5]  }
0x89: {  	[tilespmem:s0], [sflag:$0x1] =	stream.indirect_vreg.gather [hbm4b:s1+s3], $0x80, v3, vm0, $0xb8;
	[tilespmem:$0x1F880] =	vst v63  }
0x8a: {  	s0 =	sld [smem:$0x7F6]  }
0x8b: {  	[tilespmem:s10], [sflag:$0x1] =	stream.indirect_vreg.gather [hbm4b:s4+s3], $0x80, v3, vm0, $0xb8;
	[tilespmem:$0x1F880] =	vst v63  }
0x8c: {  	s10 =	sld [smem:$0x7F7]  }
0x8d: {  	[tilespmem:s0], [sflag:$0x1] =	stream.indirect_vreg.gather [hbm4b:s5+s3], $0x80, v3, vm0, $0xb8;
	[tilespmem:$0x1F880] =	vst v63  }
0x8e: {  	_ = 	snop  }
0x8f: {  	[tilespmem:s10], [sflag:$0x1] =	stream.indirect_vreg.gather [hbm4b:s6+s3], $0x80, v3, vm0, $0xb8;
	[tilespmem:$0x1F880] =	vst v63  }
0x90: {  	v3 =	vld [tilespmem:$0x40];
	_ =	sdelay $0x4  }
0x91: {  	v61 =	vshll.u32 v3, $0x3  }
0x92: {  	v3 =	vand.u32 $0x7, v3;
	v4 =	vand.u32 $0xFFFFFFC0, v61  }
0x93: {  	v3 =	vor.u32 v3, v4  }
0x94: {  	v4 =	vperm.xlane v3, v0;
	_ =	sdelay $0x1  }
0x95: {  	v4 =	vadd.s32 v1, v4;
	_ =	sdelay $0x1  }
0x96: {  	s0 =	sld [smem:$0x7F8];
	_ =	sdelay $0x1  }
0x97: {  	s10 =	sld [smem:$0x7F9]  }
0x98: {  	[tilespmem:s0], [sflag:$0x1] =	stream.indirect_vreg.gather [hbm4b:s1+s3], $0x80, v4, vm0, $0xb8;
	[tilespmem:$0x1F880] =	vst v63  }
0x99: {  	v3 =	vperm.xlane v3, v2;
	s0 =	sld [smem:$0x7FA]  }
0x9a: {  	[tilespmem:s10], [sflag:$0x1] =	stream.indirect_vreg.gather [hbm4b:s4+s3], $0x80, v4, vm0, $0xb8;
	[tilespmem:$0x1F880] =	vst v63  }
0x9b: {  	v3 =	vadd.s32 v1, v3;
	s10 =	sld [smem:$0x7FB]  }
0x9c: {  	[tilespmem:s0], [sflag:$0x1] =	stream.indirect_vreg.gather [hbm4b:s5+s3], $0x80, v4, vm0, $0xb8;
	[tilespmem:$0x1F880] =	vst v63  }
0x9d: {  	s0 =	sld [smem:$0x7FC]  }
0x9e: {  	[tilespmem:s10], [sflag:$0x1] =	stream.indirect_vreg.gather [hbm4b:s6+s3], $0x80, v4, vm0, $0xb8;
	[tilespmem:$0x1F880] =	vst v63  }
0x9f: {  	s10 =	sld [smem:$0x7FD]  }
0xa0: {  	[tilespmem:s0], [sflag:$0x1] =	stream.indirect_vreg.gather [hbm4b:s1+s3], $0x80, v3, vm0, $0xb8;
	[tilespmem:$0x1F880] =	vst v63  }
0xa1: {  	_ = 	snop  }
0xa2: {  	[tilespmem:s10], [sflag:$0x1] =	stream.indirect_vreg.gather [hbm4b:s4+s3], $0x80, v3, vm0, $0xb8;
	[tilespmem:$0x1F880] =	vst v63  }
0xa3: {  	s10 =	simm.s32 $0x13080  }
0xa4: {  	[tilespmem:s10], [sflag:$0x1] =	stream.indirect_vreg.gather [hbm4b:s5+s3], $0x80, v3, vm0, $0xb8;
	[tilespmem:$0x1F880] =	vst v63  }
0xa5: {  	_ = 	snop  }
0xa6: {  	[tilespmem:s11], [sflag:$0x1] =	stream.indirect_vreg.gather [hbm4b:s6+s3], $0x80, v3, vm0, $0xb8;
	[tilespmem:$0x1F880] =	vst v63  }
0xa7: {  	v3 =	vld [tilespmem:$0x50];
	_ =	sdelay $0x4  }
0xa8: {  	v62 =	vshll.u32 v3, $0x3  }
0xa9: {  	v3 =	vand.u32 $0x7, v3;
	v4 =	vand.u32 $0xFFFFFFC0, v62  }
0xaa: {  	v3 =	vor.u32 v3, v4  }
0xab: {  	v4 =	vperm.xlane v3, v0;
	_ =	sdelay $0x1  }
0xac: {  	v4 =	vadd.s32 v1, v4;
	_ =	sdelay $0x4  }
0xad: {  	[tilespmem:s12], [sflag:$0x1] =	stream.indirect_vreg.gather [hbm4b:s1+s3], $0x80, v4, vm0, $0xb8;
	[tilespmem:$0x1F880] =	vst v63  }
0xae: {  	v3 =	vperm.xlane v3, v2  }
0xaf: {  	[tilespmem:s13], [sflag:$0x1] =	stream.indirect_vreg.gather [hbm4b:s4+s3], $0x80, v4, vm0, $0xb8;
	[tilespmem:$0x1F880] =	vst v63  }
0xb0: {  	v3 =	vadd.s32 v1, v3  }
0xb1: {  	[tilespmem:s14], [sflag:$0x1] =	stream.indirect_vreg.gather [hbm4b:s5+s3], $0x80, v4, vm0, $0xb8;
	[tilespmem:$0x1F880] =	vst v63  }
0xb2: {  	_ = 	snop  }
0xb3: {  	[tilespmem:s15], [sflag:$0x1] =	stream.indirect_vreg.gather [hbm4b:s6+s3], $0x80, v4, vm0, $0xb8;
	[tilespmem:$0x1F880] =	vst v63  }
0xb4: {  	_ = 	snop  }
0xb5: {  	[tilespmem:s16], [sflag:$0x1] =	stream.indirect_vreg.gather [hbm4b:s1+s3], $0x80, v3, vm0, $0xb8;
	[tilespmem:$0x1F880] =	vst v63  }
0xb6: {  	_ = 	snop  }
0xb7: {  	[tilespmem:s17], [sflag:$0x1] =	stream.indirect_vreg.gather [hbm4b:s4+s3], $0x80, v3, vm0, $0xb8;
	[tilespmem:$0x1F880] =	vst v63  }
0xb8: {  	_ = 	snop  }
0xb9: {  	[tilespmem:s18], [sflag:$0x1] =	stream.indirect_vreg.gather [hbm4b:s5+s3], $0x80, v3, vm0, $0xb8;
	[tilespmem:$0x1F880] =	vst v63  }
0xba: {  	_ = 	snop  }
0xbb: {  	[tilespmem:s19], [sflag:$0x1] =	stream.indirect_vreg.gather [hbm4b:s6+s3], $0x80, v3, vm0, $0xb8;
	[tilespmem:$0x1F880] =	vst v63  }
0xbc: {  	v3 =	vld [tilespmem:$0x60];
	_ =	sdelay $0x4  }
0xbd: {  	v63 =	vshll.u32 v3, $0x3  }
0xbe: {  	v3 =	vand.u32 $0x7, v3;
	v4 =	vand.u32 $0xFFFFFFC0, v63  }
0xbf: {  	v3 =	vor.u32 v3, v4  }
0xc0: {  	v4 =	vperm.xlane v3, v0;
	_ =	sdelay $0x1  }
0xc1: {  	v4 =	vadd.s32 v1, v4;
	_ =	sdelay $0x4  }
0xc2: {  	[tilespmem:s20], [sflag:$0x1] =	stream.indirect_vreg.gather [hbm4b:s1+s3], $0x80, v4, vm0, $0xb8;
	[tilespmem:$0x1F880] =	vst v63  }
0xc3: {  	v3 =	vperm.xlane v3, v2  }
0xc4: {  	[tilespmem:s21], [sflag:$0x1] =	stream.indirect_vreg.gather [hbm4b:s4+s3], $0x80, v4, vm0, $0xb8;
	[tilespmem:$0x1F880] =	vst v63  }
0xc5: {  	v3 =	vadd.s32 v1, v3  }
0xc6: {  	[tilespmem:s22], [sflag:$0x1] =	stream.indirect_vreg.gather [hbm4b:s5+s3], $0x80, v4, vm0, $0xb8;
	[tilespmem:$0x1F880] =	vst v63  }
0xc7: {  	_ = 	snop  }
0xc8: {  	[tilespmem:s23], [sflag:$0x1] =	stream.indirect_vreg.gather [hbm4b:s6+s3], $0x80, v4, vm0, $0xb8;
	[tilespmem:$0x1F880] =	vst v63  }
0xc9: {  	_ = 	snop  }
0xca: {  	[tilespmem:s24], [sflag:$0x1] =	stream.indirect_vreg.gather [hbm4b:s1+s3], $0x80, v3, vm0, $0xb8;
	[tilespmem:$0x1F880] =	vst v63  }
0xcb: {  	_ = 	snop  }
0xcc: {  	[tilespmem:s25], [sflag:$0x1] =	stream.indirect_vreg.gather [hbm4b:s4+s3], $0x80, v3, vm0, $0xb8;
	[tilespmem:$0x1F880] =	vst v63  }
0xcd: {  	_ = 	snop  }
0xce: {  	[tilespmem:s26], [sflag:$0x1] =	stream.indirect_vreg.gather [hbm4b:s5+s3], $0x80, v3, vm0, $0xb8;
	[tilespmem:$0x1F880] =	vst v63  }
0xcf: {  	_ = 	snop  }
0xd0: {  	[tilespmem:s28], [sflag:$0x1] =	stream.indirect_vreg.gather [hbm4b:s6+s3], $0x80, v3, vm0, $0xb8;
	[tilespmem:$0x1F880] =	vst v63  }
0xd1: {  	s10 =	rddreg [dreg:$0x4]  }
0xd2: {  	[tilespmem:s30], [sflag:$0x2] =	stream.indirect.gather [hbm4b:s10+s29], $0x80, s3, s29, $0xb8;
	[tilespmem:$0x1F880] =	vst v63  }
0xd3: {  	_ =	swait.ge [sflag:s31], $0x1C000  }
0xd4: {  	[sflag:s31] =	ssyncset.done $0x0  }
0xd5: {  	[sflag:s31] =	ssyncadd.s32 $0xFFFE4000  }
0xd6: {  	_ =	swait.ge [sflag:s2], $0x3800  }
0xd7: {  	[sflag:s2] =	ssyncset.done $0x0  }
0xd8: {  	s10 =	rddreg [dreg:$0x6];
	[sflag:s2] =	ssyncadd.s32 $0xFFFFC800  }
0xd9: {  	[hbm4b:s10+s3] =	stream.linear.scatter [tilespmem:s9], [sflag:$0x3], $0x1C000, $0x38;
	[tilespmem:$0x1F880] =	vst v63  }
0xda: {  	_ =	swait.ge [sflag:s8], $0x1C000  }
0xdb: {  	p0 =	sne.s32 s7, $0x1;
	[sflag:s8] =	ssyncset.done $0x0  }
.Ltmp0:
0xdc: {  	s10 =	rddreg [dreg:$0x7];
	[sflag:s8] =	ssyncadd.s32 $0xFFFE4000;
	(pc) =	sbr.rel @p0 .LBB2_1-.Ltmp0, $4  }
0xdd: {  	[hbm4b:s10+s3] =	stream.linear.scatter [tilespmem:s30], [sflag:$0x3], $0x3800, $0x38;
	[tilespmem:$0x1F880] =	vst v63  }
0xde: {  	_ =	swait.ge [sflag:s8], $0x3800  }
0xdf: {  	[sflag:s8] =	ssyncset.done $0x0  }
0xe0: {  	s7 =	sadd.s32 $0xFFFFFFFF, s7;
	[sflag:s8] =	ssyncadd.s32 $0xFFFFC800  }
0xe1: {  	_ =	sfence.sel $0x180000  }
0xe2: {  	[bflag:$0x0] =	sbarrier.arrive $0xFFFF  }
0xe3: {  	_ =	strace $0x90000047  }
0xe4: {  	s0 =	stileid.u32;
	[bflag:$0x2] =	sbarrier.arrive $0xFFFF  }
0xe5: {  	p0 =	sne.s32 s0, $0x0;
	s0 =	rddreg [dreg:$0x3]  }
0xe6: {  	s0 =	sadd.s32 @!p0 $0x100000, s0  }
0xe7: {  	[sflag:s0] =	ssyncadd.tile.s32 @!p0 $0x1;
	_ =	shalt  }
.Lfunc_end2:
_tile_overlayer_lowered:
.L_overlay_start_2:
0xe8: {  	(tag) =	ssettag $0x2  }
0xe9: {  	s0 =	rddreg [dreg:$0x0];
	s2 =	stileid.u32  }
0xea: {  	s1 =	rddreg [dreg:$0x1];
	p0 =	sne.s32 s2, $0x0  }
0xeb: {  	s3 =	rddreg [dreg:$0x2];
	[bflag:$0x3] =	sbarrier.arrive $0xFFFF;
	s2 =	simm.s32 @!p0 $0x1C03  }
0xec: {  	[timem:s3], [sflag:s2] =	dma.local @!p0 [hbm:s0], s1  }
0xed: {  	s0 =	simm.s32 @!p0 $0x3  }
0xee: {  	_ =	swait.ge @!p0 [sflag:s0], s1  }
0xef: {  	s1 =	ssub.s32 @!p0 $0x0, s1;
	[sflag:s0] =	ssyncset.done @!p0 $0x0  }
0xf0: {  	[sflag:s0] =	ssyncadd.s32 @!p0 s1  }
0xf1: {  	[bflag:$0x3] =	sbarrier.arrive $0xFFFF  }
0xf2: {  	_ =	shalt  }

// kernel: branch_1_fun.8.cloned.1.call-start
scs
__scs_entry_jumppad:
0x0: {  	(pc) =	sbr.rel $0x88, $3  }
0x1: {  	(tag) =	ssettag $0x0;
	lr =	simm.s32 $0x1  }
0x2: {  	[smem:$0x3F9C] =	sst lr;
	_ =	strace $0xD0000000  }
0x3: {  	_ = 	snop  }
0x4: {  	_ = 	snop  }
0x5: {  	_ = 	snop  }
0x6: {  	_ = 	snop  }
0x7: {  	_ = 	snop  }
__scs_overlays_trampoline_lowered:
0x8: {  	[smem:$0x3FAB] =	sst s0  }
0x9: {  	[smem:$0x3FAC] =	sst s1  }
0xa: {  	[smem:$0x3FAD] =	sst s2  }
0xb: {  	[smem:$0x3FAE] =	sst s3  }
0xc: {  	[smem:$0x3FAF] =	sst s4  }
0xd: {  	[smem:$0x3FB0] =	sst s5  }
0xe: {  	[smem:$0x3FB1] =	sst s6  }
0xf: {  	[smem:$0x3FB2] =	sst s7  }
0x10: {  	[smem:$0x3FB3] =	sst s8  }
0x11: {  	[smem:$0x3FB4] =	sst s9;
	s0 =	simm.s32 @!p0 $0x0  }
0x12: {  	s1 =	sld [smem:$0x3F9A];
	s0 =	simm.s32 @p0 $0x1  }
0x13: {  	[smem:$0x3FB5] =	sst s0;
	s0 =	simm.s32 @!p1 $0x0  }
0x14: {  	s2 =	sld [smem:$0x3F99];
	s0 =	simm.s32 @p1 $0x1  }
0x15: {  	[smem:$0x3FB6] =	sst s0;
	s0 =	simm.s32 @!p2 $0x0  }
0x16: {  	s3 =	sld [smem:$0x3FDB];
	s0 =	simm.s32 @p2 $0x1  }
0x17: {  	s4 =	simm.s32 $0x1BF5;
	[smem:$0x3FB8] =	sst s0  }
0x18: {  	s0 =	sld [smem:$0x3F9B];
	_ =	swait.ge [sflag:s4], $0x0  }
0x19: {  	s7 =	sld [smem:$0x3F9C]  }
0x1a: {  	s8 =	sadd.s32 $0xFFFFE003, lr  }
0x1b: {  	s9 =	sadd.s32 $0xFFFFFEF7, lr;
	s5 =	simm.s32 $0xFFFFFFFF;
	p2 =	slt.u32 s8, $0xFFFFF086  }
0x1c: {  	p1 =	slt.u32 s9, $0xF7A;
	s5 =	simm.s32 @!p2 $0x0  }
0x1d: {  	s5 =	simm.s32 @p1 $0x1;
	p0 =	seq.s32 s7, s2  }
0x1e: {  	s7 =	smul.u32 @!p0 $0xF7A, s2;
	p2 =	seq.s32 @!p0 s5, $0x0  }
0x1f: {  	s9 =	smul.u32 $0xF7A, s1;
	s8 =	simm.s32 @!p0 $0x1BF5;
	p2 =	por !p2, p0  }
0x20: {  	[sflag:s8] =	ssyncset.s32 @!p0 $0xFFFFF086;
	s6 =	sadd.s32 @!p0 s3, s7;
	s7 =	simm.s32 @!p0 $0x108  }
0x21: {  	s3 =	sadd.s32 s3, s9;
	s6 =	sadd.s32 @!p0 $0x88, s6;
	s7 =	simm.s32 @p2 $0x1082  }
0x22: {  	[simem:s7], [sflag:s8] =	dma.local @!p0 [hbm:s6], $0xF7A  }
0x23: {  	s9 =	sor.u32 $0xD0000000, s2;
	s6 =	simm.s32 $0x108;
	_ =	swait.ge @!p0 [sflag:s8], $0x0  }
0x24: {  	s3 =	sadd.s32 $0x88, s3;
	s6 =	simm.s32 @!p1 $0x1082;
	[sflag:s4] =	ssyncset.s32 $0xFFFFF086  }
0x25: {  	[simem:s6], [sflag:s4] =	dma.local [hbm:s3], $0xF7A  }
0x26: {  	[smem:$0x3F9C] =	sst s1;
	(tag) =	ssettag s2;
	_ =	strace s9  }
0x27: {  	s1 =	sld [smem:$0x3FAC]  }
0x28: {  	s2 =	sld [smem:$0x3FAD]  }
0x29: {  	s4 =	sld [smem:$0x3FAF]  }
0x2a: {  	p0 =	seq.s32 s5, $0x0;
	s5 =	sld [smem:$0x3FB0]  }
0x2b: {  	s6 =	sld [smem:$0x3FB1]  }
0x2c: {  	s7 =	sld [smem:$0x3FB2]  }
0x2d: {  	s3 =	simm.s32 $0x108;
	s8 =	sld [smem:$0x3FB3]  }
0x2e: {  	s3 =	simm.s32 @!p0 $0x1082;
	s9 =	sld [smem:$0x3FB4]  }
0x2f: {  	lr =	sadd.s32 s0, s3;
	s0 =	sld [smem:$0x3FAB]  }
0x30: {  	s3 =	sld [smem:$0x3FAE]  }
0x31: {  	[smem:$0x3FB7] =	sst s10  }
0x32: {  	s10 =	sld [smem:$0x3FB5];
	_ =	sdelay $0x3  }
0x33: {  	p0 =	seq.s32 s10, $0x1;
	s10 =	sld [smem:$0x3FB7];
	_ =	sdelay $0x3  }
0x34: {  	[smem:$0x3FB7] =	sst s10  }
0x35: {  	s10 =	sld [smem:$0x3FB6];
	_ =	sdelay $0x3  }
0x36: {  	p1 =	seq.s32 s10, $0x1;
	s10 =	sld [smem:$0x3FB7];
	_ =	sdelay $0x3  }
0x37: {  	[smem:$0x3FB7] =	sst s10  }
0x38: {  	s10 =	sld [smem:$0x3FB8]  }
0x39: {  	_ = 	snop;
	(pc) =	sbr.ind lr, $3  }
0x3a: {  	_ = 	snop  }
0x3b: {  	_ = 	snop  }
0x3c: {  	p2 =	seq.s32 s10, $0x1;
	s10 =	sld [smem:$0x3FB7]  }
0x3d: {  	_ =	shalt  }
0x3e: {  	_ =	shalt  }
0x3f: {  	_ =	shalt  }
0x40: {  	_ =	shalt  }
0x41: {  	_ =	shalt  }
0x42: {  	_ =	shalt  }
0x43: {  	_ =	shalt  }
0x44: {  	_ =	shalt  }
0x45: {  	_ =	shalt  }
0x46: {  	_ =	shalt  }
0x47: {  	_ =	shalt  }
0x48: {  	_ =	shalt  }
0x49: {  	_ =	shalt  }
0x4a: {  	_ =	shalt  }
0x4b: {  	_ =	shalt  }
0x4c: {  	_ =	shalt  }
0x4d: {  	_ =	shalt  }
0x4e: {  	_ =	shalt  }
0x4f: {  	_ =	shalt  }
0x50: {  	_ =	shalt  }
0x51: {  	_ =	shalt  }
0x52: {  	_ =	shalt  }
0x53: {  	_ =	shalt  }
0x54: {  	_ =	shalt  }
0x55: {  	_ =	shalt  }
0x56: {  	_ =	shalt  }
0x57: {  	_ =	shalt  }
0x58: {  	_ =	shalt  }
0x59: {  	_ =	shalt  }
0x5a: {  	_ =	shalt  }
0x5b: {  	_ =	shalt  }
0x5c: {  	_ =	shalt  }
0x5d: {  	_ =	shalt  }
0x5e: {  	_ =	shalt  }
0x5f: {  	_ =	shalt  }
0x60: {  	_ =	shalt  }
0x61: {  	_ =	shalt  }
0x62: {  	_ =	shalt  }
0x63: {  	_ =	shalt  }
0x64: {  	_ =	shalt  }
0x65: {  	_ =	shalt  }
0x66: {  	_ =	shalt  }
0x67: {  	_ =	shalt  }
0x68: {  	_ =	shalt  }
0x69: {  	_ =	shalt  }
0x6a: {  	_ =	shalt  }
0x6b: {  	_ =	shalt  }
0x6c: {  	_ =	shalt  }
0x6d: {  	_ =	shalt  }
0x6e: {  	_ =	shalt  }
0x6f: {  	_ =	shalt  }
0x70: {  	_ =	shalt  }
0x71: {  	_ =	shalt  }
0x72: {  	_ =	shalt  }
0x73: {  	_ =	shalt  }
0x74: {  	_ =	shalt  }
0x75: {  	_ =	shalt  }
0x76: {  	_ =	shalt  }
0x77: {  	_ =	shalt  }
0x78: {  	_ =	shalt  }
0x79: {  	_ =	shalt  }
0x7a: {  	_ =	shalt  }
0x7b: {  	_ =	shalt  }
0x7c: {  	_ =	shalt  }
0x7d: {  	_ =	shalt  }
0x7e: {  	_ =	shalt  }
0x7f: {  	_ =	shalt  }
0x80: {  	_ =	shalt  }
0x81: {  	_ =	shalt  }
0x82: {  	_ =	shalt  }
0x83: {  	_ =	shalt  }
0x84: {  	_ =	shalt  }
0x85: {  	_ =	shalt  }
0x86: {  	_ =	shalt  }
0x87: {  	_ =	shalt  }
.Lfunc_end0:
.L_simem_size_0:
called_computation.1_lowered:
.L_overlay_start_0:
0x88: {  	s2 =	sld [smem:$0x3FD9]  }
0x89: {  	s3 =	sld [smem:$0x3FFE];
	_ =	sdelay $0x1  }
0x8a: {  	s1 =	srdreg.scid  }
0x8b: {  	s0 =	sand.u32 $0x1, s1  }
0x8c: {  	s14 =	sshll.u32 s0, $0xA;
	s2 =	sadd.s32 s3, s2  }
0x8d: {  	s2 =	sadd.s32 s2, s14  }
0x8e: {  	[smem:$0x3FC3] =	sst s2  }
0x8f: {  	_ = 	snop  }
0x90: {  	s2 =	sld [smem:$0x3FD0];
	_ =	sdelay $0x2  }
0x91: {  	s15 =	simm.s32 $0xA;
	s4 =	simm.s32 $0x10  }
0x92: {  	[smem:s4], [sflag:s15] =	dma.local [hbm:s2], $0x1  }
0x93: {  	_ =	swait.eq [sflag:s15], $0x1  }
0x94: {  	[sflag:s15] =	ssyncset.done $0x0  }
0x95: {  	[sflag:s15] =	ssyncadd.s32 $0xFFFFFFFF  }
0x96: {  	s16 =	sld [smem:$0x10];
	(tm) =	ssettm $0x1  }
0x97: {  	s17 =	sld [smem:$0x3FFB];
	_ =	sdelay $0x3  }
0x98: {  	_ =	strace s17  }
0x99: {  	s3 =	sld [smem:$0x3FFC];
	_ =	sdelay $0x3  }
0x9a: {  	_ =	strace s3  }
0x9b: {  	s3 =	sld [smem:$0x3FFD];
	_ =	sdelay $0x3  }
0x9c: {  	_ =	strace s3  }
0x9d: {  	_ =	strace $0x8FFFFFFF  }
0x9e: {  	s18 =	sld [smem:$0x3FDB];
	_ =	sdelay $0x1  }
0x9f: {  	s19 =	simm.s32 $_scs_section_size  }
0xa0: {  	s5 =	simm.s32 $_size__tile_overlayer_lowered;
	s6 =	simm.s32 $_tile_overlayer_lowered  }
0xa1: {  	s22 =	simm.s32 $0x1BFF;
	s21 =	sshll.u32 s6, $0x1;
	s3 =	sadd.s32 s19, s18  }
0xa2: {  	s7 =	simm.s32 $0x0;
	s20 =	sshll.u32 s5, $0x1;
	s5 =	sadd.s32 s21, s3  }
0xa3: {  	[timem:s7], [sflag:s22] =	dma.local [hbm:s5], s20  }
0xa4: {  	_ =	swait.ge [sflag:s22], s20  }
0xa5: {  	s4 =	ssub.s32 $0x0, s20;
	[sflag:s22] =	ssyncset.done $0x0  }
0xa6: {  	[sflag:s22] =	ssyncadd.s32 s4;
	_ =	sdelay $0x1  }
0xa7: {  	s23 =	simm.s32 $0x1B8B  }
0xa8: {  	_ =	swait.ge [sflag:s23], $0x1  }
0xa9: {  	[sflag:s23] =	ssyncset.done $0x0  }
0xaa: {  	s25 =	simm.s32 $0x1B8E;
	s24 =	sld [smem:$0x3FFE];
	[sflag:s23] =	ssyncadd.s32 $0xFFFFFFFF  }
0xab: {  	s26 =	simm.s32 $execute0_lowered;
	[smem:$0x3FD2] =	sst s25  }
0xac: {  	s5 =	sshll.u32 s26, $0x1;
	_ =	strace $0x80000049;
	[dreg:$0x1] =	wrdreg $0xFFFFFFFF  }
0xad: {  	s28 =	simm.s32 $_size_execute0_lowered;
	s3 =	sadd.s32 s3, s5;
	[dreg:$0x0] =	wrdreg $0x0  }
0xae: {  	s5 =	sshll.u32 s28, $0x1;
	[dreg:$0x2] =	wrdreg s3  }
0xaf: {  	[dreg:$0x3] =	wrdreg s5  }
0xb0: {  	[dreg:$0x4] =	wrdreg $0xC0  }
0xb1: {  	_ =	task [dreg:s7], $0x5FFFF  }
0xb2: {  	[dreg:$0x1] =	wrdreg $0xFFFFFFFF  }
0xb3: {  	[dreg:$0x0] =	wrdreg $0x60  }
0xb4: {  	[dreg:$0x2] =	wrdreg s24  }
0xb5: {  	[dreg:$0x3] =	wrdreg s16  }
0xb6: {  	[dreg:$0x4] =	wrdreg $0x9  }
0xb7: {  	_ =	task.clear_ibuf [dreg:s7], $0x5FFFF;
	_ =	strace $0x90000049  }
0xb8: {  	s29 =	simm.s32 $0x9;
	_ =	strace $0x8000004B  }
0xb9: {  	_ =	swait.ge [sflag:s29], $0x1  }
0xba: {  	[sflag:s29] =	ssyncadd.s32 $0xFFFFFFFF  }
0xbb: {  	_ =	strace $0x9000004B  }
0xbc: {  	_ =	sfence  }
0xbd: {  	s30 =	sld [smem:$0x0];
	_ =	sdelay $0x2  }
0xbe: {  	s31 =	sshll.u32 s1, $0xD;
	s1 =	sshrl.u32 s1, $0x2  }
0xbf: {  	s3 =	sand.u32 $0x4000, s31;
	s1 =	sadd.s32 s1, s30  }
0xc0: {  	s0 =	sor.u32 s3, s0;
	s1 =	sshll.u32 s1, $0x11  }
0xc1: {  	s0 =	sor.u32 s1, s0  }
0xc2: {  	s0 =	sadd.s32 $0x8F2B, s0  }
0xc3: {  	[sflag:s0] =	ssyncadd.remote.s32 $0x1  }
0xc4: {  	_ =	sfence.sel $0xFFFF  }
0xc5: {  	[dreg:$0x0] =	wrdreg $0xFFFFFFFF;
	(pc) =	sbr.abs _section_cstart, $3  }
0xc6: {  	[dreg:$0x1] =	wrdreg $0xFFFFFFFF  }
0xc7: {  	_ =	task.clear_ibuf [dreg:s7], $0x2FFFF;
	_ =	strace $0x9FFFFFFF  }
0xc8: {  	(tm) =	ssettm $0x7FFFFFFF  }
0xc9: {  	_ =	shalt  }
tec
execute0_lowered:
.L_overlay_start_1:
0x0: {  	(tag) =	ssettag $0x1  }
0x1: {  	s0 =	srdreg.scid;
	s1 =	rddreg [dreg:$0x0]  }
0x2: {  	s2 =	stileid.u32;
	s4 =	rddreg [dreg:$0x1];
	s9 =	simm.s32 $0x3  }
0x3: {  	s10 =	simm.s32 $0x100;
	s19 =	simm.s32 $0x1;
	s28 =	simm.s32 $0x2900  }
0x4: {  	s29 =	simm.s32 $0x3100;
	s30 =	simm.s32 $0x3900;
	s31 =	simm.s32 $0x4100  }
0x5: {  	s17 =	simm.s32 $0x4900;
	s16 =	simm.s32 $0x5100;
	s11 =	simm.s32 $0x6100  }
0x6: {  	s12 =	simm.s32 $0x6900;
	s13 =	simm.s32 $0x7100;
	s0 =	sand.u32 $0x1, s0  }
0x7: {  	s14 =	simm.s32 $0x7900;
	s2 =	sshll.u32 s2, $0x9;
	s3 =	sshll.u32 s0, $0x8  }
0x8: {  	s7 =	sadd.s32 $0x83D00, s1;
	s0 =	ssub.s32 $0x2, s0;
	s3 =	sor.u32 s3, s2  }
0x9: {  	s2 =	simm.s32 $0x0;
	s5 =	sshrl.u32 s3, $0x3;
	s3 =	sshll.u32 s3, $0x7  }
0xa: {  	[smem:$0x7FF] =	sst s2;
	s5 =	sadd.s32 s5, s1;
	s6 =	sadd.s32 s4, s3  }
0xb: {  	_ =	strace $0x8000004A;
	s5 =	sadd.s32 $0x3400, s5;
	[dreg:$0xb] =	wrdreg s6  }
0xc: {  	s23 =	sshrl.u32 s0, $0x1;
	s3 =	sadd.s32 $0x1000, s6;
	[dreg:$0x3] =	wrdreg s5  }
0xd: {  	s0 =	ssub.s32 s0, s23;
	s20 =	sadd.s32 $0x2000, s6;
	[dreg:$0x4] =	wrdreg s3  }
0xe: {  	s23 =	simm.s32 $0x1100;
	s21 =	sadd.s32 $0x3000, s6;
	[dreg:$0x5] =	wrdreg s20  }
0xf: {  	s4 =	sadd.s32 $0x83A00, s1;
	s22 =	sadd.s32 $0x4000, s6;
	[dreg:$0x6] =	wrdreg s21  }
0x10: {  	s8 =	smax.u32 s0, $0x1;
	s24 =	sadd.s32 $0x5000, s6;
	[dreg:$0x7] =	wrdreg s22  }
0x11: {  	s25 =	sadd.s32 $0x6000, s6;
	s26 =	sadd.s32 $0x7000, s6;
	[dreg:$0x8] =	wrdreg s24  }
0x12: {  	v2 =	vlaneseq.u32;
	s6 =	sadd.s32 $0x83C00, s1;
	s5 =	sadd.s32 $0x83B00, s1;
	[dreg:$0x9] =	wrdreg s25  }
0x13: {  	vm0 =	vmmov $0xffff;
	v1 =	vshrl.u32 v2, $0x3;
	[dreg:$0xa] =	wrdreg s26;
	s26 =	simm.s32 $0x8100;
	s20 =	simm.s32 $0x2  }
0x14: {  	v0 =	vand.u32 $0x7, v2;
	v2 =	vor.u32 $0x8, v2;
	v1 =	vmul.u32 $0x8, v1;
	s22 =	simm.s32 $0x900;
	s24 =	simm.s32 $0x1900;
	s25 =	simm.s32 $0x2100  }
.LBB2_1:
0x15: {  	s21 =	rddreg [dreg:$0x3]  }
0x16: {  	[tilespmem:s2], [sflag:$0x3] =	stream.linear.gather [hbm4b:s21+s2], $0x100, $0x38;
	[tilespmem:$0x10100] =	vst v63  }
0x17: {  	_ =	swait.ge [sflag:s9], $0x100  }
0x18: {  	[sflag:s9] =	ssyncset.done $0x0  }
0x19: {  	[sflag:s9] =	ssyncadd.s32 $0xFFFFFF00  }
0x1a: {  	v3 =	vld [tilespmem:$0x0];
	_ =	sdelay $0x4  }
0x1b: {  	v4 =	vshll.u32 v3, $0x3  }
0x1c: {  	v3 =	vand.u32 $0x7, v3;
	v4 =	vand.u32 $0xFFFFFFC0, v4  }
0x1d: {  	v3 =	vor.u32 v3, v4  }
0x1e: {  	v4 =	vperm.xlane v3, v0;
	_ =	sdelay $0x1  }
0x1f: {  	v4 =	vadd.s32 v1, v4;
	_ =	sdelay $0x4  }
0x20: {  	[tilespmem:s10], [sflag:$0x1] =	stream.indirect_vreg.gather [hbm4b:s4+s2], $0x80, v4, vm0, $0xb8;
	[tilespmem:$0x10100] =	vst v63  }
0x21: {  	v3 =	vperm.xlane v3, v2  }
0x22: {  	[tilespmem:s22], [sflag:$0x1] =	stream.indirect_vreg.gather [hbm4b:s5+s2], $0x80, v4, vm0, $0xb8;
	[tilespmem:$0x10100] =	vst v63  }
0x23: {  	v3 =	vadd.s32 v1, v3  }
0x24: {  	[tilespmem:s23], [sflag:$0x1] =	stream.indirect_vreg.gather [hbm4b:s6+s2], $0x80, v4, vm0, $0xb8;
	[tilespmem:$0x10100] =	vst v63  }
0x25: {  	_ = 	snop  }
0x26: {  	[tilespmem:s24], [sflag:$0x1] =	stream.indirect_vreg.gather [hbm4b:s7+s2], $0x80, v4, vm0, $0xb8;
	[tilespmem:$0x10100] =	vst v63  }
0x27: {  	_ = 	snop  }
0x28: {  	[tilespmem:s25], [sflag:$0x1] =	stream.indirect_vreg.gather [hbm4b:s4+s2], $0x80, v3, vm0, $0xb8;
	[tilespmem:$0x10100] =	vst v63  }
0x29: {  	_ = 	snop  }
0x2a: {  	[tilespmem:s28], [sflag:$0x1] =	stream.indirect_vreg.gather [hbm4b:s5+s2], $0x80, v3, vm0, $0xb8;
	[tilespmem:$0x10100] =	vst v63  }
0x2b: {  	_ = 	snop  }
0x2c: {  	[tilespmem:s29], [sflag:$0x1] =	stream.indirect_vreg.gather [hbm4b:s6+s2], $0x80, v3, vm0, $0xb8;
	[tilespmem:$0x10100] =	vst v63  }
0x2d: {  	_ = 	snop  }
0x2e: {  	[tilespmem:s30], [sflag:$0x1] =	stream.indirect_vreg.gather [hbm4b:s7+s2], $0x80, v3, vm0, $0xb8;
	[tilespmem:$0x10100] =	vst v63  }
0x2f: {  	v3 =	vld [tilespmem:$0x10];
	_ =	sdelay $0x4  }
0x30: {  	v49 =	vshll.u32 v3, $0x3  }
0x31: {  	v3 =	vand.u32 $0x7, v3;
	v4 =	vand.u32 $0xFFFFFFC0, v49  }
0x32: {  	v3 =	vor.u32 v3, v4  }
0x33: {  	v4 =	vperm.xlane v3, v0;
	_ =	sdelay $0x1  }
0x34: {  	v4 =	vadd.s32 v1, v4;
	_ =	sdelay $0x4  }
0x35: {  	[tilespmem:s31], [sflag:$0x1] =	stream.indirect_vreg.gather [hbm4b:s4+s2], $0x80, v4, vm0, $0xb8;
	[tilespmem:$0x10100] =	vst v63  }
0x36: {  	v3 =	vperm.xlane v3, v2  }
0x37: {  	[tilespmem:s17], [sflag:$0x1] =	stream.indirect_vreg.gather [hbm4b:s5+s2], $0x80, v4, vm0, $0xb8;
	[tilespmem:$0x10100] =	vst v63  }
0x38: {  	v3 =	vadd.s32 v1, v3  }
0x39: {  	[tilespmem:s16], [sflag:$0x1] =	stream.indirect_vreg.gather [hbm4b:s6+s2], $0x80, v4, vm0, $0xb8;
	[tilespmem:$0x10100] =	vst v63  }
0x3a: {  	s3 =	simm.s32 $0x5900  }
0x3b: {  	[tilespmem:s3], [sflag:$0x1] =	stream.indirect_vreg.gather [hbm4b:s7+s2], $0x80, v4, vm0, $0xb8;
	[tilespmem:$0x10100] =	vst v63  }
0x3c: {  	_ = 	snop  }
0x3d: {  	[tilespmem:s11], [sflag:$0x1] =	stream.indirect_vreg.gather [hbm4b:s4+s2], $0x80, v3, vm0, $0xb8;
	[tilespmem:$0x10100] =	vst v63  }
0x3e: {  	_ = 	snop  }
0x3f: {  	[tilespmem:s12], [sflag:$0x1] =	stream.indirect_vreg.gather [hbm4b:s5+s2], $0x80, v3, vm0, $0xb8;
	[tilespmem:$0x10100] =	vst v63  }
0x40: {  	_ = 	snop  }
0x41: {  	[tilespmem:s13], [sflag:$0x1] =	stream.indirect_vreg.gather [hbm4b:s6+s2], $0x80, v3, vm0, $0xb8;
	[tilespmem:$0x10100] =	vst v63  }
0x42: {  	_ = 	snop  }
0x43: {  	[tilespmem:s14], [sflag:$0x1] =	stream.indirect_vreg.gather [hbm4b:s7+s2], $0x80, v3, vm0, $0xb8;
	[tilespmem:$0x10100] =	vst v63  }
0x44: {  	v3 =	vld [tilespmem:$0x20];
	_ =	sdelay $0x4  }
0x45: {  	v50 =	vshll.u32 v3, $0x3  }
0x46: {  	v3 =	vand.u32 $0x7, v3;
	v4 =	vand.u32 $0xFFFFFFC0, v50  }
0x47: {  	v3 =	vor.u32 v3, v4  }
0x48: {  	v4 =	vperm.xlane v3, v0;
	_ =	sdelay $0x1  }
0x49: {  	v4 =	vadd.s32 v1, v4;
	_ =	sdelay $0x4  }
0x4a: {  	[tilespmem:s26], [sflag:$0x2] =	stream.indirect_vreg.gather [hbm4b:s4+s2], $0x80, v4, vm0, $0xb8;
	[tilespmem:$0x10100] =	vst v63  }
0x4b: {  	s15 =	simm.s32 $0x8900;
	v3 =	vperm.xlane v3, v2  }
0x4c: {  	[tilespmem:s15], [sflag:$0x2] =	stream.indirect_vreg.gather [hbm4b:s5+s2], $0x80, v4, vm0, $0xb8;
	[tilespmem:$0x10100] =	vst v63  }
0x4d: {  	s18 =	simm.s32 $0x9100;
	v3 =	vadd.s32 v1, v3  }
0x4e: {  	[tilespmem:s18], [sflag:$0x2] =	stream.indirect_vreg.gather [hbm4b:s6+s2], $0x80, v4, vm0, $0xb8;
	[tilespmem:$0x10100] =	vst v63  }
0x4f: {  	s21 =	simm.s32 $0x9900  }
0x50: {  	[tilespmem:s21], [sflag:$0x2] =	stream.indirect_vreg.gather [hbm4b:s7+s2], $0x80, v4, vm0, $0xb8;
	[tilespmem:$0x10100] =	vst v63  }
0x51: {  	s1 =	simm.s32 $0xA100  }
0x52: {  	[tilespmem:s1], [sflag:$0x2] =	stream.indirect_vreg.gather [hbm4b:s4+s2], $0x80, v3, vm0, $0xb8;
	[tilespmem:$0x10100] =	vst v63  }
0x53: {  	s18 =	simm.s32 $0xA900  }
0x54: {  	[tilespmem:s18], [sflag:$0x2] =	stream.indirect_vreg.gather [hbm4b:s5+s2], $0x80, v3, vm0, $0xb8;
	[tilespmem:$0x10100] =	vst v63  }
0x55: {  	s1 =	simm.s32 $0xB100  }
0x56: {  	[tilespmem:s1], [sflag:$0x2] =	stream.indirect_vreg.gather [hbm4b:s6+s2], $0x80, v3, vm0, $0xb8;
	[tilespmem:$0x10100] =	vst v63  }
0x57: {  	s15 =	simm.s32 $0xB900  }
0x58: {  	[tilespmem:s15], [sflag:$0x2] =	stream.indirect_vreg.gather [hbm4b:s7+s2], $0x80, v3, vm0, $0xb8;
	[tilespmem:$0x10100] =	vst v63  }
0x59: {  	v3 =	vld [tilespmem:$0x30];
	_ =	sdelay $0x4  }
0x5a: {  	v51 =	vshll.u32 v3, $0x3  }
0x5b: {  	v3 =	vand.u32 $0x7, v3;
	v4 =	vand.u32 $0xFFFFFFC0, v51  }
0x5c: {  	v3 =	vor.u32 v3, v4  }
0x5d: {  	v4 =	vperm.xlane v3, v0;
	_ =	sdelay $0x1  }
0x5e: {  	v4 =	vadd.s32 v1, v4;
	_ =	sdelay $0x3  }
0x5f: {  	s18 =	simm.s32 $0xC100  }
0x60: {  	[tilespmem:s18], [sflag:$0x2] =	stream.indirect_vreg.gather [hbm4b:s4+s2], $0x80, v4, vm0, $0xb8;
	[tilespmem:$0x10100] =	vst v63  }
0x61: {  	s1 =	simm.s32 $0xC900;
	v3 =	vperm.xlane v3, v2  }
0x62: {  	[tilespmem:s1], [sflag:$0x2] =	stream.indirect_vreg.gather [hbm4b:s5+s2], $0x80, v4, vm0, $0xb8;
	[tilespmem:$0x10100] =	vst v63  }
0x63: {  	v3 =	vadd.s32 v1, v3;
	s1 =	simm.s32 $0xD100  }
0x64: {  	[tilespmem:s1], [sflag:$0x2] =	stream.indirect_vreg.gather [hbm4b:s6+s2], $0x80, v4, vm0, $0xb8;
	[tilespmem:$0x10100] =	vst v63  }
0x65: {  	s1 =	simm.s32 $0xD900  }
0x66: {  	[tilespmem:s1], [sflag:$0x2] =	stream.indirect_vreg.gather [hbm4b:s7+s2], $0x80, v4, vm0, $0xb8;
	[tilespmem:$0x10100] =	vst v63  }
0x67: {  	s1 =	simm.s32 $0xE100  }
0x68: {  	[tilespmem:s1], [sflag:$0x2] =	stream.indirect_vreg.gather [hbm4b:s4+s2], $0x80, v3, vm0, $0xb8;
	[tilespmem:$0x10100] =	vst v63  }
0x69: {  	s1 =	simm.s32 $0xE900  }
0x6a: {  	[tilespmem:s1], [sflag:$0x2] =	stream.indirect_vreg.gather [hbm4b:s5+s2], $0x80, v3, vm0, $0xb8;
	[tilespmem:$0x10100] =	vst v63  }
0x6b: {  	s1 =	simm.s32 $0xF100  }
0x6c: {  	[tilespmem:s1], [sflag:$0x2] =	stream.indirect_vreg.gather [hbm4b:s6+s2], $0x80, v3, vm0, $0xb8;
	[tilespmem:$0x10100] =	vst v63  }
0x6d: {  	s1 =	simm.s32 $0xF900  }
0x6e: {  	[tilespmem:s1], [sflag:$0x2] =	stream.indirect_vreg.gather [hbm4b:s7+s2], $0x80, v3, vm0, $0xb8;
	[tilespmem:$0x10100] =	vst v63  }
0x6f: {  	_ =	swait.ge [sflag:s19], $0x8000  }
0x70: {  	[sflag:s19] =	ssyncset.done $0x0  }
0x71: {  	s1 =	rddreg [dreg:$0xb];
	[sflag:s19] =	ssyncadd.s32 $0xFFFF8000  }
0x72: {  	[hbm4b:s1+s2] =	stream.linear.scatter [tilespmem:s10], [sflag:$0x3], $0x8000, $0x38;
	[tilespmem:$0x10100] =	vst v63  }
0x73: {  	_ =	swait.ge [sflag:s9], $0x8000  }
0x74: {  	[sflag:s9] =	ssyncset.done $0x0  }
0x75: {  	[sflag:s9] =	ssyncadd.s32 $0xFFFF8000  }
0x76: {  	v3 =	vld [tilespmem:$0x40];
	_ =	sdelay $0x4  }
0x77: {  	v52 =	vshll.u32 v3, $0x3  }
0x78: {  	v3 =	vand.u32 $0x7, v3;
	v4 =	vand.u32 $0xFFFFFFC0, v52  }
0x79: {  	v3 =	vor.u32 v3, v4  }
0x7a: {  	v4 =	vperm.xlane v3, v0;
	_ =	sdelay $0x1  }
0x7b: {  	v4 =	vadd.s32 v1, v4;
	_ =	sdelay $0x4  }
0x7c: {  	[tilespmem:s10], [sflag:$0x1] =	stream.indirect_vreg.gather [hbm4b:s4+s2], $0x80, v4, vm0, $0xb8;
	[tilespmem:$0x10100] =	vst v63  }
0x7d: {  	v3 =	vperm.xlane v3, v2  }
0x7e: {  	[tilespmem:s22], [sflag:$0x1] =	stream.indirect_vreg.gather [hbm4b:s5+s2], $0x80, v4, vm0, $0xb8;
	[tilespmem:$0x10100] =	vst v63  }
0x7f: {  	v3 =	vadd.s32 v1, v3  }
0x80: {  	[tilespmem:s23], [sflag:$0x1] =	stream.indirect_vreg.gather [hbm4b:s6+s2], $0x80, v4, vm0, $0xb8;
	[tilespmem:$0x10100] =	vst v63  }
0x81: {  	_ = 	snop  }
0x82: {  	[tilespmem:s24], [sflag:$0x1] =	stream.indirect_vreg.gather [hbm4b:s7+s2], $0x80, v4, vm0, $0xb8;
	[tilespmem:$0x10100] =	vst v63  }
0x83: {  	_ = 	snop  }
0x84: {  	[tilespmem:s25], [sflag:$0x1] =	stream.indirect_vreg.gather [hbm4b:s4+s2], $0x80, v3, vm0, $0xb8;
	[tilespmem:$0x10100] =	vst v63  }
0x85: {  	_ = 	snop  }
0x86: {  	[tilespmem:s28], [sflag:$0x1] =	stream.indirect_vreg.gather [hbm4b:s5+s2], $0x80, v3, vm0, $0xb8;
	[tilespmem:$0x10100] =	vst v63  }
0x87: {  	_ = 	snop  }
0x88: {  	[tilespmem:s29], [sflag:$0x1] =	stream.indirect_vreg.gather [hbm4b:s6+s2], $0x80, v3, vm0, $0xb8;
	[tilespmem:$0x10100] =	vst v63  }
0x89: {  	_ = 	snop  }
0x8a: {  	[tilespmem:s30], [sflag:$0x1] =	stream.indirect_vreg.gather [hbm4b:s7+s2], $0x80, v3, vm0, $0xb8;
	[tilespmem:$0x10100] =	vst v63  }
0x8b: {  	v3 =	vld [tilespmem:$0x50];
	_ =	sdelay $0x4  }
0x8c: {  	v53 =	vshll.u32 v3, $0x3  }
0x8d: {  	v3 =	vand.u32 $0x7, v3;
	v4 =	vand.u32 $0xFFFFFFC0, v53  }
0x8e: {  	v3 =	vor.u32 v3, v4  }
0x8f: {  	v4 =	vperm.xlane v3, v0;
	_ =	sdelay $0x1  }
0x90: {  	v4 =	vadd.s32 v1, v4;
	_ =	sdelay $0x4  }
0x91: {  	[tilespmem:s31], [sflag:$0x1] =	stream.indirect_vreg.gather [hbm4b:s4+s2], $0x80, v4, vm0, $0xb8;
	[tilespmem:$0x10100] =	vst v63  }
0x92: {  	v3 =	vperm.xlane v3, v2  }
0x93: {  	[tilespmem:s17], [sflag:$0x1] =	stream.indirect_vreg.gather [hbm4b:s5+s2], $0x80, v4, vm0, $0xb8;
	[tilespmem:$0x10100] =	vst v63  }
0x94: {  	v3 =	vadd.s32 v1, v3  }
0x95: {  	[tilespmem:s16], [sflag:$0x1] =	stream.indirect_vreg.gather [hbm4b:s6+s2], $0x80, v4, vm0, $0xb8;
	[tilespmem:$0x10100] =	vst v63  }
0x96: {  	_ = 	snop  }
0x97: {  	[tilespmem:s3], [sflag:$0x1] =	stream.indirect_vreg.gather [hbm4b:s7+s2], $0x80, v4, vm0, $0xb8;
	[tilespmem:$0x10100] =	vst v63  }
0x98: {  	_ = 	snop  }
0x99: {  	[tilespmem:s11], [sflag:$0x1] =	stream.indirect_vreg.gather [hbm4b:s4+s2], $0x80, v3, vm0, $0xb8;
	[tilespmem:$0x10100] =	vst v63  }
0x9a: {  	_ = 	snop  }
0x9b: {  	[tilespmem:s12], [sflag:$0x1] =	stream.indirect_vreg.gather [hbm4b:s5+s2], $0x80, v3, vm0, $0xb8;
	[tilespmem:$0x10100] =	vst v63  }
0x9c: {  	_ = 	snop  }
0x9d: {  	[tilespmem:s13], [sflag:$0x1] =	stream.indirect_vreg.gather [hbm4b:s6+s2], $0x80, v3, vm0, $0xb8;
	[tilespmem:$0x10100] =	vst v63  }
0x9e: {  	_ = 	snop  }
0x9f: {  	[tilespmem:s14], [sflag:$0x1] =	stream.indirect_vreg.gather [hbm4b:s7+s2], $0x80, v3, vm0, $0xb8;
	[tilespmem:$0x10100] =	vst v63  }
0xa0: {  	_ =	swait.ge [sflag:s20], $0x8000  }
0xa1: {  	[sflag:s20] =	ssyncset.done $0x0  }
0xa2: {  	s1 =	rddreg [dreg:$0x4];
	[sflag:s20] =	ssyncadd.s32 $0xFFFF8000  }
0xa3: {  	[hbm4b:s1+s2] =	stream.linear.scatter [tilespmem:s26], [sflag:$0x3], $0x8000, $0x38;
	[tilespmem:$0x10100] =	vst v63  }
0xa4: {  	_ =	swait.ge [sflag:s9], $0x8000  }
0xa5: {  	[sflag:s9] =	ssyncset.done $0x0  }
0xa6: {  	[sflag:s9] =	ssyncadd.s32 $0xFFFF8000  }
0xa7: {  	v3 =	vld [tilespmem:$0x60];
	_ =	sdelay $0x4  }
0xa8: {  	v54 =	vshll.u32 v3, $0x3  }
0xa9: {  	v3 =	vand.u32 $0x7, v3;
	v4 =	vand.u32 $0xFFFFFFC0, v54  }
0xaa: {  	v3 =	vor.u32 v3, v4  }
0xab: {  	v4 =	vperm.xlane v3, v0;
	_ =	sdelay $0x1  }
0xac: {  	v4 =	vadd.s32 v1, v4;
	_ =	sdelay $0x4  }
0xad: {  	[tilespmem:s26], [sflag:$0x2] =	stream.indirect_vreg.gather [hbm4b:s4+s2], $0x80, v4, vm0, $0xb8;
	[tilespmem:$0x10100] =	vst v63  }
0xae: {  	s0 =	simm.s32 $0x8900;
	v3 =	vperm.xlane v3, v2  }
0xaf: {  	[tilespmem:s0], [sflag:$0x2] =	stream.indirect_vreg.gather [hbm4b:s5+s2], $0x80, v4, vm0, $0xb8;
	[tilespmem:$0x10100] =	vst v63  }
0xb0: {  	v3 =	vadd.s32 v1, v3;
	s0 =	simm.s32 $0x9100  }
0xb1: {  	[tilespmem:s0], [sflag:$0x2] =	stream.indirect_vreg.gather [hbm4b:s6+s2], $0x80, v4, vm0, $0xb8;
	[tilespmem:$0x10100] =	vst v63  }
0xb2: {  	s1 =	simm.s32 $0x9900  }
0xb3: {  	[tilespmem:s1], [sflag:$0x2] =	stream.indirect_vreg.gather [hbm4b:s7+s2], $0x80, v4, vm0, $0xb8;
	[tilespmem:$0x10100] =	vst v63  }
0xb4: {  	s21 =	simm.s32 $0xA100  }
0xb5: {  	[tilespmem:s21], [sflag:$0x2] =	stream.indirect_vreg.gather [hbm4b:s4+s2], $0x80, v3, vm0, $0xb8;
	[tilespmem:$0x10100] =	vst v63  }
0xb6: {  	s21 =	simm.s32 $0xA900  }
0xb7: {  	[tilespmem:s21], [sflag:$0x2] =	stream.indirect_vreg.gather [hbm4b:s5+s2], $0x80, v3, vm0, $0xb8;
	[tilespmem:$0x10100] =	vst v63  }
0xb8: {  	s21 =	simm.s32 $0xB100  }
0xb9: {  	[tilespmem:s21], [sflag:$0x2] =	stream.indirect_vreg.gather [hbm4b:s6+s2], $0x80, v3, vm0, $0xb8;
	[tilespmem:$0x10100] =	vst v63  }
0xba: {  	s15 =	simm.s32 $0xB900  }
0xbb: {  	[tilespmem:s15], [sflag:$0x2] =	stream.indirect_vreg.gather [hbm4b:s7+s2], $0x80, v3, vm0, $0xb8;
	[tilespmem:$0x10100] =	vst v63  }
0xbc: {  	v3 =	vld [tilespmem:$0x70];
	_ =	sdelay $0x4  }
0xbd: {  	v55 =	vshll.u32 v3, $0x3  }
0xbe: {  	v3 =	vand.u32 $0x7, v3;
	v4 =	vand.u32 $0xFFFFFFC0, v55  }
0xbf: {  	v3 =	vor.u32 v3, v4  }
0xc0: {  	v4 =	vperm.xlane v3, v0;
	_ =	sdelay $0x1  }
0xc1: {  	v4 =	vadd.s32 v1, v4;
	_ =	sdelay $0x3  }
0xc2: {  	s18 =	simm.s32 $0xC100  }
0xc3: {  	[tilespmem:s18], [sflag:$0x2] =	stream.indirect_vreg.gather [hbm4b:s4+s2], $0x80, v4, vm0, $0xb8;
	[tilespmem:$0x10100] =	vst v63  }
0xc4: {  	s21 =	simm.s32 $0xC900;
	v3 =	vperm.xlane v3, v2  }
0xc5: {  	[tilespmem:s21], [sflag:$0x2] =	stream.indirect_vreg.gather [hbm4b:s5+s2], $0x80, v4, vm0, $0xb8;
	[tilespmem:$0x10100] =	vst v63  }
0xc6: {  	v3 =	vadd.s32 v1, v3;
	s18 =	simm.s32 $0xD100  }
0xc7: {  	[tilespmem:s18], [sflag:$0x2] =	stream.indirect_vreg.gather [hbm4b:s6+s2], $0x80, v4, vm0, $0xb8;
	[tilespmem:$0x10100] =	vst v63  }
0xc8: {  	s21 =	simm.s32 $0xD900  }
0xc9: {  	[tilespmem:s21], [sflag:$0x2] =	stream.indirect_vreg.gather [hbm4b:s7+s2], $0x80, v4, vm0, $0xb8;
	[tilespmem:$0x10100] =	vst v63  }
0xca: {  	s18 =	simm.s32 $0xE100  }
0xcb: {  	[tilespmem:s18], [sflag:$0x2] =	stream.indirect_vreg.gather [hbm4b:s4+s2], $0x80, v3, vm0, $0xb8;
	[tilespmem:$0x10100] =	vst v63  }
0xcc: {  	s21 =	simm.s32 $0xE900  }
0xcd: {  	[tilespmem:s21], [sflag:$0x2] =	stream.indirect_vreg.gather [hbm4b:s5+s2], $0x80, v3, vm0, $0xb8;
	[tilespmem:$0x10100] =	vst v63  }
0xce: {  	s18 =	simm.s32 $0xF100  }
0xcf: {  	[tilespmem:s18], [sflag:$0x2] =	stream.indirect_vreg.gather [hbm4b:s6+s2], $0x80, v3, vm0, $0xb8;
	[tilespmem:$0x10100] =	vst v63  }
0xd0: {  	s21 =	simm.s32 $0xF900  }
0xd1: {  	[tilespmem:s21], [sflag:$0x2] =	stream.indirect_vreg.gather [hbm4b:s7+s2], $0x80, v3, vm0, $0xb8;
	[tilespmem:$0x10100] =	vst v63  }
0xd2: {  	_ =	swait.ge [sflag:s19], $0x8000  }
0xd3: {  	[sflag:s19] =	ssyncset.done $0x0  }
0xd4: {  	s18 =	rddreg [dreg:$0x5];
	[sflag:s19] =	ssyncadd.s32 $0xFFFF8000  }
0xd5: {  	[hbm4b:s18+s2] =	stream.linear.scatter [tilespmem:s10], [sflag:$0x3], $0x8000, $0x38;
	[tilespmem:$0x10100] =	vst v63  }
0xd6: {  	_ =	swait.ge [sflag:s9], $0x8000  }
0xd7: {  	[sflag:s9] =	ssyncset.done $0x0  }
0xd8: {  	[sflag:s9] =	ssyncadd.s32 $0xFFFF8000  }
0xd9: {  	v3 =	vld [tilespmem:$0x80];
	_ =	sdelay $0x4  }
0xda: {  	v56 =	vshll.u32 v3, $0x3  }
0xdb: {  	v3 =	vand.u32 $0x7, v3;
	v4 =	vand.u32 $0xFFFFFFC0, v56  }
0xdc: {  	v3 =	vor.u32 v3, v4  }
0xdd: {  	v4 =	vperm.xlane v3, v0;
	_ =	sdelay $0x1  }
0xde: {  	v4 =	vadd.s32 v1, v4;
	_ =	sdelay $0x4  }
0xdf: {  	[tilespmem:s10], [sflag:$0x1] =	stream.indirect_vreg.gather [hbm4b:s4+s2], $0x80, v4, vm0, $0xb8;
	[tilespmem:$0x10100] =	vst v63  }
0xe0: {  	v3 =	vperm.xlane v3, v2  }
0xe1: {  	[tilespmem:s22], [sflag:$0x1] =	stream.indirect_vreg.gather [hbm4b:s5+s2], $0x80, v4, vm0, $0xb8;
	[tilespmem:$0x10100] =	vst v63  }
0xe2: {  	v3 =	vadd.s32 v1, v3  }
0xe3: {  	[tilespmem:s23], [sflag:$0x1] =	stream.indirect_vreg.gather [hbm4b:s6+s2], $0x80, v4, vm0, $0xb8;
	[tilespmem:$0x10100] =	vst v63  }
0xe4: {  	_ = 	snop  }
0xe5: {  	[tilespmem:s24], [sflag:$0x1] =	stream.indirect_vreg.gather [hbm4b:s7+s2], $0x80, v4, vm0, $0xb8;
	[tilespmem:$0x10100] =	vst v63  }
0xe6: {  	_ = 	snop  }
0xe7: {  	[tilespmem:s25], [sflag:$0x1] =	stream.indirect_vreg.gather [hbm4b:s4+s2], $0x80, v3, vm0, $0xb8;
	[tilespmem:$0x10100] =	vst v63  }
0xe8: {  	_ = 	snop  }
0xe9: {  	[tilespmem:s28], [sflag:$0x1] =	stream.indirect_vreg.gather [hbm4b:s5+s2], $0x80, v3, vm0, $0xb8;
	[tilespmem:$0x10100] =	vst v63  }
0xea: {  	_ = 	snop  }
0xeb: {  	[tilespmem:s29], [sflag:$0x1] =	stream.indirect_vreg.gather [hbm4b:s6+s2], $0x80, v3, vm0, $0xb8;
	[tilespmem:$0x10100] =	vst v63  }
0xec: {  	_ = 	snop  }
0xed: {  	[tilespmem:s30], [sflag:$0x1] =	stream.indirect_vreg.gather [hbm4b:s7+s2], $0x80, v3, vm0, $0xb8;
	[tilespmem:$0x10100] =	vst v63  }
0xee: {  	v3 =	vld [tilespmem:$0x90];
	_ =	sdelay $0x4  }
0xef: {  	v57 =	vshll.u32 v3, $0x3  }
0xf0: {  	v3 =	vand.u32 $0x7, v3;
	v4 =	vand.u32 $0xFFFFFFC0, v57  }
0xf1: {  	v3 =	vor.u32 v3, v4  }
0xf2: {  	v4 =	vperm.xlane v3, v0;
	_ =	sdelay $0x1  }
0xf3: {  	v4 =	vadd.s32 v1, v4;
	_ =	sdelay $0x4  }
0xf4: {  	[tilespmem:s31], [sflag:$0x1] =	stream.indirect_vreg.gather [hbm4b:s4+s2], $0x80, v4, vm0, $0xb8;
	[tilespmem:$0x10100] =	vst v63  }
0xf5: {  	v3 =	vperm.xlane v3, v2  }
0xf6: {  	[tilespmem:s17], [sflag:$0x1] =	stream.indirect_vreg.gather [hbm4b:s5+s2], $0x80, v4, vm0, $0xb8;
	[tilespmem:$0x10100] =	vst v63  }
0xf7: {  	v3 =	vadd.s32 v1, v3  }
0xf8: {  	[tilespmem:s16], [sflag:$0x1] =	stream.indirect_vreg.gather [hbm4b:s6+s2], $0x80, v4, vm0, $0xb8;
	[tilespmem:$0x10100] =	vst v63  }
0xf9: {  	_ = 	snop  }
0xfa: {  	[tilespmem:s3], [sflag:$0x1] =	stream.indirect_vreg.gather [hbm4b:s7+s2], $0x80, v4, vm0, $0xb8;
	[tilespmem:$0x10100] =	vst v63  }
0xfb: {  	_ = 	snop  }
0xfc: {  	[tilespmem:s11], [sflag:$0x1] =	stream.indirect_vreg.gather [hbm4b:s4+s2], $0x80, v3, vm0, $0xb8;
	[tilespmem:$0x10100] =	vst v63  }
0xfd: {  	_ = 	snop  }
0xfe: {  	[tilespmem:s12], [sflag:$0x1] =	stream.indirect_vreg.gather [hbm4b:s5+s2], $0x80, v3, vm0, $0xb8;
	[tilespmem:$0x10100] =	vst v63  }
0xff: {  	_ = 	snop  }
0x100: {  	[tilespmem:s13], [sflag:$0x1] =	stream.indirect_vreg.gather [hbm4b:s6+s2], $0x80, v3, vm0, $0xb8;
	[tilespmem:$0x10100] =	vst v63  }
0x101: {  	_ = 	snop  }
0x102: {  	[tilespmem:s14], [sflag:$0x1] =	stream.indirect_vreg.gather [hbm4b:s7+s2], $0x80, v3, vm0, $0xb8;
	[tilespmem:$0x10100] =	vst v63  }
0x103: {  	_ =	swait.ge [sflag:s20], $0x8000  }
0x104: {  	[sflag:s20] =	ssyncset.done $0x0  }
0x105: {  	s15 =	rddreg [dreg:$0x6];
	[sflag:s20] =	ssyncadd.s32 $0xFFFF8000  }
0x106: {  	[hbm4b:s15+s2] =	stream.linear.scatter [tilespmem:s26], [sflag:$0x3], $0x8000, $0x38;
	[tilespmem:$0x10100] =	vst v63  }
0x107: {  	_ =	swait.ge [sflag:s9], $0x8000  }
0x108: {  	[sflag:s9] =	ssyncset.done $0x0  }
0x109: {  	[sflag:s9] =	ssyncadd.s32 $0xFFFF8000  }
0x10a: {  	v3 =	vld [tilespmem:$0xA0];
	_ =	sdelay $0x4  }
0x10b: {  	v58 =	vshll.u32 v3, $0x3  }
0x10c: {  	v3 =	vand.u32 $0x7, v3;
	v4 =	vand.u32 $0xFFFFFFC0, v58  }
0x10d: {  	v3 =	vor.u32 v3, v4  }
0x10e: {  	v4 =	vperm.xlane v3, v0;
	_ =	sdelay $0x1  }
0x10f: {  	v4 =	vadd.s32 v1, v4;
	_ =	sdelay $0x4  }
0x110: {  	[tilespmem:s26], [sflag:$0x2] =	stream.indirect_vreg.gather [hbm4b:s4+s2], $0x80, v4, vm0, $0xb8;
	[tilespmem:$0x10100] =	vst v63  }
0x111: {  	s18 =	simm.s32 $0x8900;
	v3 =	vperm.xlane v3, v2  }
0x112: {  	[tilespmem:s18], [sflag:$0x2] =	stream.indirect_vreg.gather [hbm4b:s5+s2], $0x80, v4, vm0, $0xb8;
	[tilespmem:$0x10100] =	vst v63  }
0x113: {  	v3 =	vadd.s32 v1, v3  }
0x114: {  	[tilespmem:s0], [sflag:$0x2] =	stream.indirect_vreg.gather [hbm4b:s6+s2], $0x80, v4, vm0, $0xb8;
	[tilespmem:$0x10100] =	vst v63  }
0x115: {  	_ = 	snop  }
0x116: {  	[tilespmem:s1], [sflag:$0x2] =	stream.indirect_vreg.gather [hbm4b:s7+s2], $0x80, v4, vm0, $0xb8;
	[tilespmem:$0x10100] =	vst v63  }
0x117: {  	s21 =	simm.s32 $0xA100  }
0x118: {  	[tilespmem:s21], [sflag:$0x2] =	stream.indirect_vreg.gather [hbm4b:s4+s2], $0x80, v3, vm0, $0xb8;
	[tilespmem:$0x10100] =	vst v63  }
0x119: {  	s18 =	simm.s32 $0xA900  }
0x11a: {  	[tilespmem:s18], [sflag:$0x2] =	stream.indirect_vreg.gather [hbm4b:s5+s2], $0x80, v3, vm0, $0xb8;
	[tilespmem:$0x10100] =	vst v63  }
0x11b: {  	s21 =	simm.s32 $0xB100  }
0x11c: {  	[tilespmem:s21], [sflag:$0x2] =	stream.indirect_vreg.gather [hbm4b:s6+s2], $0x80, v3, vm0, $0xb8;
	[tilespmem:$0x10100] =	vst v63  }
0x11d: {  	s21 =	simm.s32 $0xB900  }
0x11e: {  	[tilespmem:s21], [sflag:$0x2] =	stream.indirect_vreg.gather [hbm4b:s7+s2], $0x80, v3, vm0, $0xb8;
	[tilespmem:$0x10100] =	vst v63  }
0x11f: {  	v3 =	vld [tilespmem:$0xB0];
	_ =	sdelay $0x4  }
0x120: {  	v59 =	vshll.u32 v3, $0x3  }
0x121: {  	v3 =	vand.u32 $0x7, v3;
	v4 =	vand.u32 $0xFFFFFFC0, v59  }
0x122: {  	v3 =	vor.u32 v3, v4  }
0x123: {  	v4 =	vperm.xlane v3, v0;
	_ =	sdelay $0x1  }
0x124: {  	v4 =	vadd.s32 v1, v4;
	_ =	sdelay $0x3  }
0x125: {  	s21 =	simm.s32 $0xC100  }
0x126: {  	[tilespmem:s21], [sflag:$0x2] =	stream.indirect_vreg.gather [hbm4b:s4+s2], $0x80, v4, vm0, $0xb8;
	[tilespmem:$0x10100] =	vst v63  }
0x127: {  	v3 =	vperm.xlane v3, v2;
	s21 =	simm.s32 $0xC900  }
0x128: {  	[tilespmem:s21], [sflag:$0x2] =	stream.indirect_vreg.gather [hbm4b:s5+s2], $0x80, v4, vm0, $0xb8;
	[tilespmem:$0x10100] =	vst v63  }
0x129: {  	v3 =	vadd.s32 v1, v3;
	s21 =	simm.s32 $0xD100  }
0x12a: {  	[tilespmem:s21], [sflag:$0x2] =	stream.indirect_vreg.gather [hbm4b:s6+s2], $0x80, v4, vm0, $0xb8;
	[tilespmem:$0x10100] =	vst v63  }
0x12b: {  	s21 =	simm.s32 $0xD900  }
0x12c: {  	[tilespmem:s21], [sflag:$0x2] =	stream.indirect_vreg.gather [hbm4b:s7+s2], $0x80, v4, vm0, $0xb8;
	[tilespmem:$0x10100] =	vst v63  }
0x12d: {  	s21 =	simm.s32 $0xE100  }
0x12e: {  	[tilespmem:s21], [sflag:$0x2] =	stream.indirect_vreg.gather [hbm4b:s4+s2], $0x80, v3, vm0, $0xb8;
	[tilespmem:$0x10100] =	vst v63  }
0x12f: {  	s21 =	simm.s32 $0xE900  }
0x130: {  	[tilespmem:s21], [sflag:$0x2] =	stream.indirect_vreg.gather [hbm4b:s5+s2], $0x80, v3, vm0, $0xb8;
	[tilespmem:$0x10100] =	vst v63  }
0x131: {  	s21 =	simm.s32 $0xF100  }
0x132: {  	[tilespmem:s21], [sflag:$0x2] =	stream.indirect_vreg.gather [hbm4b:s6+s2], $0x80, v3, vm0, $0xb8;
	[tilespmem:$0x10100] =	vst v63  }
0x133: {  	s21 =	simm.s32 $0xF900  }
0x134: {  	[tilespmem:s21], [sflag:$0x2] =	stream.indirect_vreg.gather [hbm4b:s7+s2], $0x80, v3, vm0, $0xb8;
	[tilespmem:$0x10100] =	vst v63  }
0x135: {  	_ =	swait.ge [sflag:s19], $0x8000  }
0x136: {  	[sflag:s19] =	ssyncset.done $0x0  }
0x137: {  	s21 =	rddreg [dreg:$0x7];
	[sflag:s19] =	ssyncadd.s32 $0xFFFF8000  }
0x138: {  	[hbm4b:s21+s2] =	stream.linear.scatter [tilespmem:s10], [sflag:$0x3], $0x8000, $0x38;
	[tilespmem:$0x10100] =	vst v63  }
0x139: {  	_ =	swait.ge [sflag:s9], $0x8000  }
0x13a: {  	[sflag:s9] =	ssyncset.done $0x0  }
0x13b: {  	[sflag:s9] =	ssyncadd.s32 $0xFFFF8000  }
0x13c: {  	v3 =	vld [tilespmem:$0xC0];
	_ =	sdelay $0x4  }
0x13d: {  	v60 =	vshll.u32 v3, $0x3  }
0x13e: {  	v3 =	vand.u32 $0x7, v3;
	v4 =	vand.u32 $0xFFFFFFC0, v60  }
0x13f: {  	v3 =	vor.u32 v3, v4  }
0x140: {  	v4 =	vperm.xlane v3, v0;
	_ =	sdelay $0x1  }
0x141: {  	v4 =	vadd.s32 v1, v4;
	_ =	sdelay $0x4  }
0x142: {  	[tilespmem:s10], [sflag:$0x1] =	stream.indirect_vreg.gather [hbm4b:s4+s2], $0x80, v4, vm0, $0xb8;
	[tilespmem:$0x10100] =	vst v63  }
0x143: {  	v3 =	vperm.xlane v3, v2  }
0x144: {  	[tilespmem:s22], [sflag:$0x1] =	stream.indirect_vreg.gather [hbm4b:s5+s2], $0x80, v4, vm0, $0xb8;
	[tilespmem:$0x10100] =	vst v63  }
0x145: {  	v3 =	vadd.s32 v1, v3  }
0x146: {  	[tilespmem:s23], [sflag:$0x1] =	stream.indirect_vreg.gather [hbm4b:s6+s2], $0x80, v4, vm0, $0xb8;
	[tilespmem:$0x10100] =	vst v63  }
0x147: {  	_ = 	snop  }
0x148: {  	[tilespmem:s24], [sflag:$0x1] =	stream.indirect_vreg.gather [hbm4b:s7+s2], $0x80, v4, vm0, $0xb8;
	[tilespmem:$0x10100] =	vst v63  }
0x149: {  	_ = 	snop  }
0x14a: {  	[tilespmem:s25], [sflag:$0x1] =	stream.indirect_vreg.gather [hbm4b:s4+s2], $0x80, v3, vm0, $0xb8;
	[tilespmem:$0x10100] =	vst v63  }
0x14b: {  	_ = 	snop  }
0x14c: {  	[tilespmem:s28], [sflag:$0x1] =	stream.indirect_vreg.gather [hbm4b:s5+s2], $0x80, v3, vm0, $0xb8;
	[tilespmem:$0x10100] =	vst v63  }
0x14d: {  	_ = 	snop  }
0x14e: {  	[tilespmem:s29], [sflag:$0x1] =	stream.indirect_vreg.gather [hbm4b:s6+s2], $0x80, v3, vm0, $0xb8;
	[tilespmem:$0x10100] =	vst v63  }
0x14f: {  	_ = 	snop  }
0x150: {  	[tilespmem:s30], [sflag:$0x1] =	stream.indirect_vreg.gather [hbm4b:s7+s2], $0x80, v3, vm0, $0xb8;
	[tilespmem:$0x10100] =	vst v63  }
0x151: {  	v3 =	vld [tilespmem:$0xD0];
	_ =	sdelay $0x4  }
0x152: {  	v61 =	vshll.u32 v3, $0x3  }
0x153: {  	v3 =	vand.u32 $0x7, v3;
	v4 =	vand.u32 $0xFFFFFFC0, v61  }
0x154: {  	v3 =	vor.u32 v3, v4  }
0x155: {  	v4 =	vperm.xlane v3, v0;
	_ =	sdelay $0x1  }
0x156: {  	v4 =	vadd.s32 v1, v4;
	_ =	sdelay $0x4  }
0x157: {  	[tilespmem:s31], [sflag:$0x1] =	stream.indirect_vreg.gather [hbm4b:s4+s2], $0x80, v4, vm0, $0xb8;
	[tilespmem:$0x10100] =	vst v63  }
0x158: {  	v3 =	vperm.xlane v3, v2  }
0x159: {  	[tilespmem:s17], [sflag:$0x1] =	stream.indirect_vreg.gather [hbm4b:s5+s2], $0x80, v4, vm0, $0xb8;
	[tilespmem:$0x10100] =	vst v63  }
0x15a: {  	v3 =	vadd.s32 v1, v3  }
0x15b: {  	[tilespmem:s16], [sflag:$0x1] =	stream.indirect_vreg.gather [hbm4b:s6+s2], $0x80, v4, vm0, $0xb8;
	[tilespmem:$0x10100] =	vst v63  }
0x15c: {  	_ = 	snop  }
0x15d: {  	[tilespmem:s3], [sflag:$0x1] =	stream.indirect_vreg.gather [hbm4b:s7+s2], $0x80, v4, vm0, $0xb8;
	[tilespmem:$0x10100] =	vst v63  }
0x15e: {  	_ = 	snop  }
0x15f: {  	[tilespmem:s11], [sflag:$0x1] =	stream.indirect_vreg.gather [hbm4b:s4+s2], $0x80, v3, vm0, $0xb8;
	[tilespmem:$0x10100] =	vst v63  }
0x160: {  	_ = 	snop  }
0x161: {  	[tilespmem:s12], [sflag:$0x1] =	stream.indirect_vreg.gather [hbm4b:s5+s2], $0x80, v3, vm0, $0xb8;
	[tilespmem:$0x10100] =	vst v63  }
0x162: {  	_ = 	snop  }
0x163: {  	[tilespmem:s13], [sflag:$0x1] =	stream.indirect_vreg.gather [hbm4b:s6+s2], $0x80, v3, vm0, $0xb8;
	[tilespmem:$0x10100] =	vst v63  }
0x164: {  	_ = 	snop  }
0x165: {  	[tilespmem:s14], [sflag:$0x1] =	stream.indirect_vreg.gather [hbm4b:s7+s2], $0x80, v3, vm0, $0xb8;
	[tilespmem:$0x10100] =	vst v63  }
0x166: {  	_ =	swait.ge [sflag:s20], $0x8000  }
0x167: {  	[sflag:s20] =	ssyncset.done $0x0  }
0x168: {  	s3 =	rddreg [dreg:$0x8];
	[sflag:s20] =	ssyncadd.s32 $0xFFFF8000  }
0x169: {  	[hbm4b:s3+s2] =	stream.linear.scatter [tilespmem:s26], [sflag:$0x3], $0x8000, $0x38;
	[tilespmem:$0x10100] =	vst v63  }
0x16a: {  	_ =	swait.ge [sflag:s9], $0x8000  }
0x16b: {  	[sflag:s9] =	ssyncset.done $0x0  }
0x16c: {  	[sflag:s9] =	ssyncadd.s32 $0xFFFF8000  }
0x16d: {  	v3 =	vld [tilespmem:$0xE0];
	_ =	sdelay $0x4  }
0x16e: {  	v62 =	vshll.u32 v3, $0x3  }
0x16f: {  	v3 =	vand.u32 $0x7, v3;
	v4 =	vand.u32 $0xFFFFFFC0, v62  }
0x170: {  	v3 =	vor.u32 v3, v4  }
0x171: {  	v4 =	vperm.xlane v3, v0;
	_ =	sdelay $0x1  }
0x172: {  	v4 =	vadd.s32 v1, v4;
	_ =	sdelay $0x4  }
0x173: {  	[tilespmem:s26], [sflag:$0x2] =	stream.indirect_vreg.gather [hbm4b:s4+s2], $0x80, v4, vm0, $0xb8;
	[tilespmem:$0x10100] =	vst v63  }
0x174: {  	s21 =	simm.s32 $0x8900;
	v3 =	vperm.xlane v3, v2  }
0x175: {  	[tilespmem:s21], [sflag:$0x2] =	stream.indirect_vreg.gather [hbm4b:s5+s2], $0x80, v4, vm0, $0xb8;
	[tilespmem:$0x10100] =	vst v63  }
0x176: {  	s0 =	simm.s32 $0x9100;
	v3 =	vadd.s32 v1, v3  }
0x177: {  	[tilespmem:s0], [sflag:$0x2] =	stream.indirect_vreg.gather [hbm4b:s6+s2], $0x80, v4, vm0, $0xb8;
	[tilespmem:$0x10100] =	vst v63  }
0x178: {  	s1 =	simm.s32 $0x9900  }
0x179: {  	[tilespmem:s1], [sflag:$0x2] =	stream.indirect_vreg.gather [hbm4b:s7+s2], $0x80, v4, vm0, $0xb8;
	[tilespmem:$0x10100] =	vst v63  }
0x17a: {  	s3 =	simm.s32 $0xA100  }
0x17b: {  	[tilespmem:s3], [sflag:$0x2] =	stream.indirect_vreg.gather [hbm4b:s4+s2], $0x80, v3, vm0, $0xb8;
	[tilespmem:$0x10100] =	vst v63  }
0x17c: {  	s15 =	simm.s32 $0xA900  }
0x17d: {  	[tilespmem:s15], [sflag:$0x2] =	stream.indirect_vreg.gather [hbm4b:s5+s2], $0x80, v3, vm0, $0xb8;
	[tilespmem:$0x10100] =	vst v63  }
0x17e: {  	s18 =	simm.s32 $0xB100  }
0x17f: {  	[tilespmem:s18], [sflag:$0x2] =	stream.indirect_vreg.gather [hbm4b:s6+s2], $0x80, v3, vm0, $0xb8;
	[tilespmem:$0x10100] =	vst v63  }
0x180: {  	s18 =	simm.s32 $0xB900  }
0x181: {  	[tilespmem:s18], [sflag:$0x2] =	stream.indirect_vreg.gather [hbm4b:s7+s2], $0x80, v3, vm0, $0xb8;
	[tilespmem:$0x10100] =	vst v63  }
0x182: {  	v3 =	vld [tilespmem:$0xF0];
	_ =	sdelay $0x4  }
0x183: {  	v63 =	vshll.u32 v3, $0x3  }
0x184: {  	v3 =	vand.u32 $0x7, v3;
	v4 =	vand.u32 $0xFFFFFFC0, v63  }
0x185: {  	v3 =	vor.u32 v3, v4  }
0x186: {  	v4 =	vperm.xlane v3, v0;
	_ =	sdelay $0x1  }
0x187: {  	v4 =	vadd.s32 v1, v4;
	_ =	sdelay $0x3  }
0x188: {  	s21 =	simm.s32 $0xC100  }
0x189: {  	[tilespmem:s21], [sflag:$0x2] =	stream.indirect_vreg.gather [hbm4b:s4+s2], $0x80, v4, vm0, $0xb8;
	[tilespmem:$0x10100] =	vst v63  }
0x18a: {  	s1 =	simm.s32 $0xC900;
	v3 =	vperm.xlane v3, v2  }
0x18b: {  	[tilespmem:s1], [sflag:$0x2] =	stream.indirect_vreg.gather [hbm4b:s5+s2], $0x80, v4, vm0, $0xb8;
	[tilespmem:$0x10100] =	vst v63  }
0x18c: {  	s3 =	simm.s32 $0xD100;
	v3 =	vadd.s32 v1, v3  }
0x18d: {  	[tilespmem:s3], [sflag:$0x2] =	stream.indirect_vreg.gather [hbm4b:s6+s2], $0x80, v4, vm0, $0xb8;
	[tilespmem:$0x10100] =	vst v63  }
0x18e: {  	s15 =	simm.s32 $0xD900  }
0x18f: {  	[tilespmem:s15], [sflag:$0x2] =	stream.indirect_vreg.gather [hbm4b:s7+s2], $0x80, v4, vm0, $0xb8;
	[tilespmem:$0x10100] =	vst v63  }
0x190: {  	s18 =	simm.s32 $0xE100  }
0x191: {  	[tilespmem:s18], [sflag:$0x2] =	stream.indirect_vreg.gather [hbm4b:s4+s2], $0x80, v3, vm0, $0xb8;
	[tilespmem:$0x10100] =	vst v63  }
0x192: {  	s21 =	simm.s32 $0xE900  }
0x193: {  	[tilespmem:s21], [sflag:$0x2] =	stream.indirect_vreg.gather [hbm4b:s5+s2], $0x80, v3, vm0, $0xb8;
	[tilespmem:$0x10100] =	vst v63  }
0x194: {  	s1 =	simm.s32 $0xF100  }
0x195: {  	[tilespmem:s1], [sflag:$0x2] =	stream.indirect_vreg.gather [hbm4b:s6+s2], $0x80, v3, vm0, $0xb8;
	[tilespmem:$0x10100] =	vst v63  }
0x196: {  	s3 =	simm.s32 $0xF900  }
0x197: {  	[tilespmem:s3], [sflag:$0x2] =	stream.indirect_vreg.gather [hbm4b:s7+s2], $0x80, v3, vm0, $0xb8;
	[tilespmem:$0x10100] =	vst v63  }
0x198: {  	_ =	swait.ge [sflag:s19], $0x8000  }
0x199: {  	[sflag:s19] =	ssyncset.done $0x0  }
0x19a: {  	s15 =	rddreg [dreg:$0x9];
	[sflag:s19] =	ssyncadd.s32 $0xFFFF8000  }
0x19b: {  	[hbm4b:s15+s2] =	stream.linear.scatter [tilespmem:s10], [sflag:$0x3], $0x8000, $0x38;
	[tilespmem:$0x10100] =	vst v63  }
0x19c: {  	_ =	swait.ge [sflag:s9], $0x8000  }
0x19d: {  	[sflag:s9] =	ssyncset.done $0x0  }
0x19e: {  	[sflag:s9] =	ssyncadd.s32 $0xFFFF8000  }
0x19f: {  	_ =	swait.ge [sflag:s20], $0x8000  }
0x1a0: {  	p0 =	sne.s32 s8, $0x1;
	[sflag:s20] =	ssyncset.done $0x0  }
.Ltmp0:
0x1a1: {  	s18 =	rddreg [dreg:$0xa];
	[sflag:s20] =	ssyncadd.s32 $0xFFFF8000;
	(pc) =	sbr.rel @p0 .LBB2_1-.Ltmp0, $4  }
0x1a2: {  	[hbm4b:s18+s2] =	stream.linear.scatter [tilespmem:s26], [sflag:$0x3], $0x8000, $0x38;
	[tilespmem:$0x10100] =	vst v63  }
0x1a3: {  	_ =	swait.ge [sflag:s9], $0x8000  }
0x1a4: {  	[sflag:s9] =	ssyncset.done $0x0  }
0x1a5: {  	s8 =	sadd.s32 $0xFFFFFFFF, s8;
	[sflag:s9] =	ssyncadd.s32 $0xFFFF8000  }
0x1a6: {  	_ =	sfence.sel $0x180000  }
0x1a7: {  	[bflag:$0x0] =	sbarrier.arrive $0xFFFF  }
0x1a8: {  	_ =	strace $0x9000004A  }
0x1a9: {  	s0 =	stileid.u32;
	[bflag:$0x2] =	sbarrier.arrive $0xFFFF  }
0x1aa: {  	p0 =	sne.s32 s0, $0x0;
	s0 =	rddreg [dreg:$0x2]  }
0x1ab: {  	s0 =	sadd.s32 @!p0 $0x100000, s0  }
0x1ac: {  	[sflag:s0] =	ssyncadd.tile.s32 @!p0 $0x1;
	_ =	shalt  }
.Lfunc_end2:
_tile_overlayer_lowered:
.L_overlay_start_2:
0x1ad: {  	(tag) =	ssettag $0x2  }
0x1ae: {  	s0 =	rddreg [dreg:$0x0];
	s2 =	stileid.u32  }
0x1af: {  	s1 =	rddreg [dreg:$0x1];
	p0 =	sne.s32 s2, $0x0  }
0x1b0: {  	s3 =	rddreg [dreg:$0x2];
	[bflag:$0x3] =	sbarrier.arrive $0xFFFF;
	s2 =	simm.s32 @!p0 $0x1C03  }
0x1b1: {  	[timem:s3], [sflag:s2] =	dma.local @!p0 [hbm:s0], s1  }
0x1b2: {  	s0 =	simm.s32 @!p0 $0x3  }
0x1b3: {  	_ =	swait.ge @!p0 [sflag:s0], s1  }
0x1b4: {  	s1 =	ssub.s32 @!p0 $0x0, s1;
	[sflag:s0] =	ssyncset.done @!p0 $0x0  }
0x1b5: {  	[sflag:s0] =	ssyncadd.s32 @!p0 s1  }
0x1b6: {  	[bflag:$0x3] =	sbarrier.arrive $0xFFFF  }
0x1b7: {  	_ =	shalt  }

// kernel: kernel.4.cloned.1.call-start
scs
__scs_entry_jumppad:
0x0: {  	(pc) =	sbr.rel $0x88, $3  }
0x1: {  	(tag) =	ssettag $0x0;
	lr =	simm.s32 $0x1  }
0x2: {  	[smem:$0x3F9C] =	sst lr;
	_ =	strace $0xD0000000  }
0x3: {  	_ = 	snop  }
0x4: {  	_ = 	snop  }
0x5: {  	_ = 	snop  }
0x6: {  	_ = 	snop  }
0x7: {  	_ = 	snop  }
__scs_overlays_trampoline_lowered:
0x8: {  	[smem:$0x3FAB] =	sst s0  }
0x9: {  	[smem:$0x3FAC] =	sst s1  }
0xa: {  	[smem:$0x3FAD] =	sst s2  }
0xb: {  	[smem:$0x3FAE] =	sst s3  }
0xc: {  	[smem:$0x3FAF] =	sst s4  }
0xd: {  	[smem:$0x3FB0] =	sst s5  }
0xe: {  	[smem:$0x3FB1] =	sst s6  }
0xf: {  	[smem:$0x3FB2] =	sst s7  }
0x10: {  	[smem:$0x3FB3] =	sst s8  }
0x11: {  	[smem:$0x3FB4] =	sst s9;
	s0 =	simm.s32 @!p0 $0x0  }
0x12: {  	s1 =	sld [smem:$0x3F9A];
	s0 =	simm.s32 @p0 $0x1  }
0x13: {  	[smem:$0x3FB5] =	sst s0;
	s0 =	simm.s32 @!p1 $0x0  }
0x14: {  	s2 =	sld [smem:$0x3F99];
	s0 =	simm.s32 @p1 $0x1  }
0x15: {  	[smem:$0x3FB6] =	sst s0;
	s0 =	simm.s32 @!p2 $0x0  }
0x16: {  	s3 =	sld [smem:$0x3FDB];
	s0 =	simm.s32 @p2 $0x1  }
0x17: {  	s4 =	simm.s32 $0x1BF5;
	[smem:$0x3FB8] =	sst s0  }
0x18: {  	s0 =	sld [smem:$0x3F9B];
	_ =	swait.ge [sflag:s4], $0x0  }
0x19: {  	s7 =	sld [smem:$0x3F9C]  }
0x1a: {  	s8 =	sadd.s32 $0xFFFFE003, lr  }
0x1b: {  	s9 =	sadd.s32 $0xFFFFFEF7, lr;
	s5 =	simm.s32 $0xFFFFFFFF;
	p2 =	slt.u32 s8, $0xFFFFF086  }
0x1c: {  	p1 =	slt.u32 s9, $0xF7A;
	s5 =	simm.s32 @!p2 $0x0  }
0x1d: {  	s5 =	simm.s32 @p1 $0x1;
	p0 =	seq.s32 s7, s2  }
0x1e: {  	s7 =	smul.u32 @!p0 $0xF7A, s2;
	p2 =	seq.s32 @!p0 s5, $0x0  }
0x1f: {  	s9 =	smul.u32 $0xF7A, s1;
	s8 =	simm.s32 @!p0 $0x1BF5;
	p2 =	por !p2, p0  }
0x20: {  	[sflag:s8] =	ssyncset.s32 @!p0 $0xFFFFF086;
	s6 =	sadd.s32 @!p0 s3, s7;
	s7 =	simm.s32 @!p0 $0x108  }
0x21: {  	s3 =	sadd.s32 s3, s9;
	s6 =	sadd.s32 @!p0 $0x88, s6;
	s7 =	simm.s32 @p2 $0x1082  }
0x22: {  	[simem:s7], [sflag:s8] =	dma.local @!p0 [hbm:s6], $0xF7A  }
0x23: {  	s9 =	sor.u32 $0xD0000000, s2;
	s6 =	simm.s32 $0x108;
	_ =	swait.ge @!p0 [sflag:s8], $0x0  }
0x24: {  	s3 =	sadd.s32 $0x88, s3;
	s6 =	simm.s32 @!p1 $0x1082;
	[sflag:s4] =	ssyncset.s32 $0xFFFFF086  }
0x25: {  	[simem:s6], [sflag:s4] =	dma.local [hbm:s3], $0xF7A  }
0x26: {  	[smem:$0x3F9C] =	sst s1;
	(tag) =	ssettag s2;
	_ =	strace s9  }
0x27: {  	s1 =	sld [smem:$0x3FAC]  }
0x28: {  	s2 =	sld [smem:$0x3FAD]  }
0x29: {  	s4 =	sld [smem:$0x3FAF]  }
0x2a: {  	p0 =	seq.s32 s5, $0x0;
	s5 =	sld [smem:$0x3FB0]  }
0x2b: {  	s6 =	sld [smem:$0x3FB1]  }
0x2c: {  	s7 =	sld [smem:$0x3FB2]  }
0x2d: {  	s3 =	simm.s32 $0x108;
	s8 =	sld [smem:$0x3FB3]  }
0x2e: {  	s3 =	simm.s32 @!p0 $0x1082;
	s9 =	sld [smem:$0x3FB4]  }
0x2f: {  	lr =	sadd.s32 s0, s3;
	s0 =	sld [smem:$0x3FAB]  }
0x30: {  	s3 =	sld [smem:$0x3FAE]  }
0x31: {  	[smem:$0x3FB7] =	sst s10  }
0x32: {  	s10 =	sld [smem:$0x3FB5];
	_ =	sdelay $0x3  }
0x33: {  	p0 =	seq.s32 s10, $0x1;
	s10 =	sld [smem:$0x3FB7];
	_ =	sdelay $0x3  }
0x34: {  	[smem:$0x3FB7] =	sst s10  }
0x35: {  	s10 =	sld [smem:$0x3FB6];
	_ =	sdelay $0x3  }
0x36: {  	p1 =	seq.s32 s10, $0x1;
	s10 =	sld [smem:$0x3FB7];
	_ =	sdelay $0x3  }
0x37: {  	[smem:$0x3FB7] =	sst s10  }
0x38: {  	s10 =	sld [smem:$0x3FB8]  }
0x39: {  	_ = 	snop;
	(pc) =	sbr.ind lr, $3  }
0x3a: {  	_ = 	snop  }
0x3b: {  	_ = 	snop  }
0x3c: {  	p2 =	seq.s32 s10, $0x1;
	s10 =	sld [smem:$0x3FB7]  }
0x3d: {  	_ =	shalt  }
0x3e: {  	_ =	shalt  }
0x3f: {  	_ =	shalt  }
0x40: {  	_ =	shalt  }
0x41: {  	_ =	shalt  }
0x42: {  	_ =	shalt  }
0x43: {  	_ =	shalt  }
0x44: {  	_ =	shalt  }
0x45: {  	_ =	shalt  }
0x46: {  	_ =	shalt  }
0x47: {  	_ =	shalt  }
0x48: {  	_ =	shalt  }
0x49: {  	_ =	shalt  }
0x4a: {  	_ =	shalt  }
0x4b: {  	_ =	shalt  }
0x4c: {  	_ =	shalt  }
0x4d: {  	_ =	shalt  }
0x4e: {  	_ =	shalt  }
0x4f: {  	_ =	shalt  }
0x50: {  	_ =	shalt  }
0x51: {  	_ =	shalt  }
0x52: {  	_ =	shalt  }
0x53: {  	_ =	shalt  }
0x54: {  	_ =	shalt  }
0x55: {  	_ =	shalt  }
0x56: {  	_ =	shalt  }
0x57: {  	_ =	shalt  }
0x58: {  	_ =	shalt  }
0x59: {  	_ =	shalt  }
0x5a: {  	_ =	shalt  }
0x5b: {  	_ =	shalt  }
0x5c: {  	_ =	shalt  }
0x5d: {  	_ =	shalt  }
0x5e: {  	_ =	shalt  }
0x5f: {  	_ =	shalt  }
0x60: {  	_ =	shalt  }
0x61: {  	_ =	shalt  }
0x62: {  	_ =	shalt  }
0x63: {  	_ =	shalt  }
0x64: {  	_ =	shalt  }
0x65: {  	_ =	shalt  }
0x66: {  	_ =	shalt  }
0x67: {  	_ =	shalt  }
0x68: {  	_ =	shalt  }
0x69: {  	_ =	shalt  }
0x6a: {  	_ =	shalt  }
0x6b: {  	_ =	shalt  }
0x6c: {  	_ =	shalt  }
0x6d: {  	_ =	shalt  }
0x6e: {  	_ =	shalt  }
0x6f: {  	_ =	shalt  }
0x70: {  	_ =	shalt  }
0x71: {  	_ =	shalt  }
0x72: {  	_ =	shalt  }
0x73: {  	_ =	shalt  }
0x74: {  	_ =	shalt  }
0x75: {  	_ =	shalt  }
0x76: {  	_ =	shalt  }
0x77: {  	_ =	shalt  }
0x78: {  	_ =	shalt  }
0x79: {  	_ =	shalt  }
0x7a: {  	_ =	shalt  }
0x7b: {  	_ =	shalt  }
0x7c: {  	_ =	shalt  }
0x7d: {  	_ =	shalt  }
0x7e: {  	_ =	shalt  }
0x7f: {  	_ =	shalt  }
0x80: {  	_ =	shalt  }
0x81: {  	_ =	shalt  }
0x82: {  	_ =	shalt  }
0x83: {  	_ =	shalt  }
0x84: {  	_ =	shalt  }
0x85: {  	_ =	shalt  }
0x86: {  	_ =	shalt  }
0x87: {  	_ =	shalt  }
.Lfunc_end0:
.L_simem_size_0:
called_computation.2_lowered:
.L_overlay_start_0:
0x88: {  	s2 =	sld [smem:$0x3FD9]  }
0x89: {  	s3 =	sld [smem:$0x3FFE];
	_ =	sdelay $0x1  }
0x8a: {  	s1 =	srdreg.scid  }
0x8b: {  	s0 =	sand.u32 $0x1, s1  }
0x8c: {  	s14 =	sshll.u32 s0, $0xA;
	s2 =	sadd.s32 s3, s2  }
0x8d: {  	s2 =	sadd.s32 s2, s14  }
0x8e: {  	[smem:$0x3FC3] =	sst s2  }
0x8f: {  	_ = 	snop  }
0x90: {  	s2 =	sld [smem:$0x3FD0];
	_ =	sdelay $0x2  }
0x91: {  	s15 =	simm.s32 $0xA;
	s4 =	simm.s32 $0x10  }
0x92: {  	[smem:s4], [sflag:s15] =	dma.local [hbm:s2], $0x1  }
0x93: {  	_ =	swait.eq [sflag:s15], $0x1  }
0x94: {  	[sflag:s15] =	ssyncset.done $0x0  }
0x95: {  	s16 =	sld [smem:$0x10];
	[sflag:s15] =	ssyncadd.s32 $0xFFFFFFFF  }
0x96: {  	s17 =	sld [smem:$0x11];
	(tm) =	ssettm $0x1  }
0x97: {  	s18 =	sld [smem:$0x3FFB];
	_ =	sdelay $0x3  }
0x98: {  	_ =	strace s18  }
0x99: {  	s4 =	sld [smem:$0x3FFC];
	_ =	sdelay $0x3  }
0x9a: {  	_ =	strace s4  }
0x9b: {  	s4 =	sld [smem:$0x3FFD];
	_ =	sdelay $0x3  }
0x9c: {  	_ =	strace s4  }
0x9d: {  	_ =	strace $0x8FFFFFFF  }
0x9e: {  	s19 =	sld [smem:$0x3FDB];
	_ =	sdelay $0x1  }
0x9f: {  	s5 =	simm.s32 $_scs_section_size  }
0xa0: {  	s6 =	simm.s32 $_size__tile_overlayer_lowered;
	s7 =	simm.s32 $_tile_overlayer_lowered  }
0xa1: {  	s22 =	simm.s32 $0x1BFF;
	s21 =	sshll.u32 s7, $0x1;
	s4 =	sadd.s32 s5, s19  }
0xa2: {  	s8 =	simm.s32 $0x0;
	s20 =	sshll.u32 s6, $0x1;
	s6 =	sadd.s32 s21, s4  }
0xa3: {  	[timem:s8], [sflag:s22] =	dma.local [hbm:s6], s20  }
0xa4: {  	_ =	swait.ge [sflag:s22], s20  }
0xa5: {  	s5 =	ssub.s32 $0x0, s20;
	[sflag:s22] =	ssyncset.done $0x0  }
0xa6: {  	[sflag:s22] =	ssyncadd.s32 s5;
	_ =	sdelay $0x1  }
0xa7: {  	s23 =	simm.s32 $0x1B8B  }
0xa8: {  	_ =	swait.ge [sflag:s23], $0x1  }
0xa9: {  	[sflag:s23] =	ssyncset.done $0x0  }
0xaa: {  	s25 =	simm.s32 $0x1B8E;
	s24 =	sld [smem:$0x3FFE];
	[sflag:s23] =	ssyncadd.s32 $0xFFFFFFFF  }
0xab: {  	s26 =	simm.s32 $execute0_lowered;
	[smem:$0x3FD2] =	sst s25  }
0xac: {  	s6 =	sshll.u32 s26, $0x1;
	_ =	strace $0x8000004C;
	[dreg:$0x1] =	wrdreg $0xFFFFFFFF  }
0xad: {  	s28 =	simm.s32 $_size_execute0_lowered;
	s4 =	sadd.s32 s4, s6;
	[dreg:$0x0] =	wrdreg $0x0  }
0xae: {  	s6 =	sshll.u32 s28, $0x1;
	[dreg:$0x2] =	wrdreg s4  }
0xaf: {  	[dreg:$0x3] =	wrdreg s6  }
0xb0: {  	[dreg:$0x4] =	wrdreg $0xC0  }
0xb1: {  	_ =	task [dreg:s8], $0x5FFFF  }
0xb2: {  	[dreg:$0x1] =	wrdreg $0xFFFFFFFF  }
0xb3: {  	[dreg:$0x0] =	wrdreg $0x60  }
0xb4: {  	[dreg:$0x2] =	wrdreg s17  }
0xb5: {  	[dreg:$0x3] =	wrdreg s24  }
0xb6: {  	[dreg:$0x4] =	wrdreg s16  }
0xb7: {  	[dreg:$0x5] =	wrdreg $0x9  }
0xb8: {  	_ =	task.clear_ibuf [dreg:s8], $0x6FFFF;
	_ =	strace $0x9000004C  }
0xb9: {  	s29 =	simm.s32 $0x9;
	_ =	strace $0x8000004E  }
0xba: {  	_ =	swait.ge [sflag:s29], $0x1  }
0xbb: {  	[sflag:s29] =	ssyncadd.s32 $0xFFFFFFFF  }
0xbc: {  	_ =	strace $0x9000004E  }
0xbd: {  	_ =	sfence  }
0xbe: {  	s30 =	sld [smem:$0x0];
	_ =	sdelay $0x2  }
0xbf: {  	s31 =	sshll.u32 s1, $0xD;
	s1 =	sshrl.u32 s1, $0x2  }
0xc0: {  	s3 =	sand.u32 $0x4000, s31;
	s1 =	sadd.s32 s1, s30  }
0xc1: {  	s0 =	sor.u32 s3, s0;
	s1 =	sshll.u32 s1, $0x11  }
0xc2: {  	s0 =	sor.u32 s1, s0  }
0xc3: {  	s0 =	sadd.s32 $0x8F2B, s0  }
0xc4: {  	[sflag:s0] =	ssyncadd.remote.s32 $0x1  }
0xc5: {  	_ =	sfence.sel $0xFFFF  }
0xc6: {  	[dreg:$0x0] =	wrdreg $0xFFFFFFFF;
	(pc) =	sbr.abs _section_cstart, $3  }
0xc7: {  	[dreg:$0x1] =	wrdreg $0xFFFFFFFF  }
0xc8: {  	_ =	task.clear_ibuf [dreg:s8], $0x2FFFF;
	_ =	strace $0x9FFFFFFF  }
0xc9: {  	(tm) =	ssettm $0x7FFFFFFF  }
tec
execute0_lowered:
.L_overlay_start_1:
0x0: {  	(tag) =	ssettag $0x1  }
0x1: {  	s0 =	srdreg.scid  }
0x2: {  	s4 =	sand.u32 $0x1, s0;
	s0 =	stileid.u32  }
0x3: {  	s6 =	sshll.u32 s0, $0x1;
	s7 =	ssub.s32 $0x0, s4  }
0x4: {  	p0 =	sne.s32 s6, s7  }
.Ltmp0:
0x5: {  	_ = 	snop;
	(pc) =	sbr.rel @p0 .LBB2_7-.Ltmp0, $4  }
0x6: {  	s1 =	rddreg [dreg:$0x0]  }
0x7: {  	s5 =	rddreg [dreg:$0x1]  }
0x8: {  	s3 =	rddreg [dreg:$0x2]  }
0x9: {  	s2 =	rddreg [dreg:$0x3];
	_ =	strace $0x8000004D  }
0xa: {  	s4 =	ssub.s32 $0x2, s4;
	s7 =	simm.s32 $0x0;
	s8 =	simm.s32 $0x1  }
0xb: {  	s9 =	simm.s32 $0x2000;
	s10 =	simm.s32 $0x2E00;
	s6 =	sshrl.u32 s4, $0x1  }
0xc: {  	s11 =	simm.s32 $0x4E00;
	s12 =	simm.s32 $0x0;
	s6 =	ssub.s32 s4, s6  }
0xd: {  	v0 =	vlaneseq.u32;
	v1 =	vimm.s32 $0x0;
	s4 =	sadd.s32 $0x3200, s5;
	s5 =	sadd.s32 $0x3400, s5;
	s6 =	smax.u32 s6, $0x1  }
.LBB2_2:
0xe: {  	[tilespmem:s7], [sflag:$0x1] =	stream.linear.gather [hbm4b:s1+s7], $0x2000, $0x38;
	[tilespmem:$0x4E80] =	vst v63  }
0xf: {  	_ =	swait.ge [sflag:s8], $0x2000  }
0x10: {  	[sflag:s8] =	ssyncset.done $0x0  }
0x11: {  	s13 =	simm.s32 $0x0;
	[sflag:s8] =	ssyncadd.s32 $0xFFFFE000  }
.LBB2_3:
0x12: {  	p0 =	sne.s32 s13, $0x37C0  }
.Ltmp1:
0x13: {  	_ = 	snop;
	(pc) =	sbr.rel @p0 .LBB2_3-.Ltmp1, $3  }
0x14: {  	_ =	sdelay $0x1  }
0x15: {  	s14 =	sshra.s32 s13, $0x2;
	v2 =	vimm.s32 $0x0  }
0x16: {  	s13 =	sadd.s32 $0x40, s13;
	[tilespmem:s14+$0x2000] =	vst v2  }
0x17: {  	s13 =	simm.s32 $0x0  }
0x18: {  	v3 =	vld [tilespmem:s13+$0x0];
	_ =	sdelay $0x4  }
0x19: {  	vm0 =	vgt.f32 v3, $0.0e+00  }
0x1a: {  	v3 =	vsel vm0, $0x1, v1  }
0x1b: {  	(xrf0) =	vadd.scan.msk.s32 $0xffff, v3;
	_ =	sdelay $0x5  }
0x1c: {  	v3, _, _ =	vpop (xrf0)  }
0x1d: {  	v3 =	vadd.s32 v3, v2  }
0x1e: {  	v4 =	vadd.s32 $0xFFFFFFFF, v3  }
0x1f: {  	vm1 =	vlt.s32 v4, $0xE00  }
0x20: {  	vm1 =	vmand vm0, vm1;
	_ =	sdelay $0x2  }
0x21: {  	v5 =	vor.u32 s13, v0  }
0x22: {  	v6 =	vand.u32 $0xFF, v5;
	v3 =	vmpcnt.ones.xlane vm0  }
0x23: {  	v6 =	vor.u32 $0xE00, v6  }
0x24: {  	s14 =	simm.s32 $0x2E00;
	s15 =	simm.s32 $0x10;
	v2 =	vadd.s32 v2, v3;
	v3 =	vsel vm1, v4, v6;
	[tilespmem:v4+s9+$0x0] =	vst.idx.msk vm1, v5  }
.LBB2_5:
0x25: {  	p0 =	sne.s32 s15, $0x1FF0;
	[tilespmem:s14+$0x0] =	vst v3;
	s13 =	sadd.s32 $0x10, s13;
	s14 =	sadd.s32 $0x10, s14;
	v3 =	vmov v2  }
0x26: {  	s16 =	smov.u32 s15;
	s15 =	sadd.s32 $0x10, s15;
	v4 =	vld [tilespmem:s13+$0x0];
	_ =	sdelay $0x4  }
0x27: {  	vm0 =	vgt.f32 v4, $0.0e+00  }
0x28: {  	v4 =	vsel vm0, $0x1, v1;
	v5 =	vmpcnt.ones.xlane vm0  }
0x29: {  	(xrf0) =	vadd.scan.msk.s32 $0xffff, v4  }
0x2a: {  	v2 =	vadd.s32 v2, v5;
	_ =	sdelay $0x4  }
0x2b: {  	v4, _, _ =	vpop (xrf0)  }
0x2c: {  	v3 =	vadd.s32 v4, v3  }
0x2d: {  	v4 =	vor.u32 s16, v0;
	v5 =	vadd.s32 $0xFFFFFFFF, v3  }
0x2e: {  	v3 =	vand.u32 $0xFF, v4;
	vm1 =	vlt.s32 v5, $0xE00  }
0x2f: {  	v3 =	vor.u32 $0xE00, v3;
	vm0 =	vmand vm0, vm1  }
0x30: {  	v3 =	vsel vm0, v5, v3  }
.Ltmp2:
0x31: {  	(pc) =	sbr.rel @p0 .LBB2_5-.Ltmp2, $2  }
0x32: {  	_ =	sdelay $0x2  }
0x33: {  	[tilespmem:v5+s9+$0x0] =	vst.idx.msk vm0, v4  }
0x34: {  	[tilespmem:s14+$0x0] =	vst v3  }
0x35: {  	[tilespmem:$0x4E00] =	vst v2  }
0x36: {  	[hbm4b:s4+s7] =	stream.linear.scatter [tilespmem:s9], [sflag:$0x1], $0xE00, $0x38;
	[tilespmem:$0x4E80] =	vst v63  }
0x37: {  	_ =	swait.ge [sflag:s8], $0xE00  }
0x38: {  	[sflag:s8] =	ssyncset.done $0x0  }
0x39: {  	[sflag:s8] =	ssyncadd.s32 $0xFFFFF200  }
0x3a: {  	[hbm4b:s5+s7] =	stream.linear.scatter [tilespmem:s10], [sflag:$0x1], $0x2000, $0x38;
	[tilespmem:$0x4E80] =	vst v63  }
0x3b: {  	s12 =	sadd.s32 $0x1, s12;
	_ =	swait.ge [sflag:s8], $0x2000  }
0x3c: {  	p0 =	sne.s32 s12, s6;
	[sflag:s8] =	ssyncset.done $0x0  }
.Ltmp3:
0x3d: {  	[sflag:s8] =	ssyncadd.s32 $0xFFFFE000;
	(pc) =	sbr.rel @p0 .LBB2_2-.Ltmp3, $4  }
0x3e: {  	[hbm4b:s3+s7] =	stream.linear.scatter [tilespmem:s11], [sflag:$0x1], $0x80, $0x38;
	[tilespmem:$0x4E80] =	vst v63  }
0x3f: {  	_ =	swait.ge [sflag:s8], $0x80  }
0x40: {  	[sflag:s8] =	ssyncset.done $0x0  }
0x41: {  	[sflag:s8] =	ssyncadd.s32 $0xFFFFFF80  }
.LBB2_7:
0x42: {  	_ =	sfence.sel $0x180000  }
0x43: {  	[bflag:$0x0] =	sbarrier.arrive $0xFFFF  }
0x44: {  	p0 =	sne.s32 s0, $0x0;
	_ =	strace $0x9000004D  }
0x45: {  	s0 =	sadd.s32 @!p0 $0x100000, s2;
	[bflag:$0x2] =	sbarrier.arrive $0xFFFF  }
0x46: {  	[sflag:s0] =	ssyncadd.tile.s32 @!p0 $0x1;
	_ =	shalt  }
.Lfunc_end2:
_tile_overlayer_lowered:
.L_overlay_start_2:
0x47: {  	(tag) =	ssettag $0x2  }
0x48: {  	s0 =	rddreg [dreg:$0x0];
	s2 =	stileid.u32  }
0x49: {  	s1 =	rddreg [dreg:$0x1];
	p0 =	sne.s32 s2, $0x0  }
0x4a: {  	s3 =	rddreg [dreg:$0x2];
	[bflag:$0x3] =	sbarrier.arrive $0xFFFF;
	s2 =	simm.s32 @!p0 $0x1C01  }
0x4b: {  	[timem:s3], [sflag:s2] =	dma.local @!p0 [hbm:s0], s1  }
0x4c: {  	s0 =	simm.s32 @!p0 $0x1  }
0x4d: {  	_ =	swait.ge @!p0 [sflag:s0], s1  }
0x4e: {  	s1 =	ssub.s32 @!p0 $0x0, s1;
	[sflag:s0] =	ssyncset.done @!p0 $0x0  }
0x4f: {  	[sflag:s0] =	ssyncadd.s32 @!p0 s1  }
0x50: {  	[bflag:$0x3] =	sbarrier.arrive $0xFFFF  }
0x51: {  	_ =	shalt  }

</sc_bundles>
